<compile_context>
chip_gen: v7x
topology: tpu7x:2x2x1
jax: 0.10.2.dev20260603
libtpu: 0.0.44.dev20260713+nightly
codegen_flags: <defaults>
</compile_context>

<pallas_src>
import functools

import jax
import jax.numpy as jnp
from jax import lax
from jax.experimental import pallas as pl
from jax.experimental.pallas import tpu as pltpu
from jax.experimental.pallas import tpu_sc as plsc

_NUM_CORES = 2
_NUM_SUBCORES = 16
_NUM_WORKERS = _NUM_CORES * _NUM_SUBCORES
_LANES = 16

_CHUNKS = (104, 96)
_BLK = 128
_NBUF = 4


def _pool(idx_flat, embed_table, B, CTX):
    V, D = embed_table.shape
    assert sum(_CHUNKS) == CTX
    offs = [sum(_CHUNKS[:j]) for j in range(len(_CHUNKS))]
    assert B % _NUM_WORKERS == 0
    b_per_w = B // _NUM_WORKERS
    assert D % _LANES == 0
    d_regs = D // _LANES

    mesh = plsc.VectorSubcoreMesh(
        core_axis_name="c",
        subcore_axis_name="s",
        num_cores=_NUM_CORES,
        num_subcores=_NUM_SUBCORES,
    )

    @functools.partial(
        pl.kernel,
        out_type=jax.ShapeDtypeStruct((B * D,), jnp.float32),
        mesh=mesh,
        scratch_types=[
            pltpu.VMEM((_BLK * CTX,), jnp.int32),
            pltpu.VMEM((_NBUF, CTX, D), jnp.float32),
            pltpu.VMEM((_BLK * D,), jnp.float32),
            [pltpu.SemaphoreType.DMA] * _NBUF,
        ],
        compiler_params=pltpu.CompilerParams(use_tc_tiling_on_sc=False),
    )
    def pool_kernel(idx_hbm, table_hbm, out_hbm, idx_v, rows_v, pooled_v,
                    sems):
        wid = lax.axis_index("s") * _NUM_CORES + lax.axis_index("c")
        base = wid * b_per_w
        n_blk = b_per_w // _BLK

        def issue(g, p):
            for o, n in zip(offs, _CHUNKS):
                pltpu.async_copy(
                    table_hbm.at[idx_v.at[pl.ds(g * CTX + o, n)]],
                    rows_v.at[p, pl.ds(o, n)],
                    sems[p],
                )

        def drain(g, p):
            for o, n in zip(offs, _CHUNKS):
                pltpu.make_async_copy(
                    table_hbm.at[idx_v.at[pl.ds(g * CTX + o, n)]],
                    rows_v.at[p, pl.ds(o, n)],
                    sems[p],
                ).wait()

        def accumulate(g, p):
            def body(r, carry):
                return tuple(
                    carry[c] + rows_v[p, r, pl.ds(c * _LANES, _LANES)]
                    for c in range(d_regs)
                )
            acc = lax.fori_loop(
                0, CTX, body,
                tuple(jnp.zeros((_LANES,), jnp.float32) for _ in range(d_regs)),
                unroll=4,
            )
            for c in range(d_regs):
                pooled_v[pl.ds(g * D + c * _LANES, _LANES)] = acc[c]

        assert _BLK % _NBUF == 0 and _BLK // _NBUF >= 2

        def block(k, carry):
            pltpu.sync_copy(
                idx_hbm.at[pl.ds((base + k * _BLK) * CTX, _BLK * CTX)], idx_v)
            for p in range(_NBUF):
                issue(p, p)

            def step(i, carry):
                for p in range(_NBUF):
                    g = i * _NBUF + p
                    drain(g, p)
                    accumulate(g, p)
                    issue(g + _NBUF, p)
                return carry

            lax.fori_loop(0, _BLK // _NBUF - 1, step, 0)

            for p in range(_NBUF):
                g = _BLK - _NBUF + p
                drain(g, p)
                accumulate(g, p)

            pltpu.sync_copy(
                pooled_v,
                out_hbm.at[pl.ds((base + k * _BLK) * D, _BLK * D)])
            return carry

        lax.fori_loop(0, n_blk, block, 0)

    return pool_kernel(idx_flat, embed_table).reshape(B, D)


def _linear(pooled, linear_w, linear_b):
    B, D = pooled.shape
    N = linear_w.shape[0]
    N_pad = (N + 127) // 128 * 128
    wt = jnp.pad(linear_w, ((0, N_pad - N), (0, 0))).T
    bias = jnp.pad(linear_b, (0, N_pad - N)).reshape(1, N_pad)

    BM = 1024

    def mm_body(x_ref, w_ref, b_ref, o_ref):
        o_ref[...] = (
            jnp.dot(x_ref[...], w_ref[...], preferred_element_type=jnp.float32)
            + b_ref[...]
        )

    out = pl.pallas_call(
        mm_body,
        grid=(B // BM,),
        in_specs=[
            pl.BlockSpec((BM, D), lambda i: (i, 0)),
            pl.BlockSpec((D, N_pad), lambda i: (0, 0)),
            pl.BlockSpec((1, N_pad), lambda i: (0, 0)),
        ],
        out_specs=pl.BlockSpec((BM, N_pad), lambda i: (i, 0)),
        out_shape=jax.ShapeDtypeStruct((B, N_pad), jnp.float32),
    )(pooled, wt, bias)
    return out[:, :N]


def kernel(inputs, embed_table, linear_w, linear_b):
    inputs = inputs.astype(jnp.int32)
    B, CTX = inputs.shape
    pooled = _pool(inputs.reshape(-1), embed_table, B, CTX)
    return _linear(pooled, linear_w, linear_b)

# --- scband reference (transcript-rebuilt; emitter-appended) ---
"""Pipeline reference for scband-cbow-75204877353781 (READ-ONLY COPY).

The authoritative reference and input builder live on the scoring server;
editing this copy changes nothing except your own understanding.
"""

import jax, jax.numpy as jnp
import numpy as np

VOCAB = 1000000
EMBED_DIM = 64
N_CLASSES = 1000
BATCH = 16384
CTX = 200


def setup_inputs(seed: int = 0) -> dict:
    key = jax.random.key(seed)
    k_idx, k_emb, k_w, k_b = jax.random.split(key, 4)
    inputs = jax.random.randint(k_idx, (BATCH, CTX), 0, VOCAB, dtype=jnp.int64 if jax.config.jax_enable_x64 else jnp.int32)
    embed_table = jax.random.normal(k_emb, (VOCAB, EMBED_DIM), dtype=jnp.float32) * 0.02
    linear_w = jax.random.normal(k_w, (N_CLASSES, EMBED_DIM), dtype=jnp.float32) * 0.02
    linear_b = jnp.zeros((N_CLASSES,), dtype=jnp.float32)
    return {"inputs": inputs, "embed_table": embed_table, "linear_w": linear_w, "linear_b": linear_b}


def reference(inputs, embed_table, linear_w, linear_b):
    # nn.Embedding: gather rows of the table
    embeds = jnp.take(embed_table, inputs, axis=0)  # [B, CTX, D]
    # sum over the context dimension (dim=1)
    summed = embeds.sum(axis=1)  # [B, D]
    # nn.Linear: x @ W^T + b
    logits = summed @ linear_w.T + linear_b  # [B, n_classes]
    return logits

if __name__ == "__main__":
    import jax
    _d = setup_inputs()
    print(jax.jit(kernel)(*tuple(_d.values())))

</pallas_src>

<mosaic_0001>
#map = affine_map<(d0, d1) -> (0)>
#map1 = affine_map<(d0, d1) -> (0, 0)>
module attributes {stable_mosaic.version = 14 : i64} {
  func.func @pool_kernel(%arg0: i32, %arg1: i32, %arg2: memref<3276800xi32, #tpu.memory_space<hbm>>, %arg3: memref<1000000x64xf32, #tpu.memory_space<hbm>>, %arg4: memref<1048576xf32, #tpu.memory_space<hbm>>, %arg5: memref<25600xi32, #tpu.memory_space<vmem>>, %arg6: memref<4x200x64xf32, #tpu.memory_space<vmem>>, %arg7: memref<8192xf32, #tpu.memory_space<vmem>>, %arg8: memref<!tpu.dma_semaphore, #tpu.memory_space<semaphore_mem>>, %arg9: memref<!tpu.dma_semaphore, #tpu.memory_space<semaphore_mem>>, %arg10: memref<!tpu.dma_semaphore, #tpu.memory_space<semaphore_mem>>, %arg11: memref<!tpu.dma_semaphore, #tpu.memory_space<semaphore_mem>>) attributes {dimension_semantics = [#tpu.dimension_semantics<core_parallel>, #tpu.dimension_semantics<subcore_parallel>], iteration_bounds = array<i64: 2, 16>, scalar_prefetch = 0 : i64, scratch_operands = 7 : i64, tpu.core_type = #tpu.core_type<sc_vector_subcore>, window_params = [{transform_indices = #map}, {transform_indices = #map1}, {transform_indices = #map}]} {
    %mul3A = arith.constant 2 : i32
    %mul3A_0 = arith.muli %arg1, %mul3A : i32
    %add3A = arith.addi %mul3A_0, %arg0 : i32
    %mul3A_1 = arith.constant 512 : i32
    %mul3A_2 = arith.muli %add3A, %mul3A_1 : i32
    %scan3A = arith.constant 0 : i32
    %scan3A_3 = arith.constant 0 : i32
    %scan3A_4 = arith.constant 4 : i32
    %scan3A_5 = arith.addi %scan3A_3, %scan3A_4 : i32
    %scan3A_6 = arith.constant 1 : i32
    scf.for %scan3A_8 = %scan3A_3 to %scan3A_5 step %scan3A_6  : i32 {
      %mul3A_9 = arith.constant 128 : i32
      %mul3A_10 = arith.muli %scan3A_8, %mul3A_9 : i32
      %add3A_11 = arith.addi %mul3A_2, %mul3A_10 : i32
      %mul3A_12 = arith.constant 200 : i32
      %mul3A_13 = arith.muli %add3A_11, %mul3A_12 : i32
      "tpu.region"() ({
        %run_scoped3A = tpu.sem_alloc : memref<!tpu.dma_semaphore, #tpu.memory_space<semaphore_mem>>
        %dma_start3A_301 = tpu.memref_slice %arg2[%mul3A_13] : memref<3276800xi32, #tpu.memory_space<hbm>> -> memref<25600xi32, #tpu.memory_space<hbm>>
        %dma_start3A_302 = tpu.memref_slice %arg2[%mul3A_13] : memref<3276800xi32, #tpu.memory_space<hbm>> -> memref<25600xi32, #tpu.memory_space<hbm>>
        tpu.enqueue_dma source(%dma_start3A_302 : memref<25600xi32, #tpu.memory_space<hbm>>) target(%arg5 : memref<25600xi32, #tpu.memory_space<vmem>>) target_semaphore(%run_scoped3A : memref<!tpu.dma_semaphore, #tpu.memory_space<semaphore_mem>>)
        %dma_wait3A_303 = tpu.memref_slice %arg2[%mul3A_13] : memref<3276800xi32, #tpu.memory_space<hbm>> -> memref<25600xi32, #tpu.memory_space<hbm>>
        %dma_wait3A_304 = tpu.memref_slice %arg2[%mul3A_13] : memref<3276800xi32, #tpu.memory_space<hbm>> -> memref<25600xi32, #tpu.memory_space<hbm>>
        tpu.wait_dma2 semaphore(%run_scoped3A : memref<!tpu.dma_semaphore, #tpu.memory_space<semaphore_mem>>) src(%dma_wait3A_304 : memref<25600xi32, #tpu.memory_space<hbm>>) dst(%arg5 : memref<25600xi32, #tpu.memory_space<vmem>>)
        tpu.yield
      }) : () -> ()
      %dma_start3A = arith.constant 0 : i32
      %dma_start3A_14 = arith.constant 0 : i32
      %dma_start3A_15 = arith.constant 0 : i32
      %dma_start3A_16 = tpu.memref_slice %arg6[%dma_start3A, %dma_start3A_14, %dma_start3A_15] : memref<4x200x64xf32, #tpu.memory_space<vmem>> -> memref<1x104x64xf32, #tpu.memory_space<vmem>>
      %dma_start3A_17 = tpu.memref_squeeze %dma_start3A_16 : memref<1x104x64xf32, #tpu.memory_space<vmem>> -> memref<104x64xf32, #tpu.memory_space<vmem>>
      %dma_start3A_18 = arith.constant 0 : i32
      %dma_start3A_19 = tpu.memref_slice %arg5[%dma_start3A_18] : memref<25600xi32, #tpu.memory_space<vmem>> -> memref<104xi32, #tpu.memory_space<vmem>>
      %dma_start3A_20 = arith.constant 0 : i32
      %dma_start3A_21 = arith.constant 0 : i32
      %dma_start3A_22 = tpu.memref_slice %arg3[%dma_start3A_20, %dma_start3A_21] : memref<1000000x64xf32, #tpu.memory_space<hbm>> -> memref<1000000x64xf32, #tpu.memory_space<hbm>>
      tpu.enqueue_indirect_dma source(%dma_start3A_22 : memref<1000000x64xf32, #tpu.memory_space<hbm>>) target(%dma_start3A_17 : memref<104x64xf32, #tpu.memory_space<vmem>>) offsets(%dma_start3A_19 : memref<104xi32, #tpu.memory_space<vmem>>) semaphore(%arg8 : memref<!tpu.dma_semaphore, #tpu.memory_space<semaphore_mem>>)
      %dma_start3A_23 = arith.constant 0 : i32
      %dma_start3A_24 = arith.constant 104 : i32
      %dma_start3A_25 = arith.constant 0 : i32
      %dma_start3A_26 = tpu.memref_slice %arg6[%dma_start3A_23, %dma_start3A_24, %dma_start3A_25] : memref<4x200x64xf32, #tpu.memory_space<vmem>> -> memref<1x96x64xf32, #tpu.memory_space<vmem>>
      %dma_start3A_27 = tpu.memref_squeeze %dma_start3A_26 : memref<1x96x64xf32, #tpu.memory_space<vmem>> -> memref<96x64xf32, #tpu.memory_space<vmem>>
      %dma_start3A_28 = arith.constant 104 : i32
      %dma_start3A_29 = tpu.memref_slice %arg5[%dma_start3A_28] : memref<25600xi32, #tpu.memory_space<vmem>> -> memref<96xi32, #tpu.memory_space<vmem>>
      %dma_start3A_30 = arith.constant 0 : i32
      %dma_start3A_31 = arith.constant 0 : i32
      %dma_start3A_32 = tpu.memref_slice %arg3[%dma_start3A_30, %dma_start3A_31] : memref<1000000x64xf32, #tpu.memory_space<hbm>> -> memref<1000000x64xf32, #tpu.memory_space<hbm>>
      tpu.enqueue_indirect_dma source(%dma_start3A_32 : memref<1000000x64xf32, #tpu.memory_space<hbm>>) target(%dma_start3A_27 : memref<96x64xf32, #tpu.memory_space<vmem>>) offsets(%dma_start3A_29 : memref<96xi32, #tpu.memory_space<vmem>>) semaphore(%arg8 : memref<!tpu.dma_semaphore, #tpu.memory_space<semaphore_mem>>)
      %dma_start3A_33 = arith.constant 1 : i32
      %dma_start3A_34 = arith.constant 0 : i32
      %dma_start3A_35 = arith.constant 0 : i32
      %dma_start3A_36 = tpu.memref_slice %arg6[%dma_start3A_33, %dma_start3A_34, %dma_start3A_35] : memref<4x200x64xf32, #tpu.memory_space<vmem>> -> memref<1x104x64xf32, #tpu.memory_space<vmem>>
      %dma_start3A_37 = tpu.memref_squeeze %dma_start3A_36 : memref<1x104x64xf32, #tpu.memory_space<vmem>> -> memref<104x64xf32, #tpu.memory_space<vmem>>
      %dma_start3A_38 = arith.constant 200 : i32
      %dma_start3A_39 = tpu.memref_slice %arg5[%dma_start3A_38] : memref<25600xi32, #tpu.memory_space<vmem>> -> memref<104xi32, #tpu.memory_space<vmem>>
      %dma_start3A_40 = arith.constant 0 : i32
      %dma_start3A_41 = arith.constant 0 : i32
      %dma_start3A_42 = tpu.memref_slice %arg3[%dma_start3A_40, %dma_start3A_41] : memref<1000000x64xf32, #tpu.memory_space<hbm>> -> memref<1000000x64xf32, #tpu.memory_space<hbm>>
      tpu.enqueue_indirect_dma source(%dma_start3A_42 : memref<1000000x64xf32, #tpu.memory_space<hbm>>) target(%dma_start3A_37 : memref<104x64xf32, #tpu.memory_space<vmem>>) offsets(%dma_start3A_39 : memref<104xi32, #tpu.memory_space<vmem>>) semaphore(%arg9 : memref<!tpu.dma_semaphore, #tpu.memory_space<semaphore_mem>>)
      %dma_start3A_43 = arith.constant 1 : i32
      %dma_start3A_44 = arith.constant 104 : i32
      %dma_start3A_45 = arith.constant 0 : i32
      %dma_start3A_46 = tpu.memref_slice %arg6[%dma_start3A_43, %dma_start3A_44, %dma_start3A_45] : memref<4x200x64xf32, #tpu.memory_space<vmem>> -> memref<1x96x64xf32, #tpu.memory_space<vmem>>
      %dma_start3A_47 = tpu.memref_squeeze %dma_start3A_46 : memref<1x96x64xf32, #tpu.memory_space<vmem>> -> memref<96x64xf32, #tpu.memory_space<vmem>>
      %dma_start3A_48 = arith.constant 304 : i32
      %dma_start3A_49 = tpu.memref_slice %arg5[%dma_start3A_48] : memref<25600xi32, #tpu.memory_space<vmem>> -> memref<96xi32, #tpu.memory_space<vmem>>
      %dma_start3A_50 = arith.constant 0 : i32
      %dma_start3A_51 = arith.constant 0 : i32
      %dma_start3A_52 = tpu.memref_slice %arg3[%dma_start3A_50, %dma_start3A_51] : memref<1000000x64xf32, #tpu.memory_space<hbm>> -> memref<1000000x64xf32, #tpu.memory_space<hbm>>
      tpu.enqueue_indirect_dma source(%dma_start3A_52 : memref<1000000x64xf32, #tpu.memory_space<hbm>>) target(%dma_start3A_47 : memref<96x64xf32, #tpu.memory_space<vmem>>) offsets(%dma_start3A_49 : memref<96xi32, #tpu.memory_space<vmem>>) semaphore(%arg9 : memref<!tpu.dma_semaphore, #tpu.memory_space<semaphore_mem>>)
      %dma_start3A_53 = arith.constant 2 : i32
      %dma_start3A_54 = arith.constant 0 : i32
      %dma_start3A_55 = arith.constant 0 : i32
      %dma_start3A_56 = tpu.memref_slice %arg6[%dma_start3A_53, %dma_start3A_54, %dma_start3A_55] : memref<4x200x64xf32, #tpu.memory_space<vmem>> -> memref<1x104x64xf32, #tpu.memory_space<vmem>>
      %dma_start3A_57 = tpu.memref_squeeze %dma_start3A_56 : memref<1x104x64xf32, #tpu.memory_space<vmem>> -> memref<104x64xf32, #tpu.memory_space<vmem>>
      %dma_start3A_58 = arith.constant 400 : i32
      %dma_start3A_59 = tpu.memref_slice %arg5[%dma_start3A_58] : memref<25600xi32, #tpu.memory_space<vmem>> -> memref<104xi32, #tpu.memory_space<vmem>>
      %dma_start3A_60 = arith.constant 0 : i32
      %dma_start3A_61 = arith.constant 0 : i32
      %dma_start3A_62 = tpu.memref_slice %arg3[%dma_start3A_60, %dma_start3A_61] : memref<1000000x64xf32, #tpu.memory_space<hbm>> -> memref<1000000x64xf32, #tpu.memory_space<hbm>>
      tpu.enqueue_indirect_dma source(%dma_start3A_62 : memref<1000000x64xf32, #tpu.memory_space<hbm>>) target(%dma_start3A_57 : memref<104x64xf32, #tpu.memory_space<vmem>>) offsets(%dma_start3A_59 : memref<104xi32, #tpu.memory_space<vmem>>) semaphore(%arg10 : memref<!tpu.dma_semaphore, #tpu.memory_space<semaphore_mem>>)
      %dma_start3A_63 = arith.constant 2 : i32
      %dma_start3A_64 = arith.constant 104 : i32
      %dma_start3A_65 = arith.constant 0 : i32
      %dma_start3A_66 = tpu.memref_slice %arg6[%dma_start3A_63, %dma_start3A_64, %dma_start3A_65] : memref<4x200x64xf32, #tpu.memory_space<vmem>> -> memref<1x96x64xf32, #tpu.memory_space<vmem>>
      %dma_start3A_67 = tpu.memref_squeeze %dma_start3A_66 : memref<1x96x64xf32, #tpu.memory_space<vmem>> -> memref<96x64xf32, #tpu.memory_space<vmem>>
      %dma_start3A_68 = arith.constant 504 : i32
      %dma_start3A_69 = tpu.memref_slice %arg5[%dma_start3A_68] : memref<25600xi32, #tpu.memory_space<vmem>> -> memref<96xi32, #tpu.memory_space<vmem>>
      %dma_start3A_70 = arith.constant 0 : i32
      %dma_start3A_71 = arith.constant 0 : i32
      %dma_start3A_72 = tpu.memref_slice %arg3[%dma_start3A_70, %dma_start3A_71] : memref<1000000x64xf32, #tpu.memory_space<hbm>> -> memref<1000000x64xf32, #tpu.memory_space<hbm>>
      tpu.enqueue_indirect_dma source(%dma_start3A_72 : memref<1000000x64xf32, #tpu.memory_space<hbm>>) target(%dma_start3A_67 : memref<96x64xf32, #tpu.memory_space<vmem>>) offsets(%dma_start3A_69 : memref<96xi32, #tpu.memory_space<vmem>>) semaphore(%arg10 : memref<!tpu.dma_semaphore, #tpu.memory_space<semaphore_mem>>)
      %dma_start3A_73 = arith.constant 3 : i32
      %dma_start3A_74 = arith.constant 0 : i32
      %dma_start3A_75 = arith.constant 0 : i32
      %dma_start3A_76 = tpu.memref_slice %arg6[%dma_start3A_73, %dma_start3A_74, %dma_start3A_75] : memref<4x200x64xf32, #tpu.memory_space<vmem>> -> memref<1x104x64xf32, #tpu.memory_space<vmem>>
      %dma_start3A_77 = tpu.memref_squeeze %dma_start3A_76 : memref<1x104x64xf32, #tpu.memory_space<vmem>> -> memref<104x64xf32, #tpu.memory_space<vmem>>
      %dma_start3A_78 = arith.constant 600 : i32
      %dma_start3A_79 = tpu.memref_slice %arg5[%dma_start3A_78] : memref<25600xi32, #tpu.memory_space<vmem>> -> memref<104xi32, #tpu.memory_space<vmem>>
      %dma_start3A_80 = arith.constant 0 : i32
      %dma_start3A_81 = arith.constant 0 : i32
      %dma_start3A_82 = tpu.memref_slice %arg3[%dma_start3A_80, %dma_start3A_81] : memref<1000000x64xf32, #tpu.memory_space<hbm>> -> memref<1000000x64xf32, #tpu.memory_space<hbm>>
      tpu.enqueue_indirect_dma source(%dma_start3A_82 : memref<1000000x64xf32, #tpu.memory_space<hbm>>) target(%dma_start3A_77 : memref<104x64xf32, #tpu.memory_space<vmem>>) offsets(%dma_start3A_79 : memref<104xi32, #tpu.memory_space<vmem>>) semaphore(%arg11 : memref<!tpu.dma_semaphore, #tpu.memory_space<semaphore_mem>>)
      %dma_start3A_83 = arith.constant 3 : i32
      %dma_start3A_84 = arith.constant 104 : i32
      %dma_start3A_85 = arith.constant 0 : i32
      %dma_start3A_86 = tpu.memref_slice %arg6[%dma_start3A_83, %dma_start3A_84, %dma_start3A_85] : memref<4x200x64xf32, #tpu.memory_space<vmem>> -> memref<1x96x64xf32, #tpu.memory_space<vmem>>
      %dma_start3A_87 = tpu.memref_squeeze %dma_start3A_86 : memref<1x96x64xf32, #tpu.memory_space<vmem>> -> memref<96x64xf32, #tpu.memory_space<vmem>>
      %dma_start3A_88 = arith.constant 704 : i32
      %dma_start3A_89 = tpu.memref_slice %arg5[%dma_start3A_88] : memref<25600xi32, #tpu.memory_space<vmem>> -> memref<96xi32, #tpu.memory_space<vmem>>
      %dma_start3A_90 = arith.constant 0 : i32
      %dma_start3A_91 = arith.constant 0 : i32
      %dma_start3A_92 = tpu.memref_slice %arg3[%dma_start3A_90, %dma_start3A_91] : memref<1000000x64xf32, #tpu.memory_space<hbm>> -> memref<1000000x64xf32, #tpu.memory_space<hbm>>
      tpu.enqueue_indirect_dma source(%dma_start3A_92 : memref<1000000x64xf32, #tpu.memory_space<hbm>>) target(%dma_start3A_87 : memref<96x64xf32, #tpu.memory_space<vmem>>) offsets(%dma_start3A_89 : memref<96xi32, #tpu.memory_space<vmem>>) semaphore(%arg11 : memref<!tpu.dma_semaphore, #tpu.memory_space<semaphore_mem>>)
      %scan3A_93 = arith.constant 0 : i32
      %scan3A_94 = arith.constant 0 : i32
      %scan3A_95 = arith.constant 31 : i32
      %scan3A_96 = arith.addi %scan3A_94, %scan3A_95 : i32
      %scan3A_97 = arith.constant 1 : i32
      scf.for %scan3A_301 = %scan3A_94 to %scan3A_96 step %scan3A_97  : i32 {
        %mul3A_302 = arith.constant 4 : i32
        %mul3A_303 = arith.muli %scan3A_301, %mul3A_302 : i32
        %add3A_304 = arith.constant 0 : i32
        %add3A_305 = arith.addi %mul3A_303, %add3A_304 : i32
        %mul3A_306 = arith.constant 200 : i32
        %mul3A_307 = arith.muli %add3A_305, %mul3A_306 : i32
        %add3A_308 = arith.constant 0 : i32
        %add3A_309 = arith.addi %mul3A_307, %add3A_308 : i32
        %dma_wait3A_310 = arith.constant 0 : i32
        %dma_wait3A_311 = arith.constant 0 : i32
        %dma_wait3A_312 = arith.constant 0 : i32
        %dma_wait3A_313 = tpu.memref_slice %arg6[%dma_wait3A_310, %dma_wait3A_311, %dma_wait3A_312] : memref<4x200x64xf32, #tpu.memory_space<vmem>> -> memref<1x104x64xf32, #tpu.memory_space<vmem>>
        %dma_wait3A_314 = tpu.memref_squeeze %dma_wait3A_313 : memref<1x104x64xf32, #tpu.memory_space<vmem>> -> memref<104x64xf32, #tpu.memory_space<vmem>>
        %dma_wait3A_315 = tpu.memref_slice %arg5[%add3A_309] : memref<25600xi32, #tpu.memory_space<vmem>> -> memref<104xi32, #tpu.memory_space<vmem>>
        %dma_wait3A_316 = arith.constant 0 : i32
        %dma_wait3A_317 = arith.constant 0 : i32
        %dma_wait3A_318 = tpu.memref_slice %arg3[%dma_wait3A_316, %dma_wait3A_317] : memref<1000000x64xf32, #tpu.memory_space<hbm>> -> memref<1000000x64xf32, #tpu.memory_space<hbm>>
        tpu.wait_indirect_dma semaphore(%arg8 : memref<!tpu.dma_semaphore, #tpu.memory_space<semaphore_mem>>) src(%dma_wait3A_318 : memref<1000000x64xf32, #tpu.memory_space<hbm>>) dst(%dma_wait3A_314 : memref<104x64xf32, #tpu.memory_space<vmem>>)
        %mul3A_319 = arith.constant 200 : i32
        %mul3A_320 = arith.muli %add3A_305, %mul3A_319 : i32
        %add3A_321 = arith.constant 104 : i32
        %add3A_322 = arith.addi %mul3A_320, %add3A_321 : i32
        %dma_wait3A_323 = arith.constant 0 : i32
        %dma_wait3A_324 = arith.constant 104 : i32
        %dma_wait3A_325 = arith.constant 0 : i32
        %dma_wait3A_326 = tpu.memref_slice %arg6[%dma_wait3A_323, %dma_wait3A_324, %dma_wait3A_325] : memref<4x200x64xf32, #tpu.memory_space<vmem>> -> memref<1x96x64xf32, #tpu.memory_space<vmem>>
        %dma_wait3A_327 = tpu.memref_squeeze %dma_wait3A_326 : memref<1x96x64xf32, #tpu.memory_space<vmem>> -> memref<96x64xf32, #tpu.memory_space<vmem>>
        %dma_wait3A_328 = tpu.memref_slice %arg5[%add3A_322] : memref<25600xi32, #tpu.memory_space<vmem>> -> memref<96xi32, #tpu.memory_space<vmem>>
        %dma_wait3A_329 = arith.constant 0 : i32
        %dma_wait3A_330 = arith.constant 0 : i32
        %dma_wait3A_331 = tpu.memref_slice %arg3[%dma_wait3A_329, %dma_wait3A_330] : memref<1000000x64xf32, #tpu.memory_space<hbm>> -> memref<1000000x64xf32, #tpu.memory_space<hbm>>
        tpu.wait_indirect_dma semaphore(%arg8 : memref<!tpu.dma_semaphore, #tpu.memory_space<semaphore_mem>>) src(%dma_wait3A_331 : memref<1000000x64xf32, #tpu.memory_space<hbm>>) dst(%dma_wait3A_327 : memref<96x64xf32, #tpu.memory_space<vmem>>)
        %broadcast_in_dim3A_332 = arith.constant 0.000000e+00 : f32
        %broadcast_in_dim3A_333 = vector.broadcast %broadcast_in_dim3A_332 : f32 to vector<16xf32>
        %broadcast_in_dim3A_334 = arith.constant 0.000000e+00 : f32
        %broadcast_in_dim3A_335 = vector.broadcast %broadcast_in_dim3A_334 : f32 to vector<16xf32>
        %broadcast_in_dim3A_336 = arith.constant 0.000000e+00 : f32
        %broadcast_in_dim3A_337 = vector.broadcast %broadcast_in_dim3A_336 : f32 to vector<16xf32>
        %broadcast_in_dim3A_338 = arith.constant 0.000000e+00 : f32
        %broadcast_in_dim3A_339 = vector.broadcast %broadcast_in_dim3A_338 : f32 to vector<16xf32>
        %scan3A_340 = arith.constant 0 : i32
        %scan3A_341 = arith.constant 200 : i32
        %scan3A_342 = arith.addi %scan3A_340, %scan3A_341 : i32
        %scan3A_343 = arith.constant 4 : i32
        %scan3A_344:4 = scf.for %scan3A_718 = %scan3A_340 to %scan3A_342 step %scan3A_343 iter_args(%scan3A_719 = %broadcast_in_dim3A_333, %scan3A_720 = %broadcast_in_dim3A_335, %scan3A_721 = %broadcast_in_dim3A_337, %scan3A_722 = %broadcast_in_dim3A_339) -> (vector<16xf32>, vector<16xf32>, vector<16xf32>, vector<16xf32>)  : i32 {
          %get3A = arith.constant 0 : i32
          %get3A_723 = arith.index_cast %get3A : i32 to index
          %get3A_724 = arith.index_cast %scan3A_718 : i32 to index
          %get3A_725 = arith.constant 0 : index
          %get3A_726 = tpu.vector_load %arg6[%get3A_723, %get3A_724, %get3A_725] {strides = array<i32>} : memref<4x200x64xf32, #tpu.memory_space<vmem>>, vector<1x1x16xf32>,
          %get3A_727 = vector.shape_cast %get3A_726 : vector<1x1x16xf32> to vector<16xf32>
          %add3A_728 = arith.addf %scan3A_719, %get3A_727 : vector<16xf32>
          %get3A_729 = arith.constant 0 : i32
          %get3A_730 = arith.index_cast %get3A_729 : i32 to index
          %get3A_731 = arith.index_cast %scan3A_718 : i32 to index
          %get3A_732 = arith.constant 16 : index
          %get3A_733 = tpu.vector_load %arg6[%get3A_730, %get3A_731, %get3A_732] {strides = array<i32>} : memref<4x200x64xf32, #tpu.memory_space<vmem>>, vector<1x1x16xf32>,
          %get3A_734 = vector.shape_cast %get3A_733 : vector<1x1x16xf32> to vector<16xf32>
          %add3A_735 = arith.addf %scan3A_720, %get3A_734 : vector<16xf32>
          %get3A_736 = arith.constant 0 : i32
          %get3A_737 = arith.index_cast %get3A_736 : i32 to index
          %get3A_738 = arith.index_cast %scan3A_718 : i32 to index
          %get3A_739 = arith.constant 32 : index
          %get3A_740 = tpu.vector_load %arg6[%get3A_737, %get3A_738, %get3A_739] {strides = array<i32>} : memref<4x200x64xf32, #tpu.memory_space<vmem>>, vector<1x1x16xf32>,
          %get3A_741 = vector.shape_cast %get3A_740 : vector<1x1x16xf32> to vector<16xf32>
          %add3A_742 = arith.addf %scan3A_721, %get3A_741 : vector<16xf32>
          %get3A_743 = arith.constant 0 : i32
          %get3A_744 = arith.index_cast %get3A_743 : i32 to index
          %get3A_745 = arith.index_cast %scan3A_718 : i32 to index
          %get3A_746 = arith.constant 48 : index
          %get3A_747 = tpu.vector_load %arg6[%get3A_744, %get3A_745, %get3A_746] {strides = array<i32>} : memref<4x200x64xf32, #tpu.memory_space<vmem>>, vector<1x1x16xf32>,
          %get3A_748 = vector.shape_cast %get3A_747 : vector<1x1x16xf32> to vector<16xf32>
          %add3A_749 = arith.addf %scan3A_722, %get3A_748 : vector<16xf32>
          %scan3A_750 = arith.constant 1 : i32
          %scan3A_751 = arith.addi %scan3A_718, %scan3A_750 : i32
          %get3A_752 = arith.constant 0 : i32
          %get3A_753 = arith.index_cast %get3A_752 : i32 to index
          %get3A_754 = arith.index_cast %scan3A_751 : i32 to index
          %get3A_755 = arith.constant 0 : index
          %get3A_756 = tpu.vector_load %arg6[%get3A_753, %get3A_754, %get3A_755] {strides = array<i32>} : memref<4x200x64xf32, #tpu.memory_space<vmem>>, vector<1x1x16xf32>,
          %get3A_757 = vector.shape_cast %get3A_756 : vector<1x1x16xf32> to vector<16xf32>
          %add3A_758 = arith.addf %add3A_728, %get3A_757 : vector<16xf32>
          %get3A_759 = arith.constant 0 : i32
          %get3A_760 = arith.index_cast %get3A_759 : i32 to index
          %get3A_761 = arith.index_cast %scan3A_751 : i32 to index
          %get3A_762 = arith.constant 16 : index
          %get3A_763 = tpu.vector_load %arg6[%get3A_760, %get3A_761, %get3A_762] {strides = array<i32>} : memref<4x200x64xf32, #tpu.memory_space<vmem>>, vector<1x1x16xf32>,
          %get3A_764 = vector.shape_cast %get3A_763 : vector<1x1x16xf32> to vector<16xf32>
          %add3A_765 = arith.addf %add3A_735, %get3A_764 : vector<16xf32>
          %get3A_766 = arith.constant 0 : i32
          %get3A_767 = arith.index_cast %get3A_766 : i32 to index
          %get3A_768 = arith.index_cast %scan3A_751 : i32 to index
          %get3A_769 = arith.constant 32 : index
          %get3A_770 = tpu.vector_load %arg6[%get3A_767, %get3A_768, %get3A_769] {strides = array<i32>} : memref<4x200x64xf32, #tpu.memory_space<vmem>>, vector<1x1x16xf32>,
          %get3A_771 = vector.shape_cast %get3A_770 : vector<1x1x16xf32> to vector<16xf32>
          %add3A_772 = arith.addf %add3A_742, %get3A_771 : vector<16xf32>
          %get3A_773 = arith.constant 0 : i32
          %get3A_774 = arith.index_cast %get3A_773 : i32 to index
          %get3A_775 = arith.index_cast %scan3A_751 : i32 to index
          %get3A_776 = arith.constant 48 : index
          %get3A_777 = tpu.vector_load %arg6[%get3A_774, %get3A_775, %get3A_776] {strides = array<i32>} : memref<4x200x64xf32, #tpu.memory_space<vmem>>, vector<1x1x16xf32>,
          %get3A_778 = vector.shape_cast %get3A_777 : vector<1x1x16xf32> to vector<16xf32>
          %add3A_779 = arith.addf %add3A_749, %get3A_778 : vector<16xf32>
          %scan3A_780 = arith.constant 2 : i32
          %scan3A_781 = arith.addi %scan3A_718, %scan3A_780 : i32
          %get3A_782 = arith.constant 0 : i32
          %get3A_783 = arith.index_cast %get3A_782 : i32 to index
          %get3A_784 = arith.index_cast %scan3A_781 : i32 to index
          %get3A_785 = arith.constant 0 : index
          %get3A_786 = tpu.vector_load %arg6[%get3A_783, %get3A_784, %get3A_785] {strides = array<i32>} : memref<4x200x64xf32, #tpu.memory_space<vmem>>, vector<1x1x16xf32>,
          %get3A_787 = vector.shape_cast %get3A_786 : vector<1x1x16xf32> to vector<16xf32>
          %add3A_788 = arith.addf %add3A_758, %get3A_787 : vector<16xf32>
          %get3A_789 = arith.constant 0 : i32
          %get3A_790 = arith.index_cast %get3A_789 : i32 to index
          %get3A_791 = arith.index_cast %scan3A_781 : i32 to index
          %get3A_792 = arith.constant 16 : index
          %get3A_793 = tpu.vector_load %arg6[%get3A_790, %get3A_791, %get3A_792] {strides = array<i32>} : memref<4x200x64xf32, #tpu.memory_space<vmem>>, vector<1x1x16xf32>,
          %get3A_794 = vector.shape_cast %get3A_793 : vector<1x1x16xf32> to vector<16xf32>
          %add3A_795 = arith.addf %add3A_765, %get3A_794 : vector<16xf32>
          %get3A_796 = arith.constant 0 : i32
          %get3A_797 = arith.index_cast %get3A_796 : i32 to index
          %get3A_798 = arith.index_cast %scan3A_781 : i32 to index
          %get3A_799 = arith.constant 32 : index
          %get3A_800 = tpu.vector_load %arg6[%get3A_797, %get3A_798, %get3A_799] {strides = array<i32>} : memref<4x200x64xf32, #tpu.memory_space<vmem>>, vector<1x1x16xf32>,
          %get3A_801 = vector.shape_cast %get3A_800 : vector<1x1x16xf32> to vector<16xf32>
          %add3A_802 = arith.addf %add3A_772, %get3A_801 : vector<16xf32>
          %get3A_803 = arith.constant 0 : i32
          %get3A_804 = arith.index_cast %get3A_803 : i32 to index
          %get3A_805 = arith.index_cast %scan3A_781 : i32 to index
          %get3A_806 = arith.constant 48 : index
          %get3A_807 = tpu.vector_load %arg6[%get3A_804, %get3A_805, %get3A_806] {strides = array<i32>} : memref<4x200x64xf32, #tpu.memory_space<vmem>>, vector<1x1x16xf32>,
          %get3A_808 = vector.shape_cast %get3A_807 : vector<1x1x16xf32> to vector<16xf32>
          %add3A_809 = arith.addf %add3A_779, %get3A_808 : vector<16xf32>
          %scan3A_810 = arith.constant 3 : i32
          %scan3A_811 = arith.addi %scan3A_718, %scan3A_810 : i32
          %get3A_812 = arith.constant 0 : i32
          %get3A_813 = arith.index_cast %get3A_812 : i32 to index
          %get3A_814 = arith.index_cast %scan3A_811 : i32 to index
          %get3A_815 = arith.constant 0 : index
          %get3A_816 = tpu.vector_load %arg6[%get3A_813, %get3A_814, %get3A_815] {strides = array<i32>} : memref<4x200x64xf32, #tpu.memory_space<vmem>>, vector<1x1x16xf32>,
          %get3A_817 = vector.shape_cast %get3A_816 : vector<1x1x16xf32> to vector<16xf32>
          %add3A_818 = arith.addf %add3A_788, %get3A_817 : vector<16xf32>
          %get3A_819 = arith.constant 0 : i32
          %get3A_820 = arith.index_cast %get3A_819 : i32 to index
          %get3A_821 = arith.index_cast %scan3A_811 : i32 to index
          %get3A_822 = arith.constant 16 : index
          %get3A_823 = tpu.vector_load %arg6[%get3A_820, %get3A_821, %get3A_822] {strides = array<i32>} : memref<4x200x64xf32, #tpu.memory_space<vmem>>, vector<1x1x16xf32>,
          %get3A_824 = vector.shape_cast %get3A_823 : vector<1x1x16xf32> to vector<16xf32>
          %add3A_825 = arith.addf %add3A_795, %get3A_824 : vector<16xf32>
          %get3A_826 = arith.constant 0 : i32
          %get3A_827 = arith.index_cast %get3A_826 : i32 to index
          %get3A_828 = arith.index_cast %scan3A_811 : i32 to index
          %get3A_829 = arith.constant 32 : index
          %get3A_830 = tpu.vector_load %arg6[%get3A_827, %get3A_828, %get3A_829] {strides = array<i32>} : memref<4x200x64xf32, #tpu.memory_space<vmem>>, vector<1x1x16xf32>,
          %get3A_831 = vector.shape_cast %get3A_830 : vector<1x1x16xf32> to vector<16xf32>
          %add3A_832 = arith.addf %add3A_802, %get3A_831 : vector<16xf32>
          %get3A_833 = arith.constant 0 : i32
          %get3A_834 = arith.index_cast %get3A_833 : i32 to index
          %get3A_835 = arith.index_cast %scan3A_811 : i32 to index
          %get3A_836 = arith.constant 48 : index
          %get3A_837 = tpu.vector_load %arg6[%get3A_834, %get3A_835, %get3A_836] {strides = array<i32>} : memref<4x200x64xf32, #tpu.memory_space<vmem>>, vector<1x1x16xf32>,
          %get3A_838 = vector.shape_cast %get3A_837 : vector<1x1x16xf32> to vector<16xf32>
          %add3A_839 = arith.addf %add3A_809, %get3A_838 : vector<16xf32>
          scf.yield %add3A_818, %add3A_825, %add3A_832, %add3A_839 : vector<16xf32>, vector<16xf32>, vector<16xf32>, vector<16xf32>
        }
        %scan3A_345 = arith.constant 200 : i32
        %mul3A_346 = arith.constant 64 : i32
        %mul3A_347 = arith.muli %add3A_305, %mul3A_346 : i32
        %add3A_348 = arith.constant 0 : i32
        %add3A_349 = arith.addi %mul3A_347, %add3A_348 : i32
        %swap3A_350 = arith.index_cast %add3A_349 : i32 to index
        %swap3A_351 = tpu.vector_load %arg7[%swap3A_350] {strides = array<i32>} : memref<8192xf32, #tpu.memory_space<vmem>>, vector<16xf32>,
        %swap3A_352 = vector.shape_cast %swap3A_351 : vector<16xf32> to vector<16xf32>
        %swap3A_353 = vector.shape_cast %scan3A_344#0 : vector<16xf32> to vector<16xf32>
        tpu.vector_store %arg7[%swap3A_350], %swap3A_353 {strides = array<i32>} : memref<8192xf32, #tpu.memory_space<vmem>>, vector<16xf32>,
        %mul3A_354 = arith.constant 64 : i32
        %mul3A_355 = arith.muli %add3A_305, %mul3A_354 : i32
        %add3A_356 = arith.constant 16 : i32
        %add3A_357 = arith.addi %mul3A_355, %add3A_356 : i32
        %swap3A_358 = arith.index_cast %add3A_357 : i32 to index
        %swap3A_359 = tpu.vector_load %arg7[%swap3A_358] {strides = array<i32>} : memref<8192xf32, #tpu.memory_space<vmem>>, vector<16xf32>,
        %swap3A_360 = vector.shape_cast %swap3A_359 : vector<16xf32> to vector<16xf32>
        %swap3A_361 = vector.shape_cast %scan3A_344#1 : vector<16xf32> to vector<16xf32>
        tpu.vector_store %arg7[%swap3A_358], %swap3A_361 {strides = array<i32>} : memref<8192xf32, #tpu.memory_space<vmem>>, vector<16xf32>,
        %mul3A_362 = arith.constant 64 : i32
        %mul3A_363 = arith.muli %add3A_305, %mul3A_362 : i32
        %add3A_364 = arith.constant 32 : i32
        %add3A_365 = arith.addi %mul3A_363, %add3A_364 : i32
        %swap3A_366 = arith.index_cast %add3A_365 : i32 to index
        %swap3A_367 = tpu.vector_load %arg7[%swap3A_366] {strides = array<i32>} : memref<8192xf32, #tpu.memory_space<vmem>>, vector<16xf32>,
        %swap3A_368 = vector.shape_cast %swap3A_367 : vector<16xf32> to vector<16xf32>
        %swap3A_369 = vector.shape_cast %scan3A_344#2 : vector<16xf32> to vector<16xf32>
        tpu.vector_store %arg7[%swap3A_366], %swap3A_369 {strides = array<i32>} : memref<8192xf32, #tpu.memory_space<vmem>>, vector<16xf32>,
        %mul3A_370 = arith.constant 64 : i32
        %mul3A_371 = arith.muli %add3A_305, %mul3A_370 : i32
        %add3A_372 = arith.constant 48 : i32
        %add3A_373 = arith.addi %mul3A_371, %add3A_372 : i32
        %swap3A_374 = arith.index_cast %add3A_373 : i32 to index
        %swap3A_375 = tpu.vector_load %arg7[%swap3A_374] {strides = array<i32>} : memref<8192xf32, #tpu.memory_space<vmem>>, vector<16xf32>,
        %swap3A_376 = vector.shape_cast %swap3A_375 : vector<16xf32> to vector<16xf32>
        %swap3A_377 = vector.shape_cast %scan3A_344#3 : vector<16xf32> to vector<16xf32>
        tpu.vector_store %arg7[%swap3A_374], %swap3A_377 {strides = array<i32>} : memref<8192xf32, #tpu.memory_space<vmem>>, vector<16xf32>,
        %add3A_378 = arith.constant 4 : i32
        %add3A_379 = arith.addi %add3A_305, %add3A_378 : i32
        %mul3A_380 = arith.constant 200 : i32
        %mul3A_381 = arith.muli %add3A_379, %mul3A_380 : i32
        %add3A_382 = arith.constant 0 : i32
        %add3A_383 = arith.addi %mul3A_381, %add3A_382 : i32
        %dma_start3A_384 = arith.constant 0 : i32
        %dma_start3A_385 = arith.constant 0 : i32
        %dma_start3A_386 = arith.constant 0 : i32
        %dma_start3A_387 = tpu.memref_slice %arg6[%dma_start3A_384, %dma_start3A_385, %dma_start3A_386] : memref<4x200x64xf32, #tpu.memory_space<vmem>> -> memref<1x104x64xf32, #tpu.memory_space<vmem>>
        %dma_start3A_388 = tpu.memref_squeeze %dma_start3A_387 : memref<1x104x64xf32, #tpu.memory_space<vmem>> -> memref<104x64xf32, #tpu.memory_space<vmem>>
        %dma_start3A_389 = tpu.memref_slice %arg5[%add3A_383] : memref<25600xi32, #tpu.memory_space<vmem>> -> memref<104xi32, #tpu.memory_space<vmem>>
        %dma_start3A_390 = arith.constant 0 : i32
        %dma_start3A_391 = arith.constant 0 : i32
        %dma_start3A_392 = tpu.memref_slice %arg3[%dma_start3A_390, %dma_start3A_391] : memref<1000000x64xf32, #tpu.memory_space<hbm>> -> memref<1000000x64xf32, #tpu.memory_space<hbm>>
        tpu.enqueue_indirect_dma source(%dma_start3A_392 : memref<1000000x64xf32, #tpu.memory_space<hbm>>) target(%dma_start3A_388 : memref<104x64xf32, #tpu.memory_space<vmem>>) offsets(%dma_start3A_389 : memref<104xi32, #tpu.memory_space<vmem>>) semaphore(%arg8 : memref<!tpu.dma_semaphore, #tpu.memory_space<semaphore_mem>>)
        %mul3A_393 = arith.constant 200 : i32
        %mul3A_394 = arith.muli %add3A_379, %mul3A_393 : i32
        %add3A_395 = arith.constant 104 : i32
        %add3A_396 = arith.addi %mul3A_394, %add3A_395 : i32
        %dma_start3A_397 = arith.constant 0 : i32
        %dma_start3A_398 = arith.constant 104 : i32
        %dma_start3A_399 = arith.constant 0 : i32
        %dma_start3A_400 = tpu.memref_slice %arg6[%dma_start3A_397, %dma_start3A_398, %dma_start3A_399] : memref<4x200x64xf32, #tpu.memory_space<vmem>> -> memref<1x96x64xf32, #tpu.memory_space<vmem>>
        %dma_start3A_401 = tpu.memref_squeeze %dma_start3A_400 : memref<1x96x64xf32, #tpu.memory_space<vmem>> -> memref<96x64xf32, #tpu.memory_space<vmem>>
        %dma_start3A_402 = tpu.memref_slice %arg5[%add3A_396] : memref<25600xi32, #tpu.memory_space<vmem>> -> memref<96xi32, #tpu.memory_space<vmem>>
        %dma_start3A_403 = arith.constant 0 : i32
        %dma_start3A_404 = arith.constant 0 : i32
        %dma_start3A_405 = tpu.memref_slice %arg3[%dma_start3A_403, %dma_start3A_404] : memref<1000000x64xf32, #tpu.memory_space<hbm>> -> memref<1000000x64xf32, #tpu.memory_space<hbm>>
        tpu.enqueue_indirect_dma source(%dma_start3A_405 : memref<1000000x64xf32, #tpu.memory_space<hbm>>) target(%dma_start3A_401 : memref<96x64xf32, #tpu.memory_space<vmem>>) offsets(%dma_start3A_402 : memref<96xi32, #tpu.memory_space<vmem>>) semaphore(%arg8 : memref<!tpu.dma_semaphore, #tpu.memory_space<semaphore_mem>>)
        %mul3A_406 = arith.constant 4 : i32
        %mul3A_407 = arith.muli %scan3A_301, %mul3A_406 : i32
        %add3A_408 = arith.constant 1 : i32
        %add3A_409 = arith.addi %mul3A_407, %add3A_408 : i32
        %mul3A_410 = arith.constant 200 : i32
        %mul3A_411 = arith.muli %add3A_409, %mul3A_410 : i32
        %add3A_412 = arith.constant 0 : i32
        %add3A_413 = arith.addi %mul3A_411, %add3A_412 : i32
        %dma_wait3A_414 = arith.constant 1 : i32
        %dma_wait3A_415 = arith.constant 0 : i32
        %dma_wait3A_416 = arith.constant 0 : i32
        %dma_wait3A_417 = tpu.memref_slice %arg6[%dma_wait3A_414, %dma_wait3A_415, %dma_wait3A_416] : memref<4x200x64xf32, #tpu.memory_space<vmem>> -> memref<1x104x64xf32, #tpu.memory_space<vmem>>
        %dma_wait3A_418 = tpu.memref_squeeze %dma_wait3A_417 : memref<1x104x64xf32, #tpu.memory_space<vmem>> -> memref<104x64xf32, #tpu.memory_space<vmem>>
        %dma_wait3A_419 = tpu.memref_slice %arg5[%add3A_413] : memref<25600xi32, #tpu.memory_space<vmem>> -> memref<104xi32, #tpu.memory_space<vmem>>
        %dma_wait3A_420 = arith.constant 0 : i32
        %dma_wait3A_421 = arith.constant 0 : i32
        %dma_wait3A_422 = tpu.memref_slice %arg3[%dma_wait3A_420, %dma_wait3A_421] : memref<1000000x64xf32, #tpu.memory_space<hbm>> -> memref<1000000x64xf32, #tpu.memory_space<hbm>>
        tpu.wait_indirect_dma semaphore(%arg9 : memref<!tpu.dma_semaphore, #tpu.memory_space<semaphore_mem>>) src(%dma_wait3A_422 : memref<1000000x64xf32, #tpu.memory_space<hbm>>) dst(%dma_wait3A_418 : memref<104x64xf32, #tpu.memory_space<vmem>>)
        %mul3A_423 = arith.constant 200 : i32
        %mul3A_424 = arith.muli %add3A_409, %mul3A_423 : i32
        %add3A_425 = arith.constant 104 : i32
        %add3A_426 = arith.addi %mul3A_424, %add3A_425 : i32
        %dma_wait3A_427 = arith.constant 1 : i32
        %dma_wait3A_428 = arith.constant 104 : i32
        %dma_wait3A_429 = arith.constant 0 : i32
        %dma_wait3A_430 = tpu.memref_slice %arg6[%dma_wait3A_427, %dma_wait3A_428, %dma_wait3A_429] : memref<4x200x64xf32, #tpu.memory_space<vmem>> -> memref<1x96x64xf32, #tpu.memory_space<vmem>>
        %dma_wait3A_431 = tpu.memref_squeeze %dma_wait3A_430 : memref<1x96x64xf32, #tpu.memory_space<vmem>> -> memref<96x64xf32, #tpu.memory_space<vmem>>
        %dma_wait3A_432 = tpu.memref_slice %arg5[%add3A_426] : memref<25600xi32, #tpu.memory_space<vmem>> -> memref<96xi32, #tpu.memory_space<vmem>>
        %dma_wait3A_433 = arith.constant 0 : i32
        %dma_wait3A_434 = arith.constant 0 : i32
        %dma_wait3A_435 = tpu.memref_slice %arg3[%dma_wait3A_433, %dma_wait3A_434] : memref<1000000x64xf32, #tpu.memory_space<hbm>> -> memref<1000000x64xf32, #tpu.memory_space<hbm>>
        tpu.wait_indirect_dma semaphore(%arg9 : memref<!tpu.dma_semaphore, #tpu.memory_space<semaphore_mem>>) src(%dma_wait3A_435 : memref<1000000x64xf32, #tpu.memory_space<hbm>>) dst(%dma_wait3A_431 : memref<96x64xf32, #tpu.memory_space<vmem>>)
        %broadcast_in_dim3A_436 = arith.constant 0.000000e+00 : f32
        %broadcast_in_dim3A_437 = vector.broadcast %broadcast_in_dim3A_436 : f32 to vector<16xf32>
        %broadcast_in_dim3A_438 = arith.constant 0.000000e+00 : f32
        %broadcast_in_dim3A_439 = vector.broadcast %broadcast_in_dim3A_438 : f32 to vector<16xf32>
        %broadcast_in_dim3A_440 = arith.constant 0.000000e+00 : f32
        %broadcast_in_dim3A_441 = vector.broadcast %broadcast_in_dim3A_440 : f32 to vector<16xf32>
        %broadcast_in_dim3A_442 = arith.constant 0.000000e+00 : f32
        %broadcast_in_dim3A_443 = vector.broadcast %broadcast_in_dim3A_442 : f32 to vector<16xf32>
        %scan3A_444 = arith.constant 0 : i32
        %scan3A_445 = arith.constant 200 : i32
        %scan3A_446 = arith.addi %scan3A_444, %scan3A_445 : i32
        %scan3A_447 = arith.constant 4 : i32
        %scan3A_448:4 = scf.for %scan3A_718 = %scan3A_444 to %scan3A_446 step %scan3A_447 iter_args(%scan3A_719 = %broadcast_in_dim3A_437, %scan3A_720 = %broadcast_in_dim3A_439, %scan3A_721 = %broadcast_in_dim3A_441, %scan3A_722 = %broadcast_in_dim3A_443) -> (vector<16xf32>, vector<16xf32>, vector<16xf32>, vector<16xf32>)  : i32 {
          %get3A = arith.constant 1 : i32
          %get3A_723 = arith.index_cast %get3A : i32 to index
          %get3A_724 = arith.index_cast %scan3A_718 : i32 to index
          %get3A_725 = arith.constant 0 : index
          %get3A_726 = tpu.vector_load %arg6[%get3A_723, %get3A_724, %get3A_725] {strides = array<i32>} : memref<4x200x64xf32, #tpu.memory_space<vmem>>, vector<1x1x16xf32>,
          %get3A_727 = vector.shape_cast %get3A_726 : vector<1x1x16xf32> to vector<16xf32>
          %add3A_728 = arith.addf %scan3A_719, %get3A_727 : vector<16xf32>
          %get3A_729 = arith.constant 1 : i32
          %get3A_730 = arith.index_cast %get3A_729 : i32 to index
          %get3A_731 = arith.index_cast %scan3A_718 : i32 to index
          %get3A_732 = arith.constant 16 : index
          %get3A_733 = tpu.vector_load %arg6[%get3A_730, %get3A_731, %get3A_732] {strides = array<i32>} : memref<4x200x64xf32, #tpu.memory_space<vmem>>, vector<1x1x16xf32>,
          %get3A_734 = vector.shape_cast %get3A_733 : vector<1x1x16xf32> to vector<16xf32>
          %add3A_735 = arith.addf %scan3A_720, %get3A_734 : vector<16xf32>
          %get3A_736 = arith.constant 1 : i32
          %get3A_737 = arith.index_cast %get3A_736 : i32 to index
          %get3A_738 = arith.index_cast %scan3A_718 : i32 to index
          %get3A_739 = arith.constant 32 : index
          %get3A_740 = tpu.vector_load %arg6[%get3A_737, %get3A_738, %get3A_739] {strides = array<i32>} : memref<4x200x64xf32, #tpu.memory_space<vmem>>, vector<1x1x16xf32>,
          %get3A_741 = vector.shape_cast %get3A_740 : vector<1x1x16xf32> to vector<16xf32>
          %add3A_742 = arith.addf %scan3A_721, %get3A_741 : vector<16xf32>
          %get3A_743 = arith.constant 1 : i32
          %get3A_744 = arith.index_cast %get3A_743 : i32 to index
          %get3A_745 = arith.index_cast %scan3A_718 : i32 to index
          %get3A_746 = arith.constant 48 : index
          %get3A_747 = tpu.vector_load %arg6[%get3A_744, %get3A_745, %get3A_746] {strides = array<i32>} : memref<4x200x64xf32, #tpu.memory_space<vmem>>, vector<1x1x16xf32>,
          %get3A_748 = vector.shape_cast %get3A_747 : vector<1x1x16xf32> to vector<16xf32>
          %add3A_749 = arith.addf %scan3A_722, %get3A_748 : vector<16xf32>
          %scan3A_750 = arith.constant 1 : i32
          %scan3A_751 = arith.addi %scan3A_718, %scan3A_750 : i32
          %get3A_752 = arith.constant 1 : i32
          %get3A_753 = arith.index_cast %get3A_752 : i32 to index
          %get3A_754 = arith.index_cast %scan3A_751 : i32 to index
          %get3A_755 = arith.constant 0 : index
          %get3A_756 = tpu.vector_load %arg6[%get3A_753, %get3A_754, %get3A_755] {strides = array<i32>} : memref<4x200x64xf32, #tpu.memory_space<vmem>>, vector<1x1x16xf32>,
          %get3A_757 = vector.shape_cast %get3A_756 : vector<1x1x16xf32> to vector<16xf32>
          %add3A_758 = arith.addf %add3A_728, %get3A_757 : vector<16xf32>
          %get3A_759 = arith.constant 1 : i32
          %get3A_760 = arith.index_cast %get3A_759 : i32 to index
          %get3A_761 = arith.index_cast %scan3A_751 : i32 to index
          %get3A_762 = arith.constant 16 : index
          %get3A_763 = tpu.vector_load %arg6[%get3A_760, %get3A_761, %get3A_762] {strides = array<i32>} : memref<4x200x64xf32, #tpu.memory_space<vmem>>, vector<1x1x16xf32>,
          %get3A_764 = vector.shape_cast %get3A_763 : vector<1x1x16xf32> to vector<16xf32>
          %add3A_765 = arith.addf %add3A_735, %get3A_764 : vector<16xf32>
          %get3A_766 = arith.constant 1 : i32
          %get3A_767 = arith.index_cast %get3A_766 : i32 to index
          %get3A_768 = arith.index_cast %scan3A_751 : i32 to index
          %get3A_769 = arith.constant 32 : index
          %get3A_770 = tpu.vector_load %arg6[%get3A_767, %get3A_768, %get3A_769] {strides = array<i32>} : memref<4x200x64xf32, #tpu.memory_space<vmem>>, vector<1x1x16xf32>,
          %get3A_771 = vector.shape_cast %get3A_770 : vector<1x1x16xf32> to vector<16xf32>
          %add3A_772 = arith.addf %add3A_742, %get3A_771 : vector<16xf32>
          %get3A_773 = arith.constant 1 : i32
          %get3A_774 = arith.index_cast %get3A_773 : i32 to index
          %get3A_775 = arith.index_cast %scan3A_751 : i32 to index
          %get3A_776 = arith.constant 48 : index
          %get3A_777 = tpu.vector_load %arg6[%get3A_774, %get3A_775, %get3A_776] {strides = array<i32>} : memref<4x200x64xf32, #tpu.memory_space<vmem>>, vector<1x1x16xf32>,
          %get3A_778 = vector.shape_cast %get3A_777 : vector<1x1x16xf32> to vector<16xf32>
          %add3A_779 = arith.addf %add3A_749, %get3A_778 : vector<16xf32>
          %scan3A_780 = arith.constant 2 : i32
          %scan3A_781 = arith.addi %scan3A_718, %scan3A_780 : i32
          %get3A_782 = arith.constant 1 : i32
          %get3A_783 = arith.index_cast %get3A_782 : i32 to index
          %get3A_784 = arith.index_cast %scan3A_781 : i32 to index
          %get3A_785 = arith.constant 0 : index
          %get3A_786 = tpu.vector_load %arg6[%get3A_783, %get3A_784, %get3A_785] {strides = array<i32>} : memref<4x200x64xf32, #tpu.memory_space<vmem>>, vector<1x1x16xf32>,
          %get3A_787 = vector.shape_cast %get3A_786 : vector<1x1x16xf32> to vector<16xf32>
          %add3A_788 = arith.addf %add3A_758, %get3A_787 : vector<16xf32>
          %get3A_789 = arith.constant 1 : i32
          %get3A_790 = arith.index_cast %get3A_789 : i32 to index
          %get3A_791 = arith.index_cast %scan3A_781 : i32 to index
          %get3A_792 = arith.constant 16 : index
          %get3A_793 = tpu.vector_load %arg6[%get3A_790, %get3A_791, %get3A_792] {strides = array<i32>} : memref<4x200x64xf32, #tpu.memory_space<vmem>>, vector<1x1x16xf32>,
          %get3A_794 = vector.shape_cast %get3A_793 : vector<1x1x16xf32> to vector<16xf32>
          %add3A_795 = arith.addf %add3A_765, %get3A_794 : vector<16xf32>
          %get3A_796 = arith.constant 1 : i32
          %get3A_797 = arith.index_cast %get3A_796 : i32 to index
          %get3A_798 = arith.index_cast %scan3A_781 : i32 to index
          %get3A_799 = arith.constant 32 : index
          %get3A_800 = tpu.vector_load %arg6[%get3A_797, %get3A_798, %get3A_799] {strides = array<i32>} : memref<4x200x64xf32, #tpu.memory_space<vmem>>, vector<1x1x16xf32>,
          %get3A_801 = vector.shape_cast %get3A_800 : vector<1x1x16xf32> to vector<16xf32>
          %add3A_802 = arith.addf %add3A_772, %get3A_801 : vector<16xf32>
          %get3A_803 = arith.constant 1 : i32
          %get3A_804 = arith.index_cast %get3A_803 : i32 to index
          %get3A_805 = arith.index_cast %scan3A_781 : i32 to index
          %get3A_806 = arith.constant 48 : index
          %get3A_807 = tpu.vector_load %arg6[%get3A_804, %get3A_805, %get3A_806] {strides = array<i32>} : memref<4x200x64xf32, #tpu.memory_space<vmem>>, vector<1x1x16xf32>,
          %get3A_808 = vector.shape_cast %get3A_807 : vector<1x1x16xf32> to vector<16xf32>
          %add3A_809 = arith.addf %add3A_779, %get3A_808 : vector<16xf32>
          %scan3A_810 = arith.constant 3 : i32
          %scan3A_811 = arith.addi %scan3A_718, %scan3A_810 : i32
          %get3A_812 = arith.constant 1 : i32
          %get3A_813 = arith.index_cast %get3A_812 : i32 to index
          %get3A_814 = arith.index_cast %scan3A_811 : i32 to index
          %get3A_815 = arith.constant 0 : index
          %get3A_816 = tpu.vector_load %arg6[%get3A_813, %get3A_814, %get3A_815] {strides = array<i32>} : memref<4x200x64xf32, #tpu.memory_space<vmem>>, vector<1x1x16xf32>,
          %get3A_817 = vector.shape_cast %get3A_816 : vector<1x1x16xf32> to vector<16xf32>
          %add3A_818 = arith.addf %add3A_788, %get3A_817 : vector<16xf32>
          %get3A_819 = arith.constant 1 : i32
          %get3A_820 = arith.index_cast %get3A_819 : i32 to index
          %get3A_821 = arith.index_cast %scan3A_811 : i32 to index
          %get3A_822 = arith.constant 16 : index
          %get3A_823 = tpu.vector_load %arg6[%get3A_820, %get3A_821, %get3A_822] {strides = array<i32>} : memref<4x200x64xf32, #tpu.memory_space<vmem>>, vector<1x1x16xf32>,
          %get3A_824 = vector.shape_cast %get3A_823 : vector<1x1x16xf32> to vector<16xf32>
          %add3A_825 = arith.addf %add3A_795, %get3A_824 : vector<16xf32>
          %get3A_826 = arith.constant 1 : i32
          %get3A_827 = arith.index_cast %get3A_826 : i32 to index
          %get3A_828 = arith.index_cast %scan3A_811 : i32 to index
          %get3A_829 = arith.constant 32 : index
          %get3A_830 = tpu.vector_load %arg6[%get3A_827, %get3A_828, %get3A_829] {strides = array<i32>} : memref<4x200x64xf32, #tpu.memory_space<vmem>>, vector<1x1x16xf32>,
          %get3A_831 = vector.shape_cast %get3A_830 : vector<1x1x16xf32> to vector<16xf32>
          %add3A_832 = arith.addf %add3A_802, %get3A_831 : vector<16xf32>
          %get3A_833 = arith.constant 1 : i32
          %get3A_834 = arith.index_cast %get3A_833 : i32 to index
          %get3A_835 = arith.index_cast %scan3A_811 : i32 to index
          %get3A_836 = arith.constant 48 : index
          %get3A_837 = tpu.vector_load %arg6[%get3A_834, %get3A_835, %get3A_836] {strides = array<i32>} : memref<4x200x64xf32, #tpu.memory_space<vmem>>, vector<1x1x16xf32>,
          %get3A_838 = vector.shape_cast %get3A_837 : vector<1x1x16xf32> to vector<16xf32>
          %add3A_839 = arith.addf %add3A_809, %get3A_838 : vector<16xf32>
          scf.yield %add3A_818, %add3A_825, %add3A_832, %add3A_839 : vector<16xf32>, vector<16xf32>, vector<16xf32>, vector<16xf32>
        }
        %scan3A_449 = arith.constant 200 : i32
        %mul3A_450 = arith.constant 64 : i32
        %mul3A_451 = arith.muli %add3A_409, %mul3A_450 : i32
        %add3A_452 = arith.constant 0 : i32
        %add3A_453 = arith.addi %mul3A_451, %add3A_452 : i32
        %swap3A_454 = arith.index_cast %add3A_453 : i32 to index
        %swap3A_455 = tpu.vector_load %arg7[%swap3A_454] {strides = array<i32>} : memref<8192xf32, #tpu.memory_space<vmem>>, vector<16xf32>,
        %swap3A_456 = vector.shape_cast %swap3A_455 : vector<16xf32> to vector<16xf32>
        %swap3A_457 = vector.shape_cast %scan3A_448#0 : vector<16xf32> to vector<16xf32>
        tpu.vector_store %arg7[%swap3A_454], %swap3A_457 {strides = array<i32>} : memref<8192xf32, #tpu.memory_space<vmem>>, vector<16xf32>,
        %mul3A_458 = arith.constant 64 : i32
        %mul3A_459 = arith.muli %add3A_409, %mul3A_458 : i32
        %add3A_460 = arith.constant 16 : i32
        %add3A_461 = arith.addi %mul3A_459, %add3A_460 : i32
        %swap3A_462 = arith.index_cast %add3A_461 : i32 to index
        %swap3A_463 = tpu.vector_load %arg7[%swap3A_462] {strides = array<i32>} : memref<8192xf32, #tpu.memory_space<vmem>>, vector<16xf32>,
        %swap3A_464 = vector.shape_cast %swap3A_463 : vector<16xf32> to vector<16xf32>
        %swap3A_465 = vector.shape_cast %scan3A_448#1 : vector<16xf32> to vector<16xf32>
        tpu.vector_store %arg7[%swap3A_462], %swap3A_465 {strides = array<i32>} : memref<8192xf32, #tpu.memory_space<vmem>>, vector<16xf32>,
        %mul3A_466 = arith.constant 64 : i32
        %mul3A_467 = arith.muli %add3A_409, %mul3A_466 : i32
        %add3A_468 = arith.constant 32 : i32
        %add3A_469 = arith.addi %mul3A_467, %add3A_468 : i32
        %swap3A_470 = arith.index_cast %add3A_469 : i32 to index
        %swap3A_471 = tpu.vector_load %arg7[%swap3A_470] {strides = array<i32>} : memref<8192xf32, #tpu.memory_space<vmem>>, vector<16xf32>,
        %swap3A_472 = vector.shape_cast %swap3A_471 : vector<16xf32> to vector<16xf32>
        %swap3A_473 = vector.shape_cast %scan3A_448#2 : vector<16xf32> to vector<16xf32>
        tpu.vector_store %arg7[%swap3A_470], %swap3A_473 {strides = array<i32>} : memref<8192xf32, #tpu.memory_space<vmem>>, vector<16xf32>,
        %mul3A_474 = arith.constant 64 : i32
        %mul3A_475 = arith.muli %add3A_409, %mul3A_474 : i32
        %add3A_476 = arith.constant 48 : i32
        %add3A_477 = arith.addi %mul3A_475, %add3A_476 : i32
        %swap3A_478 = arith.index_cast %add3A_477 : i32 to index
        %swap3A_479 = tpu.vector_load %arg7[%swap3A_478] {strides = array<i32>} : memref<8192xf32, #tpu.memory_space<vmem>>, vector<16xf32>,
        %swap3A_480 = vector.shape_cast %swap3A_479 : vector<16xf32> to vector<16xf32>
        %swap3A_481 = vector.shape_cast %scan3A_448#3 : vector<16xf32> to vector<16xf32>
        tpu.vector_store %arg7[%swap3A_478], %swap3A_481 {strides = array<i32>} : memref<8192xf32, #tpu.memory_space<vmem>>, vector<16xf32>,
        %add3A_482 = arith.constant 4 : i32
        %add3A_483 = arith.addi %add3A_409, %add3A_482 : i32
        %mul3A_484 = arith.constant 200 : i32
        %mul3A_485 = arith.muli %add3A_483, %mul3A_484 : i32
        %add3A_486 = arith.constant 0 : i32
        %add3A_487 = arith.addi %mul3A_485, %add3A_486 : i32
        %dma_start3A_488 = arith.constant 1 : i32
        %dma_start3A_489 = arith.constant 0 : i32
        %dma_start3A_490 = arith.constant 0 : i32
        %dma_start3A_491 = tpu.memref_slice %arg6[%dma_start3A_488, %dma_start3A_489, %dma_start3A_490] : memref<4x200x64xf32, #tpu.memory_space<vmem>> -> memref<1x104x64xf32, #tpu.memory_space<vmem>>
        %dma_start3A_492 = tpu.memref_squeeze %dma_start3A_491 : memref<1x104x64xf32, #tpu.memory_space<vmem>> -> memref<104x64xf32, #tpu.memory_space<vmem>>
        %dma_start3A_493 = tpu.memref_slice %arg5[%add3A_487] : memref<25600xi32, #tpu.memory_space<vmem>> -> memref<104xi32, #tpu.memory_space<vmem>>
        %dma_start3A_494 = arith.constant 0 : i32
        %dma_start3A_495 = arith.constant 0 : i32
        %dma_start3A_496 = tpu.memref_slice %arg3[%dma_start3A_494, %dma_start3A_495] : memref<1000000x64xf32, #tpu.memory_space<hbm>> -> memref<1000000x64xf32, #tpu.memory_space<hbm>>
        tpu.enqueue_indirect_dma source(%dma_start3A_496 : memref<1000000x64xf32, #tpu.memory_space<hbm>>) target(%dma_start3A_492 : memref<104x64xf32, #tpu.memory_space<vmem>>) offsets(%dma_start3A_493 : memref<104xi32, #tpu.memory_space<vmem>>) semaphore(%arg9 : memref<!tpu.dma_semaphore, #tpu.memory_space<semaphore_mem>>)
        %mul3A_497 = arith.constant 200 : i32
        %mul3A_498 = arith.muli %add3A_483, %mul3A_497 : i32
        %add3A_499 = arith.constant 104 : i32
        %add3A_500 = arith.addi %mul3A_498, %add3A_499 : i32
        %dma_start3A_501 = arith.constant 1 : i32
        %dma_start3A_502 = arith.constant 104 : i32
        %dma_start3A_503 = arith.constant 0 : i32
        %dma_start3A_504 = tpu.memref_slice %arg6[%dma_start3A_501, %dma_start3A_502, %dma_start3A_503] : memref<4x200x64xf32, #tpu.memory_space<vmem>> -> memref<1x96x64xf32, #tpu.memory_space<vmem>>
        %dma_start3A_505 = tpu.memref_squeeze %dma_start3A_504 : memref<1x96x64xf32, #tpu.memory_space<vmem>> -> memref<96x64xf32, #tpu.memory_space<vmem>>
        %dma_start3A_506 = tpu.memref_slice %arg5[%add3A_500] : memref<25600xi32, #tpu.memory_space<vmem>> -> memref<96xi32, #tpu.memory_space<vmem>>
        %dma_start3A_507 = arith.constant 0 : i32
        %dma_start3A_508 = arith.constant 0 : i32
        %dma_start3A_509 = tpu.memref_slice %arg3[%dma_start3A_507, %dma_start3A_508] : memref<1000000x64xf32, #tpu.memory_space<hbm>> -> memref<1000000x64xf32, #tpu.memory_space<hbm>>
        tpu.enqueue_indirect_dma source(%dma_start3A_509 : memref<1000000x64xf32, #tpu.memory_space<hbm>>) target(%dma_start3A_505 : memref<96x64xf32, #tpu.memory_space<vmem>>) offsets(%dma_start3A_506 : memref<96xi32, #tpu.memory_space<vmem>>) semaphore(%arg9 : memref<!tpu.dma_semaphore, #tpu.memory_space<semaphore_mem>>)
        %mul3A_510 = arith.constant 4 : i32
        %mul3A_511 = arith.muli %scan3A_301, %mul3A_510 : i32
        %add3A_512 = arith.constant 2 : i32
        %add3A_513 = arith.addi %mul3A_511, %add3A_512 : i32
        %mul3A_514 = arith.constant 200 : i32
        %mul3A_515 = arith.muli %add3A_513, %mul3A_514 : i32
        %add3A_516 = arith.constant 0 : i32
        %add3A_517 = arith.addi %mul3A_515, %add3A_516 : i32
        %dma_wait3A_518 = arith.constant 2 : i32
        %dma_wait3A_519 = arith.constant 0 : i32
        %dma_wait3A_520 = arith.constant 0 : i32
        %dma_wait3A_521 = tpu.memref_slice %arg6[%dma_wait3A_518, %dma_wait3A_519, %dma_wait3A_520] : memref<4x200x64xf32, #tpu.memory_space<vmem>> -> memref<1x104x64xf32, #tpu.memory_space<vmem>>
        %dma_wait3A_522 = tpu.memref_squeeze %dma_wait3A_521 : memref<1x104x64xf32, #tpu.memory_space<vmem>> -> memref<104x64xf32, #tpu.memory_space<vmem>>
        %dma_wait3A_523 = tpu.memref_slice %arg5[%add3A_517] : memref<25600xi32, #tpu.memory_space<vmem>> -> memref<104xi32, #tpu.memory_space<vmem>>
        %dma_wait3A_524 = arith.constant 0 : i32
        %dma_wait3A_525 = arith.constant 0 : i32
        %dma_wait3A_526 = tpu.memref_slice %arg3[%dma_wait3A_524, %dma_wait3A_525] : memref<1000000x64xf32, #tpu.memory_space<hbm>> -> memref<1000000x64xf32, #tpu.memory_space<hbm>>
        tpu.wait_indirect_dma semaphore(%arg10 : memref<!tpu.dma_semaphore, #tpu.memory_space<semaphore_mem>>) src(%dma_wait3A_526 : memref<1000000x64xf32, #tpu.memory_space<hbm>>) dst(%dma_wait3A_522 : memref<104x64xf32, #tpu.memory_space<vmem>>)
        %mul3A_527 = arith.constant 200 : i32
        %mul3A_528 = arith.muli %add3A_513, %mul3A_527 : i32
        %add3A_529 = arith.constant 104 : i32
        %add3A_530 = arith.addi %mul3A_528, %add3A_529 : i32
        %dma_wait3A_531 = arith.constant 2 : i32
        %dma_wait3A_532 = arith.constant 104 : i32
        %dma_wait3A_533 = arith.constant 0 : i32
        %dma_wait3A_534 = tpu.memref_slice %arg6[%dma_wait3A_531, %dma_wait3A_532, %dma_wait3A_533] : memref<4x200x64xf32, #tpu.memory_space<vmem>> -> memref<1x96x64xf32, #tpu.memory_space<vmem>>
        %dma_wait3A_535 = tpu.memref_squeeze %dma_wait3A_534 : memref<1x96x64xf32, #tpu.memory_space<vmem>> -> memref<96x64xf32, #tpu.memory_space<vmem>>
        %dma_wait3A_536 = tpu.memref_slice %arg5[%add3A_530] : memref<25600xi32, #tpu.memory_space<vmem>> -> memref<96xi32, #tpu.memory_space<vmem>>
        %dma_wait3A_537 = arith.constant 0 : i32
        %dma_wait3A_538 = arith.constant 0 : i32
        %dma_wait3A_539 = tpu.memref_slice %arg3[%dma_wait3A_537, %dma_wait3A_538] : memref<1000000x64xf32, #tpu.memory_space<hbm>> -> memref<1000000x64xf32, #tpu.memory_space<hbm>>
        tpu.wait_indirect_dma semaphore(%arg10 : memref<!tpu.dma_semaphore, #tpu.memory_space<semaphore_mem>>) src(%dma_wait3A_539 : memref<1000000x64xf32, #tpu.memory_space<hbm>>) dst(%dma_wait3A_535 : memref<96x64xf32, #tpu.memory_space<vmem>>)
        %broadcast_in_dim3A_540 = arith.constant 0.000000e+00 : f32
        %broadcast_in_dim3A_541 = vector.broadcast %broadcast_in_dim3A_540 : f32 to vector<16xf32>
        %broadcast_in_dim3A_542 = arith.constant 0.000000e+00 : f32
        %broadcast_in_dim3A_543 = vector.broadcast %broadcast_in_dim3A_542 : f32 to vector<16xf32>
        %broadcast_in_dim3A_544 = arith.constant 0.000000e+00 : f32
        %broadcast_in_dim3A_545 = vector.broadcast %broadcast_in_dim3A_544 : f32 to vector<16xf32>
        %broadcast_in_dim3A_546 = arith.constant 0.000000e+00 : f32
        %broadcast_in_dim3A_547 = vector.broadcast %broadcast_in_dim3A_546 : f32 to vector<16xf32>
        %scan3A_548 = arith.constant 0 : i32
        %scan3A_549 = arith.constant 200 : i32
        %scan3A_550 = arith.addi %scan3A_548, %scan3A_549 : i32
        %scan3A_551 = arith.constant 4 : i32
        %scan3A_552:4 = scf.for %scan3A_718 = %scan3A_548 to %scan3A_550 step %scan3A_551 iter_args(%scan3A_719 = %broadcast_in_dim3A_541, %scan3A_720 = %broadcast_in_dim3A_543, %scan3A_721 = %broadcast_in_dim3A_545, %scan3A_722 = %broadcast_in_dim3A_547) -> (vector<16xf32>, vector<16xf32>, vector<16xf32>, vector<16xf32>)  : i32 {
          %get3A = arith.constant 2 : i32
          %get3A_723 = arith.index_cast %get3A : i32 to index
          %get3A_724 = arith.index_cast %scan3A_718 : i32 to index
          %get3A_725 = arith.constant 0 : index
          %get3A_726 = tpu.vector_load %arg6[%get3A_723, %get3A_724, %get3A_725] {strides = array<i32>} : memref<4x200x64xf32, #tpu.memory_space<vmem>>, vector<1x1x16xf32>,
          %get3A_727 = vector.shape_cast %get3A_726 : vector<1x1x16xf32> to vector<16xf32>
          %add3A_728 = arith.addf %scan3A_719, %get3A_727 : vector<16xf32>
          %get3A_729 = arith.constant 2 : i32
          %get3A_730 = arith.index_cast %get3A_729 : i32 to index
          %get3A_731 = arith.index_cast %scan3A_718 : i32 to index
          %get3A_732 = arith.constant 16 : index
          %get3A_733 = tpu.vector_load %arg6[%get3A_730, %get3A_731, %get3A_732] {strides = array<i32>} : memref<4x200x64xf32, #tpu.memory_space<vmem>>, vector<1x1x16xf32>,
          %get3A_734 = vector.shape_cast %get3A_733 : vector<1x1x16xf32> to vector<16xf32>
          %add3A_735 = arith.addf %scan3A_720, %get3A_734 : vector<16xf32>
          %get3A_736 = arith.constant 2 : i32
          %get3A_737 = arith.index_cast %get3A_736 : i32 to index
          %get3A_738 = arith.index_cast %scan3A_718 : i32 to index
          %get3A_739 = arith.constant 32 : index
          %get3A_740 = tpu.vector_load %arg6[%get3A_737, %get3A_738, %get3A_739] {strides = array<i32>} : memref<4x200x64xf32, #tpu.memory_space<vmem>>, vector<1x1x16xf32>,
          %get3A_741 = vector.shape_cast %get3A_740 : vector<1x1x16xf32> to vector<16xf32>
          %add3A_742 = arith.addf %scan3A_721, %get3A_741 : vector<16xf32>
          %get3A_743 = arith.constant 2 : i32
          %get3A_744 = arith.index_cast %get3A_743 : i32 to index
          %get3A_745 = arith.index_cast %scan3A_718 : i32 to index
          %get3A_746 = arith.constant 48 : index
          %get3A_747 = tpu.vector_load %arg6[%get3A_744, %get3A_745, %get3A_746] {strides = array<i32>} : memref<4x200x64xf32, #tpu.memory_space<vmem>>, vector<1x1x16xf32>,
          %get3A_748 = vector.shape_cast %get3A_747 : vector<1x1x16xf32> to vector<16xf32>
          %add3A_749 = arith.addf %scan3A_722, %get3A_748 : vector<16xf32>
          %scan3A_750 = arith.constant 1 : i32
          %scan3A_751 = arith.addi %scan3A_718, %scan3A_750 : i32
          %get3A_752 = arith.constant 2 : i32
          %get3A_753 = arith.index_cast %get3A_752 : i32 to index
          %get3A_754 = arith.index_cast %scan3A_751 : i32 to index
          %get3A_755 = arith.constant 0 : index
          %get3A_756 = tpu.vector_load %arg6[%get3A_753, %get3A_754, %get3A_755] {strides = array<i32>} : memref<4x200x64xf32, #tpu.memory_space<vmem>>, vector<1x1x16xf32>,
          %get3A_757 = vector.shape_cast %get3A_756 : vector<1x1x16xf32> to vector<16xf32>
          %add3A_758 = arith.addf %add3A_728, %get3A_757 : vector<16xf32>
          %get3A_759 = arith.constant 2 : i32
          %get3A_760 = arith.index_cast %get3A_759 : i32 to index
          %get3A_761 = arith.index_cast %scan3A_751 : i32 to index
          %get3A_762 = arith.constant 16 : index
          %get3A_763 = tpu.vector_load %arg6[%get3A_760, %get3A_761, %get3A_762] {strides = array<i32>} : memref<4x200x64xf32, #tpu.memory_space<vmem>>, vector<1x1x16xf32>,
          %get3A_764 = vector.shape_cast %get3A_763 : vector<1x1x16xf32> to vector<16xf32>
          %add3A_765 = arith.addf %add3A_735, %get3A_764 : vector<16xf32>
          %get3A_766 = arith.constant 2 : i32
          %get3A_767 = arith.index_cast %get3A_766 : i32 to index
          %get3A_768 = arith.index_cast %scan3A_751 : i32 to index
          %get3A_769 = arith.constant 32 : index
          %get3A_770 = tpu.vector_load %arg6[%get3A_767, %get3A_768, %get3A_769] {strides = array<i32>} : memref<4x200x64xf32, #tpu.memory_space<vmem>>, vector<1x1x16xf32>,
          %get3A_771 = vector.shape_cast %get3A_770 : vector<1x1x16xf32> to vector<16xf32>
          %add3A_772 = arith.addf %add3A_742, %get3A_771 : vector<16xf32>
          %get3A_773 = arith.constant 2 : i32
          %get3A_774 = arith.index_cast %get3A_773 : i32 to index
          %get3A_775 = arith.index_cast %scan3A_751 : i32 to index
          %get3A_776 = arith.constant 48 : index
          %get3A_777 = tpu.vector_load %arg6[%get3A_774, %get3A_775, %get3A_776] {strides = array<i32>} : memref<4x200x64xf32, #tpu.memory_space<vmem>>, vector<1x1x16xf32>,
          %get3A_778 = vector.shape_cast %get3A_777 : vector<1x1x16xf32> to vector<16xf32>
          %add3A_779 = arith.addf %add3A_749, %get3A_778 : vector<16xf32>
          %scan3A_780 = arith.constant 2 : i32
          %scan3A_781 = arith.addi %scan3A_718, %scan3A_780 : i32
          %get3A_782 = arith.constant 2 : i32
          %get3A_783 = arith.index_cast %get3A_782 : i32 to index
          %get3A_784 = arith.index_cast %scan3A_781 : i32 to index
          %get3A_785 = arith.constant 0 : index
          %get3A_786 = tpu.vector_load %arg6[%get3A_783, %get3A_784, %get3A_785] {strides = array<i32>} : memref<4x200x64xf32, #tpu.memory_space<vmem>>, vector<1x1x16xf32>,
          %get3A_787 = vector.shape_cast %get3A_786 : vector<1x1x16xf32> to vector<16xf32>
          %add3A_788 = arith.addf %add3A_758, %get3A_787 : vector<16xf32>
          %get3A_789 = arith.constant 2 : i32
          %get3A_790 = arith.index_cast %get3A_789 : i32 to index
          %get3A_791 = arith.index_cast %scan3A_781 : i32 to index
          %get3A_792 = arith.constant 16 : index
          %get3A_793 = tpu.vector_load %arg6[%get3A_790, %get3A_791, %get3A_792] {strides = array<i32>} : memref<4x200x64xf32, #tpu.memory_space<vmem>>, vector<1x1x16xf32>,
          %get3A_794 = vector.shape_cast %get3A_793 : vector<1x1x16xf32> to vector<16xf32>
          %add3A_795 = arith.addf %add3A_765, %get3A_794 : vector<16xf32>
          %get3A_796 = arith.constant 2 : i32
          %get3A_797 = arith.index_cast %get3A_796 : i32 to index
          %get3A_798 = arith.index_cast %scan3A_781 : i32 to index
          %get3A_799 = arith.constant 32 : index
          %get3A_800 = tpu.vector_load %arg6[%get3A_797, %get3A_798, %get3A_799] {strides = array<i32>} : memref<4x200x64xf32, #tpu.memory_space<vmem>>, vector<1x1x16xf32>,
          %get3A_801 = vector.shape_cast %get3A_800 : vector<1x1x16xf32> to vector<16xf32>
          %add3A_802 = arith.addf %add3A_772, %get3A_801 : vector<16xf32>
          %get3A_803 = arith.constant 2 : i32
          %get3A_804 = arith.index_cast %get3A_803 : i32 to index
          %get3A_805 = arith.index_cast %scan3A_781 : i32 to index
          %get3A_806 = arith.constant 48 : index
          %get3A_807 = tpu.vector_load %arg6[%get3A_804, %get3A_805, %get3A_806] {strides = array<i32>} : memref<4x200x64xf32, #tpu.memory_space<vmem>>, vector<1x1x16xf32>,
          %get3A_808 = vector.shape_cast %get3A_807 : vector<1x1x16xf32> to vector<16xf32>
          %add3A_809 = arith.addf %add3A_779, %get3A_808 : vector<16xf32>
          %scan3A_810 = arith.constant 3 : i32
          %scan3A_811 = arith.addi %scan3A_718, %scan3A_810 : i32
          %get3A_812 = arith.constant 2 : i32
          %get3A_813 = arith.index_cast %get3A_812 : i32 to index
          %get3A_814 = arith.index_cast %scan3A_811 : i32 to index
          %get3A_815 = arith.constant 0 : index
          %get3A_816 = tpu.vector_load %arg6[%get3A_813, %get3A_814, %get3A_815] {strides = array<i32>} : memref<4x200x64xf32, #tpu.memory_space<vmem>>, vector<1x1x16xf32>,
          %get3A_817 = vector.shape_cast %get3A_816 : vector<1x1x16xf32> to vector<16xf32>
          %add3A_818 = arith.addf %add3A_788, %get3A_817 : vector<16xf32>
          %get3A_819 = arith.constant 2 : i32
          %get3A_820 = arith.index_cast %get3A_819 : i32 to index
          %get3A_821 = arith.index_cast %scan3A_811 : i32 to index
          %get3A_822 = arith.constant 16 : index
          %get3A_823 = tpu.vector_load %arg6[%get3A_820, %get3A_821, %get3A_822] {strides = array<i32>} : memref<4x200x64xf32, #tpu.memory_space<vmem>>, vector<1x1x16xf32>,
          %get3A_824 = vector.shape_cast %get3A_823 : vector<1x1x16xf32> to vector<16xf32>
          %add3A_825 = arith.addf %add3A_795, %get3A_824 : vector<16xf32>
          %get3A_826 = arith.constant 2 : i32
          %get3A_827 = arith.index_cast %get3A_826 : i32 to index
          %get3A_828 = arith.index_cast %scan3A_811 : i32 to index
          %get3A_829 = arith.constant 32 : index
          %get3A_830 = tpu.vector_load %arg6[%get3A_827, %get3A_828, %get3A_829] {strides = array<i32>} : memref<4x200x64xf32, #tpu.memory_space<vmem>>, vector<1x1x16xf32>,
          %get3A_831 = vector.shape_cast %get3A_830 : vector<1x1x16xf32> to vector<16xf32>
          %add3A_832 = arith.addf %add3A_802, %get3A_831 : vector<16xf32>
          %get3A_833 = arith.constant 2 : i32
          %get3A_834 = arith.index_cast %get3A_833 : i32 to index
          %get3A_835 = arith.index_cast %scan3A_811 : i32 to index
          %get3A_836 = arith.constant 48 : index
          %get3A_837 = tpu.vector_load %arg6[%get3A_834, %get3A_835, %get3A_836] {strides = array<i32>} : memref<4x200x64xf32, #tpu.memory_space<vmem>>, vector<1x1x16xf32>,
          %get3A_838 = vector.shape_cast %get3A_837 : vector<1x1x16xf32> to vector<16xf32>
          %add3A_839 = arith.addf %add3A_809, %get3A_838 : vector<16xf32>
          scf.yield %add3A_818, %add3A_825, %add3A_832, %add3A_839 : vector<16xf32>, vector<16xf32>, vector<16xf32>, vector<16xf32>
        }
        %scan3A_553 = arith.constant 200 : i32
        %mul3A_554 = arith.constant 64 : i32
        %mul3A_555 = arith.muli %add3A_513, %mul3A_554 : i32
        %add3A_556 = arith.constant 0 : i32
        %add3A_557 = arith.addi %mul3A_555, %add3A_556 : i32
        %swap3A_558 = arith.index_cast %add3A_557 : i32 to index
        %swap3A_559 = tpu.vector_load %arg7[%swap3A_558] {strides = array<i32>} : memref<8192xf32, #tpu.memory_space<vmem>>, vector<16xf32>,
        %swap3A_560 = vector.shape_cast %swap3A_559 : vector<16xf32> to vector<16xf32>
        %swap3A_561 = vector.shape_cast %scan3A_552#0 : vector<16xf32> to vector<16xf32>
        tpu.vector_store %arg7[%swap3A_558], %swap3A_561 {strides = array<i32>} : memref<8192xf32, #tpu.memory_space<vmem>>, vector<16xf32>,
        %mul3A_562 = arith.constant 64 : i32
        %mul3A_563 = arith.muli %add3A_513, %mul3A_562 : i32
        %add3A_564 = arith.constant 16 : i32
        %add3A_565 = arith.addi %mul3A_563, %add3A_564 : i32
        %swap3A_566 = arith.index_cast %add3A_565 : i32 to index
        %swap3A_567 = tpu.vector_load %arg7[%swap3A_566] {strides = array<i32>} : memref<8192xf32, #tpu.memory_space<vmem>>, vector<16xf32>,
        %swap3A_568 = vector.shape_cast %swap3A_567 : vector<16xf32> to vector<16xf32>
        %swap3A_569 = vector.shape_cast %scan3A_552#1 : vector<16xf32> to vector<16xf32>
        tpu.vector_store %arg7[%swap3A_566], %swap3A_569 {strides = array<i32>} : memref<8192xf32, #tpu.memory_space<vmem>>, vector<16xf32>,
        %mul3A_570 = arith.constant 64 : i32
        %mul3A_571 = arith.muli %add3A_513, %mul3A_570 : i32
        %add3A_572 = arith.constant 32 : i32
        %add3A_573 = arith.addi %mul3A_571, %add3A_572 : i32
        %swap3A_574 = arith.index_cast %add3A_573 : i32 to index
        %swap3A_575 = tpu.vector_load %arg7[%swap3A_574] {strides = array<i32>} : memref<8192xf32, #tpu.memory_space<vmem>>, vector<16xf32>,
        %swap3A_576 = vector.shape_cast %swap3A_575 : vector<16xf32> to vector<16xf32>
        %swap3A_577 = vector.shape_cast %scan3A_552#2 : vector<16xf32> to vector<16xf32>
        tpu.vector_store %arg7[%swap3A_574], %swap3A_577 {strides = array<i32>} : memref<8192xf32, #tpu.memory_space<vmem>>, vector<16xf32>,
        %mul3A_578 = arith.constant 64 : i32
        %mul3A_579 = arith.muli %add3A_513, %mul3A_578 : i32
        %add3A_580 = arith.constant 48 : i32
        %add3A_581 = arith.addi %mul3A_579, %add3A_580 : i32
        %swap3A_582 = arith.index_cast %add3A_581 : i32 to index
        %swap3A_583 = tpu.vector_load %arg7[%swap3A_582] {strides = array<i32>} : memref<8192xf32, #tpu.memory_space<vmem>>, vector<16xf32>,
        %swap3A_584 = vector.shape_cast %swap3A_583 : vector<16xf32> to vector<16xf32>
        %swap3A_585 = vector.shape_cast %scan3A_552#3 : vector<16xf32> to vector<16xf32>
        tpu.vector_store %arg7[%swap3A_582], %swap3A_585 {strides = array<i32>} : memref<8192xf32, #tpu.memory_space<vmem>>, vector<16xf32>,
        %add3A_586 = arith.constant 4 : i32
        %add3A_587 = arith.addi %add3A_513, %add3A_586 : i32
        %mul3A_588 = arith.constant 200 : i32
        %mul3A_589 = arith.muli %add3A_587, %mul3A_588 : i32
        %add3A_590 = arith.constant 0 : i32
        %add3A_591 = arith.addi %mul3A_589, %add3A_590 : i32
        %dma_start3A_592 = arith.constant 2 : i32
        %dma_start3A_593 = arith.constant 0 : i32
        %dma_start3A_594 = arith.constant 0 : i32
        %dma_start3A_595 = tpu.memref_slice %arg6[%dma_start3A_592, %dma_start3A_593, %dma_start3A_594] : memref<4x200x64xf32, #tpu.memory_space<vmem>> -> memref<1x104x64xf32, #tpu.memory_space<vmem>>
        %dma_start3A_596 = tpu.memref_squeeze %dma_start3A_595 : memref<1x104x64xf32, #tpu.memory_space<vmem>> -> memref<104x64xf32, #tpu.memory_space<vmem>>
        %dma_start3A_597 = tpu.memref_slice %arg5[%add3A_591] : memref<25600xi32, #tpu.memory_space<vmem>> -> memref<104xi32, #tpu.memory_space<vmem>>
        %dma_start3A_598 = arith.constant 0 : i32
        %dma_start3A_599 = arith.constant 0 : i32
        %dma_start3A_600 = tpu.memref_slice %arg3[%dma_start3A_598, %dma_start3A_599] : memref<1000000x64xf32, #tpu.memory_space<hbm>> -> memref<1000000x64xf32, #tpu.memory_space<hbm>>
        tpu.enqueue_indirect_dma source(%dma_start3A_600 : memref<1000000x64xf32, #tpu.memory_space<hbm>>) target(%dma_start3A_596 : memref<104x64xf32, #tpu.memory_space<vmem>>) offsets(%dma_start3A_597 : memref<104xi32, #tpu.memory_space<vmem>>) semaphore(%arg10 : memref<!tpu.dma_semaphore, #tpu.memory_space<semaphore_mem>>)
        %mul3A_601 = arith.constant 200 : i32
        %mul3A_602 = arith.muli %add3A_587, %mul3A_601 : i32
        %add3A_603 = arith.constant 104 : i32
        %add3A_604 = arith.addi %mul3A_602, %add3A_603 : i32
        %dma_start3A_605 = arith.constant 2 : i32
        %dma_start3A_606 = arith.constant 104 : i32
        %dma_start3A_607 = arith.constant 0 : i32
        %dma_start3A_608 = tpu.memref_slice %arg6[%dma_start3A_605, %dma_start3A_606, %dma_start3A_607] : memref<4x200x64xf32, #tpu.memory_space<vmem>> -> memref<1x96x64xf32, #tpu.memory_space<vmem>>
        %dma_start3A_609 = tpu.memref_squeeze %dma_start3A_608 : memref<1x96x64xf32, #tpu.memory_space<vmem>> -> memref<96x64xf32, #tpu.memory_space<vmem>>
        %dma_start3A_610 = tpu.memref_slice %arg5[%add3A_604] : memref<25600xi32, #tpu.memory_space<vmem>> -> memref<96xi32, #tpu.memory_space<vmem>>
        %dma_start3A_611 = arith.constant 0 : i32
        %dma_start3A_612 = arith.constant 0 : i32
        %dma_start3A_613 = tpu.memref_slice %arg3[%dma_start3A_611, %dma_start3A_612] : memref<1000000x64xf32, #tpu.memory_space<hbm>> -> memref<1000000x64xf32, #tpu.memory_space<hbm>>
        tpu.enqueue_indirect_dma source(%dma_start3A_613 : memref<1000000x64xf32, #tpu.memory_space<hbm>>) target(%dma_start3A_609 : memref<96x64xf32, #tpu.memory_space<vmem>>) offsets(%dma_start3A_610 : memref<96xi32, #tpu.memory_space<vmem>>) semaphore(%arg10 : memref<!tpu.dma_semaphore, #tpu.memory_space<semaphore_mem>>)
        %mul3A_614 = arith.constant 4 : i32
        %mul3A_615 = arith.muli %scan3A_301, %mul3A_614 : i32
        %add3A_616 = arith.constant 3 : i32
        %add3A_617 = arith.addi %mul3A_615, %add3A_616 : i32
        %mul3A_618 = arith.constant 200 : i32
        %mul3A_619 = arith.muli %add3A_617, %mul3A_618 : i32
        %add3A_620 = arith.constant 0 : i32
        %add3A_621 = arith.addi %mul3A_619, %add3A_620 : i32
        %dma_wait3A_622 = arith.constant 3 : i32
        %dma_wait3A_623 = arith.constant 0 : i32
        %dma_wait3A_624 = arith.constant 0 : i32
        %dma_wait3A_625 = tpu.memref_slice %arg6[%dma_wait3A_622, %dma_wait3A_623, %dma_wait3A_624] : memref<4x200x64xf32, #tpu.memory_space<vmem>> -> memref<1x104x64xf32, #tpu.memory_space<vmem>>
        %dma_wait3A_626 = tpu.memref_squeeze %dma_wait3A_625 : memref<1x104x64xf32, #tpu.memory_space<vmem>> -> memref<104x64xf32, #tpu.memory_space<vmem>>
        %dma_wait3A_627 = tpu.memref_slice %arg5[%add3A_621] : memref<25600xi32, #tpu.memory_space<vmem>> -> memref<104xi32, #tpu.memory_space<vmem>>
        %dma_wait3A_628 = arith.constant 0 : i32
        %dma_wait3A_629 = arith.constant 0 : i32
        %dma_wait3A_630 = tpu.memref_slice %arg3[%dma_wait3A_628, %dma_wait3A_629] : memref<1000000x64xf32, #tpu.memory_space<hbm>> -> memref<1000000x64xf32, #tpu.memory_space<hbm>>
        tpu.wait_indirect_dma semaphore(%arg11 : memref<!tpu.dma_semaphore, #tpu.memory_space<semaphore_mem>>) src(%dma_wait3A_630 : memref<1000000x64xf32, #tpu.memory_space<hbm>>) dst(%dma_wait3A_626 : memref<104x64xf32, #tpu.memory_space<vmem>>)
        %mul3A_631 = arith.constant 200 : i32
        %mul3A_632 = arith.muli %add3A_617, %mul3A_631 : i32
        %add3A_633 = arith.constant 104 : i32
        %add3A_634 = arith.addi %mul3A_632, %add3A_633 : i32
        %dma_wait3A_635 = arith.constant 3 : i32
        %dma_wait3A_636 = arith.constant 104 : i32
        %dma_wait3A_637 = arith.constant 0 : i32
        %dma_wait3A_638 = tpu.memref_slice %arg6[%dma_wait3A_635, %dma_wait3A_636, %dma_wait3A_637] : memref<4x200x64xf32, #tpu.memory_space<vmem>> -> memref<1x96x64xf32, #tpu.memory_space<vmem>>
        %dma_wait3A_639 = tpu.memref_squeeze %dma_wait3A_638 : memref<1x96x64xf32, #tpu.memory_space<vmem>> -> memref<96x64xf32, #tpu.memory_space<vmem>>
        %dma_wait3A_640 = tpu.memref_slice %arg5[%add3A_634] : memref<25600xi32, #tpu.memory_space<vmem>> -> memref<96xi32, #tpu.memory_space<vmem>>
        %dma_wait3A_641 = arith.constant 0 : i32
        %dma_wait3A_642 = arith.constant 0 : i32
        %dma_wait3A_643 = tpu.memref_slice %arg3[%dma_wait3A_641, %dma_wait3A_642] : memref<1000000x64xf32, #tpu.memory_space<hbm>> -> memref<1000000x64xf32, #tpu.memory_space<hbm>>
        tpu.wait_indirect_dma semaphore(%arg11 : memref<!tpu.dma_semaphore, #tpu.memory_space<semaphore_mem>>) src(%dma_wait3A_643 : memref<1000000x64xf32, #tpu.memory_space<hbm>>) dst(%dma_wait3A_639 : memref<96x64xf32, #tpu.memory_space<vmem>>)
        %broadcast_in_dim3A_644 = arith.constant 0.000000e+00 : f32
        %broadcast_in_dim3A_645 = vector.broadcast %broadcast_in_dim3A_644 : f32 to vector<16xf32>
        %broadcast_in_dim3A_646 = arith.constant 0.000000e+00 : f32
        %broadcast_in_dim3A_647 = vector.broadcast %broadcast_in_dim3A_646 : f32 to vector<16xf32>
        %broadcast_in_dim3A_648 = arith.constant 0.000000e+00 : f32
        %broadcast_in_dim3A_649 = vector.broadcast %broadcast_in_dim3A_648 : f32 to vector<16xf32>
        %broadcast_in_dim3A_650 = arith.constant 0.000000e+00 : f32
        %broadcast_in_dim3A_651 = vector.broadcast %broadcast_in_dim3A_650 : f32 to vector<16xf32>
        %scan3A_652 = arith.constant 0 : i32
        %scan3A_653 = arith.constant 200 : i32
        %scan3A_654 = arith.addi %scan3A_652, %scan3A_653 : i32
        %scan3A_655 = arith.constant 4 : i32
        %scan3A_656:4 = scf.for %scan3A_718 = %scan3A_652 to %scan3A_654 step %scan3A_655 iter_args(%scan3A_719 = %broadcast_in_dim3A_645, %scan3A_720 = %broadcast_in_dim3A_647, %scan3A_721 = %broadcast_in_dim3A_649, %scan3A_722 = %broadcast_in_dim3A_651) -> (vector<16xf32>, vector<16xf32>, vector<16xf32>, vector<16xf32>)  : i32 {
          %get3A = arith.constant 3 : i32
          %get3A_723 = arith.index_cast %get3A : i32 to index
          %get3A_724 = arith.index_cast %scan3A_718 : i32 to index
          %get3A_725 = arith.constant 0 : index
          %get3A_726 = tpu.vector_load %arg6[%get3A_723, %get3A_724, %get3A_725] {strides = array<i32>} : memref<4x200x64xf32, #tpu.memory_space<vmem>>, vector<1x1x16xf32>,
          %get3A_727 = vector.shape_cast %get3A_726 : vector<1x1x16xf32> to vector<16xf32>
          %add3A_728 = arith.addf %scan3A_719, %get3A_727 : vector<16xf32>
          %get3A_729 = arith.constant 3 : i32
          %get3A_730 = arith.index_cast %get3A_729 : i32 to index
          %get3A_731 = arith.index_cast %scan3A_718 : i32 to index
          %get3A_732 = arith.constant 16 : index
          %get3A_733 = tpu.vector_load %arg6[%get3A_730, %get3A_731, %get3A_732] {strides = array<i32>} : memref<4x200x64xf32, #tpu.memory_space<vmem>>, vector<1x1x16xf32>,
          %get3A_734 = vector.shape_cast %get3A_733 : vector<1x1x16xf32> to vector<16xf32>
          %add3A_735 = arith.addf %scan3A_720, %get3A_734 : vector<16xf32>
          %get3A_736 = arith.constant 3 : i32
          %get3A_737 = arith.index_cast %get3A_736 : i32 to index
          %get3A_738 = arith.index_cast %scan3A_718 : i32 to index
          %get3A_739 = arith.constant 32 : index
          %get3A_740 = tpu.vector_load %arg6[%get3A_737, %get3A_738, %get3A_739] {strides = array<i32>} : memref<4x200x64xf32, #tpu.memory_space<vmem>>, vector<1x1x16xf32>,
          %get3A_741 = vector.shape_cast %get3A_740 : vector<1x1x16xf32> to vector<16xf32>
          %add3A_742 = arith.addf %scan3A_721, %get3A_741 : vector<16xf32>
          %get3A_743 = arith.constant 3 : i32
          %get3A_744 = arith.index_cast %get3A_743 : i32 to index
          %get3A_745 = arith.index_cast %scan3A_718 : i32 to index
          %get3A_746 = arith.constant 48 : index
          %get3A_747 = tpu.vector_load %arg6[%get3A_744, %get3A_745, %get3A_746] {strides = array<i32>} : memref<4x200x64xf32, #tpu.memory_space<vmem>>, vector<1x1x16xf32>,
          %get3A_748 = vector.shape_cast %get3A_747 : vector<1x1x16xf32> to vector<16xf32>
          %add3A_749 = arith.addf %scan3A_722, %get3A_748 : vector<16xf32>
          %scan3A_750 = arith.constant 1 : i32
          %scan3A_751 = arith.addi %scan3A_718, %scan3A_750 : i32
          %get3A_752 = arith.constant 3 : i32
          %get3A_753 = arith.index_cast %get3A_752 : i32 to index
          %get3A_754 = arith.index_cast %scan3A_751 : i32 to index
          %get3A_755 = arith.constant 0 : index
          %get3A_756 = tpu.vector_load %arg6[%get3A_753, %get3A_754, %get3A_755] {strides = array<i32>} : memref<4x200x64xf32, #tpu.memory_space<vmem>>, vector<1x1x16xf32>,
          %get3A_757 = vector.shape_cast %get3A_756 : vector<1x1x16xf32> to vector<16xf32>
          %add3A_758 = arith.addf %add3A_728, %get3A_757 : vector<16xf32>
          %get3A_759 = arith.constant 3 : i32
          %get3A_760 = arith.index_cast %get3A_759 : i32 to index
          %get3A_761 = arith.index_cast %scan3A_751 : i32 to index
          %get3A_762 = arith.constant 16 : index
          %get3A_763 = tpu.vector_load %arg6[%get3A_760, %get3A_761, %get3A_762] {strides = array<i32>} : memref<4x200x64xf32, #tpu.memory_space<vmem>>, vector<1x1x16xf32>,
          %get3A_764 = vector.shape_cast %get3A_763 : vector<1x1x16xf32> to vector<16xf32>
          %add3A_765 = arith.addf %add3A_735, %get3A_764 : vector<16xf32>
          %get3A_766 = arith.constant 3 : i32
          %get3A_767 = arith.index_cast %get3A_766 : i32 to index
          %get3A_768 = arith.index_cast %scan3A_751 : i32 to index
          %get3A_769 = arith.constant 32 : index
          %get3A_770 = tpu.vector_load %arg6[%get3A_767, %get3A_768, %get3A_769] {strides = array<i32>} : memref<4x200x64xf32, #tpu.memory_space<vmem>>, vector<1x1x16xf32>,
          %get3A_771 = vector.shape_cast %get3A_770 : vector<1x1x16xf32> to vector<16xf32>
          %add3A_772 = arith.addf %add3A_742, %get3A_771 : vector<16xf32>
          %get3A_773 = arith.constant 3 : i32
          %get3A_774 = arith.index_cast %get3A_773 : i32 to index
          %get3A_775 = arith.index_cast %scan3A_751 : i32 to index
          %get3A_776 = arith.constant 48 : index
          %get3A_777 = tpu.vector_load %arg6[%get3A_774, %get3A_775, %get3A_776] {strides = array<i32>} : memref<4x200x64xf32, #tpu.memory_space<vmem>>, vector<1x1x16xf32>,
          %get3A_778 = vector.shape_cast %get3A_777 : vector<1x1x16xf32> to vector<16xf32>
          %add3A_779 = arith.addf %add3A_749, %get3A_778 : vector<16xf32>
          %scan3A_780 = arith.constant 2 : i32
          %scan3A_781 = arith.addi %scan3A_718, %scan3A_780 : i32
          %get3A_782 = arith.constant 3 : i32
          %get3A_783 = arith.index_cast %get3A_782 : i32 to index
          %get3A_784 = arith.index_cast %scan3A_781 : i32 to index
          %get3A_785 = arith.constant 0 : index
          %get3A_786 = tpu.vector_load %arg6[%get3A_783, %get3A_784, %get3A_785] {strides = array<i32>} : memref<4x200x64xf32, #tpu.memory_space<vmem>>, vector<1x1x16xf32>,
          %get3A_787 = vector.shape_cast %get3A_786 : vector<1x1x16xf32> to vector<16xf32>
          %add3A_788 = arith.addf %add3A_758, %get3A_787 : vector<16xf32>
          %get3A_789 = arith.constant 3 : i32
          %get3A_790 = arith.index_cast %get3A_789 : i32 to index
          %get3A_791 = arith.index_cast %scan3A_781 : i32 to index
          %get3A_792 = arith.constant 16 : index
          %get3A_793 = tpu.vector_load %arg6[%get3A_790, %get3A_791, %get3A_792] {strides = array<i32>} : memref<4x200x64xf32, #tpu.memory_space<vmem>>, vector<1x1x16xf32>,
          %get3A_794 = vector.shape_cast %get3A_793 : vector<1x1x16xf32> to vector<16xf32>
          %add3A_795 = arith.addf %add3A_765, %get3A_794 : vector<16xf32>
          %get3A_796 = arith.constant 3 : i32
          %get3A_797 = arith.index_cast %get3A_796 : i32 to index
          %get3A_798 = arith.index_cast %scan3A_781 : i32 to index
          %get3A_799 = arith.constant 32 : index
          %get3A_800 = tpu.vector_load %arg6[%get3A_797, %get3A_798, %get3A_799] {strides = array<i32>} : memref<4x200x64xf32, #tpu.memory_space<vmem>>, vector<1x1x16xf32>,
          %get3A_801 = vector.shape_cast %get3A_800 : vector<1x1x16xf32> to vector<16xf32>
          %add3A_802 = arith.addf %add3A_772, %get3A_801 : vector<16xf32>
          %get3A_803 = arith.constant 3 : i32
          %get3A_804 = arith.index_cast %get3A_803 : i32 to index
          %get3A_805 = arith.index_cast %scan3A_781 : i32 to index
          %get3A_806 = arith.constant 48 : index
          %get3A_807 = tpu.vector_load %arg6[%get3A_804, %get3A_805, %get3A_806] {strides = array<i32>} : memref<4x200x64xf32, #tpu.memory_space<vmem>>, vector<1x1x16xf32>,
          %get3A_808 = vector.shape_cast %get3A_807 : vector<1x1x16xf32> to vector<16xf32>
          %add3A_809 = arith.addf %add3A_779, %get3A_808 : vector<16xf32>
          %scan3A_810 = arith.constant 3 : i32
          %scan3A_811 = arith.addi %scan3A_718, %scan3A_810 : i32
          %get3A_812 = arith.constant 3 : i32
          %get3A_813 = arith.index_cast %get3A_812 : i32 to index
          %get3A_814 = arith.index_cast %scan3A_811 : i32 to index
          %get3A_815 = arith.constant 0 : index
          %get3A_816 = tpu.vector_load %arg6[%get3A_813, %get3A_814, %get3A_815] {strides = array<i32>} : memref<4x200x64xf32, #tpu.memory_space<vmem>>, vector<1x1x16xf32>,
          %get3A_817 = vector.shape_cast %get3A_816 : vector<1x1x16xf32> to vector<16xf32>
          %add3A_818 = arith.addf %add3A_788, %get3A_817 : vector<16xf32>
          %get3A_819 = arith.constant 3 : i32
          %get3A_820 = arith.index_cast %get3A_819 : i32 to index
          %get3A_821 = arith.index_cast %scan3A_811 : i32 to index
          %get3A_822 = arith.constant 16 : index
          %get3A_823 = tpu.vector_load %arg6[%get3A_820, %get3A_821, %get3A_822] {strides = array<i32>} : memref<4x200x64xf32, #tpu.memory_space<vmem>>, vector<1x1x16xf32>,
          %get3A_824 = vector.shape_cast %get3A_823 : vector<1x1x16xf32> to vector<16xf32>
          %add3A_825 = arith.addf %add3A_795, %get3A_824 : vector<16xf32>
          %get3A_826 = arith.constant 3 : i32
          %get3A_827 = arith.index_cast %get3A_826 : i32 to index
          %get3A_828 = arith.index_cast %scan3A_811 : i32 to index
          %get3A_829 = arith.constant 32 : index
          %get3A_830 = tpu.vector_load %arg6[%get3A_827, %get3A_828, %get3A_829] {strides = array<i32>} : memref<4x200x64xf32, #tpu.memory_space<vmem>>, vector<1x1x16xf32>,
          %get3A_831 = vector.shape_cast %get3A_830 : vector<1x1x16xf32> to vector<16xf32>
          %add3A_832 = arith.addf %add3A_802, %get3A_831 : vector<16xf32>
          %get3A_833 = arith.constant 3 : i32
          %get3A_834 = arith.index_cast %get3A_833 : i32 to index
          %get3A_835 = arith.index_cast %scan3A_811 : i32 to index
          %get3A_836 = arith.constant 48 : index
          %get3A_837 = tpu.vector_load %arg6[%get3A_834, %get3A_835, %get3A_836] {strides = array<i32>} : memref<4x200x64xf32, #tpu.memory_space<vmem>>, vector<1x1x16xf32>,
          %get3A_838 = vector.shape_cast %get3A_837 : vector<1x1x16xf32> to vector<16xf32>
          %add3A_839 = arith.addf %add3A_809, %get3A_838 : vector<16xf32>
          scf.yield %add3A_818, %add3A_825, %add3A_832, %add3A_839 : vector<16xf32>, vector<16xf32>, vector<16xf32>, vector<16xf32>
        }
        %scan3A_657 = arith.constant 200 : i32
        %mul3A_658 = arith.constant 64 : i32
        %mul3A_659 = arith.muli %add3A_617, %mul3A_658 : i32
        %add3A_660 = arith.constant 0 : i32
        %add3A_661 = arith.addi %mul3A_659, %add3A_660 : i32
        %swap3A_662 = arith.index_cast %add3A_661 : i32 to index
        %swap3A_663 = tpu.vector_load %arg7[%swap3A_662] {strides = array<i32>} : memref<8192xf32, #tpu.memory_space<vmem>>, vector<16xf32>,
        %swap3A_664 = vector.shape_cast %swap3A_663 : vector<16xf32> to vector<16xf32>
        %swap3A_665 = vector.shape_cast %scan3A_656#0 : vector<16xf32> to vector<16xf32>
        tpu.vector_store %arg7[%swap3A_662], %swap3A_665 {strides = array<i32>} : memref<8192xf32, #tpu.memory_space<vmem>>, vector<16xf32>,
        %mul3A_666 = arith.constant 64 : i32
        %mul3A_667 = arith.muli %add3A_617, %mul3A_666 : i32
        %add3A_668 = arith.constant 16 : i32
        %add3A_669 = arith.addi %mul3A_667, %add3A_668 : i32
        %swap3A_670 = arith.index_cast %add3A_669 : i32 to index
        %swap3A_671 = tpu.vector_load %arg7[%swap3A_670] {strides = array<i32>} : memref<8192xf32, #tpu.memory_space<vmem>>, vector<16xf32>,
        %swap3A_672 = vector.shape_cast %swap3A_671 : vector<16xf32> to vector<16xf32>
        %swap3A_673 = vector.shape_cast %scan3A_656#1 : vector<16xf32> to vector<16xf32>
        tpu.vector_store %arg7[%swap3A_670], %swap3A_673 {strides = array<i32>} : memref<8192xf32, #tpu.memory_space<vmem>>, vector<16xf32>,
        %mul3A_674 = arith.constant 64 : i32
        %mul3A_675 = arith.muli %add3A_617, %mul3A_674 : i32
        %add3A_676 = arith.constant 32 : i32
        %add3A_677 = arith.addi %mul3A_675, %add3A_676 : i32
        %swap3A_678 = arith.index_cast %add3A_677 : i32 to index
        %swap3A_679 = tpu.vector_load %arg7[%swap3A_678] {strides = array<i32>} : memref<8192xf32, #tpu.memory_space<vmem>>, vector<16xf32>,
        %swap3A_680 = vector.shape_cast %swap3A_679 : vector<16xf32> to vector<16xf32>
        %swap3A_681 = vector.shape_cast %scan3A_656#2 : vector<16xf32> to vector<16xf32>
        tpu.vector_store %arg7[%swap3A_678], %swap3A_681 {strides = array<i32>} : memref<8192xf32, #tpu.memory_space<vmem>>, vector<16xf32>,
        %mul3A_682 = arith.constant 64 : i32
        %mul3A_683 = arith.muli %add3A_617, %mul3A_682 : i32
        %add3A_684 = arith.constant 48 : i32
        %add3A_685 = arith.addi %mul3A_683, %add3A_684 : i32
        %swap3A_686 = arith.index_cast %add3A_685 : i32 to index
        %swap3A_687 = tpu.vector_load %arg7[%swap3A_686] {strides = array<i32>} : memref<8192xf32, #tpu.memory_space<vmem>>, vector<16xf32>,
        %swap3A_688 = vector.shape_cast %swap3A_687 : vector<16xf32> to vector<16xf32>
        %swap3A_689 = vector.shape_cast %scan3A_656#3 : vector<16xf32> to vector<16xf32>
        tpu.vector_store %arg7[%swap3A_686], %swap3A_689 {strides = array<i32>} : memref<8192xf32, #tpu.memory_space<vmem>>, vector<16xf32>,
        %add3A_690 = arith.constant 4 : i32
        %add3A_691 = arith.addi %add3A_617, %add3A_690 : i32
        %mul3A_692 = arith.constant 200 : i32
        %mul3A_693 = arith.muli %add3A_691, %mul3A_692 : i32
        %add3A_694 = arith.constant 0 : i32
        %add3A_695 = arith.addi %mul3A_693, %add3A_694 : i32
        %dma_start3A_696 = arith.constant 3 : i32
        %dma_start3A_697 = arith.constant 0 : i32
        %dma_start3A_698 = arith.constant 0 : i32
        %dma_start3A_699 = tpu.memref_slice %arg6[%dma_start3A_696, %dma_start3A_697, %dma_start3A_698] : memref<4x200x64xf32, #tpu.memory_space<vmem>> -> memref<1x104x64xf32, #tpu.memory_space<vmem>>
        %dma_start3A_700 = tpu.memref_squeeze %dma_start3A_699 : memref<1x104x64xf32, #tpu.memory_space<vmem>> -> memref<104x64xf32, #tpu.memory_space<vmem>>
        %dma_start3A_701 = tpu.memref_slice %arg5[%add3A_695] : memref<25600xi32, #tpu.memory_space<vmem>> -> memref<104xi32, #tpu.memory_space<vmem>>
        %dma_start3A_702 = arith.constant 0 : i32
        %dma_start3A_703 = arith.constant 0 : i32
        %dma_start3A_704 = tpu.memref_slice %arg3[%dma_start3A_702, %dma_start3A_703] : memref<1000000x64xf32, #tpu.memory_space<hbm>> -> memref<1000000x64xf32, #tpu.memory_space<hbm>>
        tpu.enqueue_indirect_dma source(%dma_start3A_704 : memref<1000000x64xf32, #tpu.memory_space<hbm>>) target(%dma_start3A_700 : memref<104x64xf32, #tpu.memory_space<vmem>>) offsets(%dma_start3A_701 : memref<104xi32, #tpu.memory_space<vmem>>) semaphore(%arg11 : memref<!tpu.dma_semaphore, #tpu.memory_space<semaphore_mem>>)
        %mul3A_705 = arith.constant 200 : i32
        %mul3A_706 = arith.muli %add3A_691, %mul3A_705 : i32
        %add3A_707 = arith.constant 104 : i32
        %add3A_708 = arith.addi %mul3A_706, %add3A_707 : i32
        %dma_start3A_709 = arith.constant 3 : i32
        %dma_start3A_710 = arith.constant 104 : i32
        %dma_start3A_711 = arith.constant 0 : i32
        %dma_start3A_712 = tpu.memref_slice %arg6[%dma_start3A_709, %dma_start3A_710, %dma_start3A_711] : memref<4x200x64xf32, #tpu.memory_space<vmem>> -> memref<1x96x64xf32, #tpu.memory_space<vmem>>
        %dma_start3A_713 = tpu.memref_squeeze %dma_start3A_712 : memref<1x96x64xf32, #tpu.memory_space<vmem>> -> memref<96x64xf32, #tpu.memory_space<vmem>>
        %dma_start3A_714 = tpu.memref_slice %arg5[%add3A_708] : memref<25600xi32, #tpu.memory_space<vmem>> -> memref<96xi32, #tpu.memory_space<vmem>>
        %dma_start3A_715 = arith.constant 0 : i32
        %dma_start3A_716 = arith.constant 0 : i32
        %dma_start3A_717 = tpu.memref_slice %arg3[%dma_start3A_715, %dma_start3A_716] : memref<1000000x64xf32, #tpu.memory_space<hbm>> -> memref<1000000x64xf32, #tpu.memory_space<hbm>>
        tpu.enqueue_indirect_dma source(%dma_start3A_717 : memref<1000000x64xf32, #tpu.memory_space<hbm>>) target(%dma_start3A_713 : memref<96x64xf32, #tpu.memory_space<vmem>>) offsets(%dma_start3A_714 : memref<96xi32, #tpu.memory_space<vmem>>) semaphore(%arg11 : memref<!tpu.dma_semaphore, #tpu.memory_space<semaphore_mem>>)
      }
      %scan3A_98 = arith.constant 31 : i32
      %dma_wait3A = arith.constant 0 : i32
      %dma_wait3A_99 = arith.constant 0 : i32
      %dma_wait3A_100 = arith.constant 0 : i32
      %dma_wait3A_101 = tpu.memref_slice %arg6[%dma_wait3A, %dma_wait3A_99, %dma_wait3A_100] : memref<4x200x64xf32, #tpu.memory_space<vmem>> -> memref<1x104x64xf32, #tpu.memory_space<vmem>>
      %dma_wait3A_102 = tpu.memref_squeeze %dma_wait3A_101 : memref<1x104x64xf32, #tpu.memory_space<vmem>> -> memref<104x64xf32, #tpu.memory_space<vmem>>
      %dma_wait3A_103 = arith.constant 24800 : i32
      %dma_wait3A_104 = tpu.memref_slice %arg5[%dma_wait3A_103] : memref<25600xi32, #tpu.memory_space<vmem>> -> memref<104xi32, #tpu.memory_space<vmem>>
      %dma_wait3A_105 = arith.constant 0 : i32
      %dma_wait3A_106 = arith.constant 0 : i32
      %dma_wait3A_107 = tpu.memref_slice %arg3[%dma_wait3A_105, %dma_wait3A_106] : memref<1000000x64xf32, #tpu.memory_space<hbm>> -> memref<1000000x64xf32, #tpu.memory_space<hbm>>
      tpu.wait_indirect_dma semaphore(%arg8 : memref<!tpu.dma_semaphore, #tpu.memory_space<semaphore_mem>>) src(%dma_wait3A_107 : memref<1000000x64xf32, #tpu.memory_space<hbm>>) dst(%dma_wait3A_102 : memref<104x64xf32, #tpu.memory_space<vmem>>)
      %dma_wait3A_108 = arith.constant 0 : i32
      %dma_wait3A_109 = arith.constant 104 : i32
      %dma_wait3A_110 = arith.constant 0 : i32
      %dma_wait3A_111 = tpu.memref_slice %arg6[%dma_wait3A_108, %dma_wait3A_109, %dma_wait3A_110] : memref<4x200x64xf32, #tpu.memory_space<vmem>> -> memref<1x96x64xf32, #tpu.memory_space<vmem>>
      %dma_wait3A_112 = tpu.memref_squeeze %dma_wait3A_111 : memref<1x96x64xf32, #tpu.memory_space<vmem>> -> memref<96x64xf32, #tpu.memory_space<vmem>>
      %dma_wait3A_113 = arith.constant 24904 : i32
      %dma_wait3A_114 = tpu.memref_slice %arg5[%dma_wait3A_113] : memref<25600xi32, #tpu.memory_space<vmem>> -> memref<96xi32, #tpu.memory_space<vmem>>
      %dma_wait3A_115 = arith.constant 0 : i32
      %dma_wait3A_116 = arith.constant 0 : i32
      %dma_wait3A_117 = tpu.memref_slice %arg3[%dma_wait3A_115, %dma_wait3A_116] : memref<1000000x64xf32, #tpu.memory_space<hbm>> -> memref<1000000x64xf32, #tpu.memory_space<hbm>>
      tpu.wait_indirect_dma semaphore(%arg8 : memref<!tpu.dma_semaphore, #tpu.memory_space<semaphore_mem>>) src(%dma_wait3A_117 : memref<1000000x64xf32, #tpu.memory_space<hbm>>) dst(%dma_wait3A_112 : memref<96x64xf32, #tpu.memory_space<vmem>>)
      %broadcast_in_dim3A = arith.constant 0.000000e+00 : f32
      %broadcast_in_dim3A_118 = vector.broadcast %broadcast_in_dim3A : f32 to vector<16xf32>
      %broadcast_in_dim3A_119 = arith.constant 0.000000e+00 : f32
      %broadcast_in_dim3A_120 = vector.broadcast %broadcast_in_dim3A_119 : f32 to vector<16xf32>
      %broadcast_in_dim3A_121 = arith.constant 0.000000e+00 : f32
      %broadcast_in_dim3A_122 = vector.broadcast %broadcast_in_dim3A_121 : f32 to vector<16xf32>
      %broadcast_in_dim3A_123 = arith.constant 0.000000e+00 : f32
      %broadcast_in_dim3A_124 = vector.broadcast %broadcast_in_dim3A_123 : f32 to vector<16xf32>
      %scan3A_125 = arith.constant 0 : i32
      %scan3A_126 = arith.constant 200 : i32
      %scan3A_127 = arith.addi %scan3A_125, %scan3A_126 : i32
      %scan3A_128 = arith.constant 4 : i32
      %scan3A_129:4 = scf.for %scan3A_301 = %scan3A_125 to %scan3A_127 step %scan3A_128 iter_args(%scan3A_302 = %broadcast_in_dim3A_118, %scan3A_303 = %broadcast_in_dim3A_120, %scan3A_304 = %broadcast_in_dim3A_122, %scan3A_305 = %broadcast_in_dim3A_124) -> (vector<16xf32>, vector<16xf32>, vector<16xf32>, vector<16xf32>)  : i32 {
        %get3A = arith.constant 0 : i32
        %get3A_306 = arith.index_cast %get3A : i32 to index
        %get3A_307 = arith.index_cast %scan3A_301 : i32 to index
        %get3A_308 = arith.constant 0 : index
        %get3A_309 = tpu.vector_load %arg6[%get3A_306, %get3A_307, %get3A_308] {strides = array<i32>} : memref<4x200x64xf32, #tpu.memory_space<vmem>>, vector<1x1x16xf32>,
        %get3A_310 = vector.shape_cast %get3A_309 : vector<1x1x16xf32> to vector<16xf32>
        %add3A_311 = arith.addf %scan3A_302, %get3A_310 : vector<16xf32>
        %get3A_312 = arith.constant 0 : i32
        %get3A_313 = arith.index_cast %get3A_312 : i32 to index
        %get3A_314 = arith.index_cast %scan3A_301 : i32 to index
        %get3A_315 = arith.constant 16 : index
        %get3A_316 = tpu.vector_load %arg6[%get3A_313, %get3A_314, %get3A_315] {strides = array<i32>} : memref<4x200x64xf32, #tpu.memory_space<vmem>>, vector<1x1x16xf32>,
        %get3A_317 = vector.shape_cast %get3A_316 : vector<1x1x16xf32> to vector<16xf32>
        %add3A_318 = arith.addf %scan3A_303, %get3A_317 : vector<16xf32>
        %get3A_319 = arith.constant 0 : i32
        %get3A_320 = arith.index_cast %get3A_319 : i32 to index
        %get3A_321 = arith.index_cast %scan3A_301 : i32 to index
        %get3A_322 = arith.constant 32 : index
        %get3A_323 = tpu.vector_load %arg6[%get3A_320, %get3A_321, %get3A_322] {strides = array<i32>} : memref<4x200x64xf32, #tpu.memory_space<vmem>>, vector<1x1x16xf32>,
        %get3A_324 = vector.shape_cast %get3A_323 : vector<1x1x16xf32> to vector<16xf32>
        %add3A_325 = arith.addf %scan3A_304, %get3A_324 : vector<16xf32>
        %get3A_326 = arith.constant 0 : i32
        %get3A_327 = arith.index_cast %get3A_326 : i32 to index
        %get3A_328 = arith.index_cast %scan3A_301 : i32 to index
        %get3A_329 = arith.constant 48 : index
        %get3A_330 = tpu.vector_load %arg6[%get3A_327, %get3A_328, %get3A_329] {strides = array<i32>} : memref<4x200x64xf32, #tpu.memory_space<vmem>>, vector<1x1x16xf32>,
        %get3A_331 = vector.shape_cast %get3A_330 : vector<1x1x16xf32> to vector<16xf32>
        %add3A_332 = arith.addf %scan3A_305, %get3A_331 : vector<16xf32>
        %scan3A_333 = arith.constant 1 : i32
        %scan3A_334 = arith.addi %scan3A_301, %scan3A_333 : i32
        %get3A_335 = arith.constant 0 : i32
        %get3A_336 = arith.index_cast %get3A_335 : i32 to index
        %get3A_337 = arith.index_cast %scan3A_334 : i32 to index
        %get3A_338 = arith.constant 0 : index
        %get3A_339 = tpu.vector_load %arg6[%get3A_336, %get3A_337, %get3A_338] {strides = array<i32>} : memref<4x200x64xf32, #tpu.memory_space<vmem>>, vector<1x1x16xf32>,
        %get3A_340 = vector.shape_cast %get3A_339 : vector<1x1x16xf32> to vector<16xf32>
        %add3A_341 = arith.addf %add3A_311, %get3A_340 : vector<16xf32>
        %get3A_342 = arith.constant 0 : i32
        %get3A_343 = arith.index_cast %get3A_342 : i32 to index
        %get3A_344 = arith.index_cast %scan3A_334 : i32 to index
        %get3A_345 = arith.constant 16 : index
        %get3A_346 = tpu.vector_load %arg6[%get3A_343, %get3A_344, %get3A_345] {strides = array<i32>} : memref<4x200x64xf32, #tpu.memory_space<vmem>>, vector<1x1x16xf32>,
        %get3A_347 = vector.shape_cast %get3A_346 : vector<1x1x16xf32> to vector<16xf32>
        %add3A_348 = arith.addf %add3A_318, %get3A_347 : vector<16xf32>
        %get3A_349 = arith.constant 0 : i32
        %get3A_350 = arith.index_cast %get3A_349 : i32 to index
        %get3A_351 = arith.index_cast %scan3A_334 : i32 to index
        %get3A_352 = arith.constant 32 : index
        %get3A_353 = tpu.vector_load %arg6[%get3A_350, %get3A_351, %get3A_352] {strides = array<i32>} : memref<4x200x64xf32, #tpu.memory_space<vmem>>, vector<1x1x16xf32>,
        %get3A_354 = vector.shape_cast %get3A_353 : vector<1x1x16xf32> to vector<16xf32>
        %add3A_355 = arith.addf %add3A_325, %get3A_354 : vector<16xf32>
        %get3A_356 = arith.constant 0 : i32
        %get3A_357 = arith.index_cast %get3A_356 : i32 to index
        %get3A_358 = arith.index_cast %scan3A_334 : i32 to index
        %get3A_359 = arith.constant 48 : index
        %get3A_360 = tpu.vector_load %arg6[%get3A_357, %get3A_358, %get3A_359] {strides = array<i32>} : memref<4x200x64xf32, #tpu.memory_space<vmem>>, vector<1x1x16xf32>,
        %get3A_361 = vector.shape_cast %get3A_360 : vector<1x1x16xf32> to vector<16xf32>
        %add3A_362 = arith.addf %add3A_332, %get3A_361 : vector<16xf32>
        %scan3A_363 = arith.constant 2 : i32
        %scan3A_364 = arith.addi %scan3A_301, %scan3A_363 : i32
        %get3A_365 = arith.constant 0 : i32
        %get3A_366 = arith.index_cast %get3A_365 : i32 to index
        %get3A_367 = arith.index_cast %scan3A_364 : i32 to index
        %get3A_368 = arith.constant 0 : index
        %get3A_369 = tpu.vector_load %arg6[%get3A_366, %get3A_367, %get3A_368] {strides = array<i32>} : memref<4x200x64xf32, #tpu.memory_space<vmem>>, vector<1x1x16xf32>,
        %get3A_370 = vector.shape_cast %get3A_369 : vector<1x1x16xf32> to vector<16xf32>
        %add3A_371 = arith.addf %add3A_341, %get3A_370 : vector<16xf32>
        %get3A_372 = arith.constant 0 : i32
        %get3A_373 = arith.index_cast %get3A_372 : i32 to index
        %get3A_374 = arith.index_cast %scan3A_364 : i32 to index
        %get3A_375 = arith.constant 16 : index
        %get3A_376 = tpu.vector_load %arg6[%get3A_373, %get3A_374, %get3A_375] {strides = array<i32>} : memref<4x200x64xf32, #tpu.memory_space<vmem>>, vector<1x1x16xf32>,
        %get3A_377 = vector.shape_cast %get3A_376 : vector<1x1x16xf32> to vector<16xf32>
        %add3A_378 = arith.addf %add3A_348, %get3A_377 : vector<16xf32>
        %get3A_379 = arith.constant 0 : i32
        %get3A_380 = arith.index_cast %get3A_379 : i32 to index
        %get3A_381 = arith.index_cast %scan3A_364 : i32 to index
        %get3A_382 = arith.constant 32 : index
        %get3A_383 = tpu.vector_load %arg6[%get3A_380, %get3A_381, %get3A_382] {strides = array<i32>} : memref<4x200x64xf32, #tpu.memory_space<vmem>>, vector<1x1x16xf32>,
        %get3A_384 = vector.shape_cast %get3A_383 : vector<1x1x16xf32> to vector<16xf32>
        %add3A_385 = arith.addf %add3A_355, %get3A_384 : vector<16xf32>
        %get3A_386 = arith.constant 0 : i32
        %get3A_387 = arith.index_cast %get3A_386 : i32 to index
        %get3A_388 = arith.index_cast %scan3A_364 : i32 to index
        %get3A_389 = arith.constant 48 : index
        %get3A_390 = tpu.vector_load %arg6[%get3A_387, %get3A_388, %get3A_389] {strides = array<i32>} : memref<4x200x64xf32, #tpu.memory_space<vmem>>, vector<1x1x16xf32>,
        %get3A_391 = vector.shape_cast %get3A_390 : vector<1x1x16xf32> to vector<16xf32>
        %add3A_392 = arith.addf %add3A_362, %get3A_391 : vector<16xf32>
        %scan3A_393 = arith.constant 3 : i32
        %scan3A_394 = arith.addi %scan3A_301, %scan3A_393 : i32
        %get3A_395 = arith.constant 0 : i32
        %get3A_396 = arith.index_cast %get3A_395 : i32 to index
        %get3A_397 = arith.index_cast %scan3A_394 : i32 to index
        %get3A_398 = arith.constant 0 : index
        %get3A_399 = tpu.vector_load %arg6[%get3A_396, %get3A_397, %get3A_398] {strides = array<i32>} : memref<4x200x64xf32, #tpu.memory_space<vmem>>, vector<1x1x16xf32>,
        %get3A_400 = vector.shape_cast %get3A_399 : vector<1x1x16xf32> to vector<16xf32>
        %add3A_401 = arith.addf %add3A_371, %get3A_400 : vector<16xf32>
        %get3A_402 = arith.constant 0 : i32
        %get3A_403 = arith.index_cast %get3A_402 : i32 to index
        %get3A_404 = arith.index_cast %scan3A_394 : i32 to index
        %get3A_405 = arith.constant 16 : index
        %get3A_406 = tpu.vector_load %arg6[%get3A_403, %get3A_404, %get3A_405] {strides = array<i32>} : memref<4x200x64xf32, #tpu.memory_space<vmem>>, vector<1x1x16xf32>,
        %get3A_407 = vector.shape_cast %get3A_406 : vector<1x1x16xf32> to vector<16xf32>
        %add3A_408 = arith.addf %add3A_378, %get3A_407 : vector<16xf32>
        %get3A_409 = arith.constant 0 : i32
        %get3A_410 = arith.index_cast %get3A_409 : i32 to index
        %get3A_411 = arith.index_cast %scan3A_394 : i32 to index
        %get3A_412 = arith.constant 32 : index
        %get3A_413 = tpu.vector_load %arg6[%get3A_410, %get3A_411, %get3A_412] {strides = array<i32>} : memref<4x200x64xf32, #tpu.memory_space<vmem>>, vector<1x1x16xf32>,
        %get3A_414 = vector.shape_cast %get3A_413 : vector<1x1x16xf32> to vector<16xf32>
        %add3A_415 = arith.addf %add3A_385, %get3A_414 : vector<16xf32>
        %get3A_416 = arith.constant 0 : i32
        %get3A_417 = arith.index_cast %get3A_416 : i32 to index
        %get3A_418 = arith.index_cast %scan3A_394 : i32 to index
        %get3A_419 = arith.constant 48 : index
        %get3A_420 = tpu.vector_load %arg6[%get3A_417, %get3A_418, %get3A_419] {strides = array<i32>} : memref<4x200x64xf32, #tpu.memory_space<vmem>>, vector<1x1x16xf32>,
        %get3A_421 = vector.shape_cast %get3A_420 : vector<1x1x16xf32> to vector<16xf32>
        %add3A_422 = arith.addf %add3A_392, %get3A_421 : vector<16xf32>
        scf.yield %add3A_401, %add3A_408, %add3A_415, %add3A_422 : vector<16xf32>, vector<16xf32>, vector<16xf32>, vector<16xf32>
      }
      %scan3A_130 = arith.constant 200 : i32
      %swap3A = arith.constant 7936 : index
      %swap3A_131 = tpu.vector_load %arg7[%swap3A] {strides = array<i32>} : memref<8192xf32, #tpu.memory_space<vmem>>, vector<16xf32>,
      %swap3A_132 = vector.shape_cast %swap3A_131 : vector<16xf32> to vector<16xf32>
      %swap3A_133 = vector.shape_cast %scan3A_129#0 : vector<16xf32> to vector<16xf32>
      tpu.vector_store %arg7[%swap3A], %swap3A_133 {strides = array<i32>} : memref<8192xf32, #tpu.memory_space<vmem>>, vector<16xf32>,
      %swap3A_134 = arith.constant 7952 : index
      %swap3A_135 = tpu.vector_load %arg7[%swap3A_134] {strides = array<i32>} : memref<8192xf32, #tpu.memory_space<vmem>>, vector<16xf32>,
      %swap3A_136 = vector.shape_cast %swap3A_135 : vector<16xf32> to vector<16xf32>
      %swap3A_137 = vector.shape_cast %scan3A_129#1 : vector<16xf32> to vector<16xf32>
      tpu.vector_store %arg7[%swap3A_134], %swap3A_137 {strides = array<i32>} : memref<8192xf32, #tpu.memory_space<vmem>>, vector<16xf32>,
      %swap3A_138 = arith.constant 7968 : index
      %swap3A_139 = tpu.vector_load %arg7[%swap3A_138] {strides = array<i32>} : memref<8192xf32, #tpu.memory_space<vmem>>, vector<16xf32>,
      %swap3A_140 = vector.shape_cast %swap3A_139 : vector<16xf32> to vector<16xf32>
      %swap3A_141 = vector.shape_cast %scan3A_129#2 : vector<16xf32> to vector<16xf32>
      tpu.vector_store %arg7[%swap3A_138], %swap3A_141 {strides = array<i32>} : memref<8192xf32, #tpu.memory_space<vmem>>, vector<16xf32>,
      %swap3A_142 = arith.constant 7984 : index
      %swap3A_143 = tpu.vector_load %arg7[%swap3A_142] {strides = array<i32>} : memref<8192xf32, #tpu.memory_space<vmem>>, vector<16xf32>,
      %swap3A_144 = vector.shape_cast %swap3A_143 : vector<16xf32> to vector<16xf32>
      %swap3A_145 = vector.shape_cast %scan3A_129#3 : vector<16xf32> to vector<16xf32>
      tpu.vector_store %arg7[%swap3A_142], %swap3A_145 {strides = array<i32>} : memref<8192xf32, #tpu.memory_space<vmem>>, vector<16xf32>,
      %dma_wait3A_146 = arith.constant 1 : i32
      %dma_wait3A_147 = arith.constant 0 : i32
      %dma_wait3A_148 = arith.constant 0 : i32
      %dma_wait3A_149 = tpu.memref_slice %arg6[%dma_wait3A_146, %dma_wait3A_147, %dma_wait3A_148] : memref<4x200x64xf32, #tpu.memory_space<vmem>> -> memref<1x104x64xf32, #tpu.memory_space<vmem>>
      %dma_wait3A_150 = tpu.memref_squeeze %dma_wait3A_149 : memref<1x104x64xf32, #tpu.memory_space<vmem>> -> memref<104x64xf32, #tpu.memory_space<vmem>>
      %dma_wait3A_151 = arith.constant 25000 : i32
      %dma_wait3A_152 = tpu.memref_slice %arg5[%dma_wait3A_151] : memref<25600xi32, #tpu.memory_space<vmem>> -> memref<104xi32, #tpu.memory_space<vmem>>
      %dma_wait3A_153 = arith.constant 0 : i32
      %dma_wait3A_154 = arith.constant 0 : i32
      %dma_wait3A_155 = tpu.memref_slice %arg3[%dma_wait3A_153, %dma_wait3A_154] : memref<1000000x64xf32, #tpu.memory_space<hbm>> -> memref<1000000x64xf32, #tpu.memory_space<hbm>>
      tpu.wait_indirect_dma semaphore(%arg9 : memref<!tpu.dma_semaphore, #tpu.memory_space<semaphore_mem>>) src(%dma_wait3A_155 : memref<1000000x64xf32, #tpu.memory_space<hbm>>) dst(%dma_wait3A_150 : memref<104x64xf32, #tpu.memory_space<vmem>>)
      %dma_wait3A_156 = arith.constant 1 : i32
      %dma_wait3A_157 = arith.constant 104 : i32
      %dma_wait3A_158 = arith.constant 0 : i32
      %dma_wait3A_159 = tpu.memref_slice %arg6[%dma_wait3A_156, %dma_wait3A_157, %dma_wait3A_158] : memref<4x200x64xf32, #tpu.memory_space<vmem>> -> memref<1x96x64xf32, #tpu.memory_space<vmem>>
      %dma_wait3A_160 = tpu.memref_squeeze %dma_wait3A_159 : memref<1x96x64xf32, #tpu.memory_space<vmem>> -> memref<96x64xf32, #tpu.memory_space<vmem>>
      %dma_wait3A_161 = arith.constant 25104 : i32
      %dma_wait3A_162 = tpu.memref_slice %arg5[%dma_wait3A_161] : memref<25600xi32, #tpu.memory_space<vmem>> -> memref<96xi32, #tpu.memory_space<vmem>>
      %dma_wait3A_163 = arith.constant 0 : i32
      %dma_wait3A_164 = arith.constant 0 : i32
      %dma_wait3A_165 = tpu.memref_slice %arg3[%dma_wait3A_163, %dma_wait3A_164] : memref<1000000x64xf32, #tpu.memory_space<hbm>> -> memref<1000000x64xf32, #tpu.memory_space<hbm>>
      tpu.wait_indirect_dma semaphore(%arg9 : memref<!tpu.dma_semaphore, #tpu.memory_space<semaphore_mem>>) src(%dma_wait3A_165 : memref<1000000x64xf32, #tpu.memory_space<hbm>>) dst(%dma_wait3A_160 : memref<96x64xf32, #tpu.memory_space<vmem>>)
      %broadcast_in_dim3A_166 = arith.constant 0.000000e+00 : f32
      %broadcast_in_dim3A_167 = vector.broadcast %broadcast_in_dim3A_166 : f32 to vector<16xf32>
      %broadcast_in_dim3A_168 = arith.constant 0.000000e+00 : f32
      %broadcast_in_dim3A_169 = vector.broadcast %broadcast_in_dim3A_168 : f32 to vector<16xf32>
      %broadcast_in_dim3A_170 = arith.constant 0.000000e+00 : f32
      %broadcast_in_dim3A_171 = vector.broadcast %broadcast_in_dim3A_170 : f32 to vector<16xf32>
      %broadcast_in_dim3A_172 = arith.constant 0.000000e+00 : f32
      %broadcast_in_dim3A_173 = vector.broadcast %broadcast_in_dim3A_172 : f32 to vector<16xf32>
      %scan3A_174 = arith.constant 0 : i32
      %scan3A_175 = arith.constant 200 : i32
      %scan3A_176 = arith.addi %scan3A_174, %scan3A_175 : i32
      %scan3A_177 = arith.constant 4 : i32
      %scan3A_178:4 = scf.for %scan3A_301 = %scan3A_174 to %scan3A_176 step %scan3A_177 iter_args(%scan3A_302 = %broadcast_in_dim3A_167, %scan3A_303 = %broadcast_in_dim3A_169, %scan3A_304 = %broadcast_in_dim3A_171, %scan3A_305 = %broadcast_in_dim3A_173) -> (vector<16xf32>, vector<16xf32>, vector<16xf32>, vector<16xf32>)  : i32 {
        %get3A = arith.constant 1 : i32
        %get3A_306 = arith.index_cast %get3A : i32 to index
        %get3A_307 = arith.index_cast %scan3A_301 : i32 to index
        %get3A_308 = arith.constant 0 : index
        %get3A_309 = tpu.vector_load %arg6[%get3A_306, %get3A_307, %get3A_308] {strides = array<i32>} : memref<4x200x64xf32, #tpu.memory_space<vmem>>, vector<1x1x16xf32>,
        %get3A_310 = vector.shape_cast %get3A_309 : vector<1x1x16xf32> to vector<16xf32>
        %add3A_311 = arith.addf %scan3A_302, %get3A_310 : vector<16xf32>
        %get3A_312 = arith.constant 1 : i32
        %get3A_313 = arith.index_cast %get3A_312 : i32 to index
        %get3A_314 = arith.index_cast %scan3A_301 : i32 to index
        %get3A_315 = arith.constant 16 : index
        %get3A_316 = tpu.vector_load %arg6[%get3A_313, %get3A_314, %get3A_315] {strides = array<i32>} : memref<4x200x64xf32, #tpu.memory_space<vmem>>, vector<1x1x16xf32>,
        %get3A_317 = vector.shape_cast %get3A_316 : vector<1x1x16xf32> to vector<16xf32>
        %add3A_318 = arith.addf %scan3A_303, %get3A_317 : vector<16xf32>
        %get3A_319 = arith.constant 1 : i32
        %get3A_320 = arith.index_cast %get3A_319 : i32 to index
        %get3A_321 = arith.index_cast %scan3A_301 : i32 to index
        %get3A_322 = arith.constant 32 : index
        %get3A_323 = tpu.vector_load %arg6[%get3A_320, %get3A_321, %get3A_322] {strides = array<i32>} : memref<4x200x64xf32, #tpu.memory_space<vmem>>, vector<1x1x16xf32>,
        %get3A_324 = vector.shape_cast %get3A_323 : vector<1x1x16xf32> to vector<16xf32>
        %add3A_325 = arith.addf %scan3A_304, %get3A_324 : vector<16xf32>
        %get3A_326 = arith.constant 1 : i32
        %get3A_327 = arith.index_cast %get3A_326 : i32 to index
        %get3A_328 = arith.index_cast %scan3A_301 : i32 to index
        %get3A_329 = arith.constant 48 : index
        %get3A_330 = tpu.vector_load %arg6[%get3A_327, %get3A_328, %get3A_329] {strides = array<i32>} : memref<4x200x64xf32, #tpu.memory_space<vmem>>, vector<1x1x16xf32>,
        %get3A_331 = vector.shape_cast %get3A_330 : vector<1x1x16xf32> to vector<16xf32>
        %add3A_332 = arith.addf %scan3A_305, %get3A_331 : vector<16xf32>
        %scan3A_333 = arith.constant 1 : i32
        %scan3A_334 = arith.addi %scan3A_301, %scan3A_333 : i32
        %get3A_335 = arith.constant 1 : i32
        %get3A_336 = arith.index_cast %get3A_335 : i32 to index
        %get3A_337 = arith.index_cast %scan3A_334 : i32 to index
        %get3A_338 = arith.constant 0 : index
        %get3A_339 = tpu.vector_load %arg6[%get3A_336, %get3A_337, %get3A_338] {strides = array<i32>} : memref<4x200x64xf32, #tpu.memory_space<vmem>>, vector<1x1x16xf32>,
        %get3A_340 = vector.shape_cast %get3A_339 : vector<1x1x16xf32> to vector<16xf32>
        %add3A_341 = arith.addf %add3A_311, %get3A_340 : vector<16xf32>
        %get3A_342 = arith.constant 1 : i32
        %get3A_343 = arith.index_cast %get3A_342 : i32 to index
        %get3A_344 = arith.index_cast %scan3A_334 : i32 to index
        %get3A_345 = arith.constant 16 : index
        %get3A_346 = tpu.vector_load %arg6[%get3A_343, %get3A_344, %get3A_345] {strides = array<i32>} : memref<4x200x64xf32, #tpu.memory_space<vmem>>, vector<1x1x16xf32>,
        %get3A_347 = vector.shape_cast %get3A_346 : vector<1x1x16xf32> to vector<16xf32>
        %add3A_348 = arith.addf %add3A_318, %get3A_347 : vector<16xf32>
        %get3A_349 = arith.constant 1 : i32
        %get3A_350 = arith.index_cast %get3A_349 : i32 to index
        %get3A_351 = arith.index_cast %scan3A_334 : i32 to index
        %get3A_352 = arith.constant 32 : index
        %get3A_353 = tpu.vector_load %arg6[%get3A_350, %get3A_351, %get3A_352] {strides = array<i32>} : memref<4x200x64xf32, #tpu.memory_space<vmem>>, vector<1x1x16xf32>,
        %get3A_354 = vector.shape_cast %get3A_353 : vector<1x1x16xf32> to vector<16xf32>
        %add3A_355 = arith.addf %add3A_325, %get3A_354 : vector<16xf32>
        %get3A_356 = arith.constant 1 : i32
        %get3A_357 = arith.index_cast %get3A_356 : i32 to index
        %get3A_358 = arith.index_cast %scan3A_334 : i32 to index
        %get3A_359 = arith.constant 48 : index
        %get3A_360 = tpu.vector_load %arg6[%get3A_357, %get3A_358, %get3A_359] {strides = array<i32>} : memref<4x200x64xf32, #tpu.memory_space<vmem>>, vector<1x1x16xf32>,
        %get3A_361 = vector.shape_cast %get3A_360 : vector<1x1x16xf32> to vector<16xf32>
        %add3A_362 = arith.addf %add3A_332, %get3A_361 : vector<16xf32>
        %scan3A_363 = arith.constant 2 : i32
        %scan3A_364 = arith.addi %scan3A_301, %scan3A_363 : i32
        %get3A_365 = arith.constant 1 : i32
        %get3A_366 = arith.index_cast %get3A_365 : i32 to index
        %get3A_367 = arith.index_cast %scan3A_364 : i32 to index
        %get3A_368 = arith.constant 0 : index
        %get3A_369 = tpu.vector_load %arg6[%get3A_366, %get3A_367, %get3A_368] {strides = array<i32>} : memref<4x200x64xf32, #tpu.memory_space<vmem>>, vector<1x1x16xf32>,
        %get3A_370 = vector.shape_cast %get3A_369 : vector<1x1x16xf32> to vector<16xf32>
        %add3A_371 = arith.addf %add3A_341, %get3A_370 : vector<16xf32>
        %get3A_372 = arith.constant 1 : i32
        %get3A_373 = arith.index_cast %get3A_372 : i32 to index
        %get3A_374 = arith.index_cast %scan3A_364 : i32 to index
        %get3A_375 = arith.constant 16 : index
        %get3A_376 = tpu.vector_load %arg6[%get3A_373, %get3A_374, %get3A_375] {strides = array<i32>} : memref<4x200x64xf32, #tpu.memory_space<vmem>>, vector<1x1x16xf32>,
        %get3A_377 = vector.shape_cast %get3A_376 : vector<1x1x16xf32> to vector<16xf32>
        %add3A_378 = arith.addf %add3A_348, %get3A_377 : vector<16xf32>
        %get3A_379 = arith.constant 1 : i32
        %get3A_380 = arith.index_cast %get3A_379 : i32 to index
        %get3A_381 = arith.index_cast %scan3A_364 : i32 to index
        %get3A_382 = arith.constant 32 : index
        %get3A_383 = tpu.vector_load %arg6[%get3A_380, %get3A_381, %get3A_382] {strides = array<i32>} : memref<4x200x64xf32, #tpu.memory_space<vmem>>, vector<1x1x16xf32>,
        %get3A_384 = vector.shape_cast %get3A_383 : vector<1x1x16xf32> to vector<16xf32>
        %add3A_385 = arith.addf %add3A_355, %get3A_384 : vector<16xf32>
        %get3A_386 = arith.constant 1 : i32
        %get3A_387 = arith.index_cast %get3A_386 : i32 to index
        %get3A_388 = arith.index_cast %scan3A_364 : i32 to index
        %get3A_389 = arith.constant 48 : index
        %get3A_390 = tpu.vector_load %arg6[%get3A_387, %get3A_388, %get3A_389] {strides = array<i32>} : memref<4x200x64xf32, #tpu.memory_space<vmem>>, vector<1x1x16xf32>,
        %get3A_391 = vector.shape_cast %get3A_390 : vector<1x1x16xf32> to vector<16xf32>
        %add3A_392 = arith.addf %add3A_362, %get3A_391 : vector<16xf32>
        %scan3A_393 = arith.constant 3 : i32
        %scan3A_394 = arith.addi %scan3A_301, %scan3A_393 : i32
        %get3A_395 = arith.constant 1 : i32
        %get3A_396 = arith.index_cast %get3A_395 : i32 to index
        %get3A_397 = arith.index_cast %scan3A_394 : i32 to index
        %get3A_398 = arith.constant 0 : index
        %get3A_399 = tpu.vector_load %arg6[%get3A_396, %get3A_397, %get3A_398] {strides = array<i32>} : memref<4x200x64xf32, #tpu.memory_space<vmem>>, vector<1x1x16xf32>,
        %get3A_400 = vector.shape_cast %get3A_399 : vector<1x1x16xf32> to vector<16xf32>
        %add3A_401 = arith.addf %add3A_371, %get3A_400 : vector<16xf32>
        %get3A_402 = arith.constant 1 : i32
        %get3A_403 = arith.index_cast %get3A_402 : i32 to index
        %get3A_404 = arith.index_cast %scan3A_394 : i32 to index
        %get3A_405 = arith.constant 16 : index
        %get3A_406 = tpu.vector_load %arg6[%get3A_403, %get3A_404, %get3A_405] {strides = array<i32>} : memref<4x200x64xf32, #tpu.memory_space<vmem>>, vector<1x1x16xf32>,
        %get3A_407 = vector.shape_cast %get3A_406 : vector<1x1x16xf32> to vector<16xf32>
        %add3A_408 = arith.addf %add3A_378, %get3A_407 : vector<16xf32>
        %get3A_409 = arith.constant 1 : i32
        %get3A_410 = arith.index_cast %get3A_409 : i32 to index
        %get3A_411 = arith.index_cast %scan3A_394 : i32 to index
        %get3A_412 = arith.constant 32 : index
        %get3A_413 = tpu.vector_load %arg6[%get3A_410, %get3A_411, %get3A_412] {strides = array<i32>} : memref<4x200x64xf32, #tpu.memory_space<vmem>>, vector<1x1x16xf32>,
        %get3A_414 = vector.shape_cast %get3A_413 : vector<1x1x16xf32> to vector<16xf32>
        %add3A_415 = arith.addf %add3A_385, %get3A_414 : vector<16xf32>
        %get3A_416 = arith.constant 1 : i32
        %get3A_417 = arith.index_cast %get3A_416 : i32 to index
        %get3A_418 = arith.index_cast %scan3A_394 : i32 to index
        %get3A_419 = arith.constant 48 : index
        %get3A_420 = tpu.vector_load %arg6[%get3A_417, %get3A_418, %get3A_419] {strides = array<i32>} : memref<4x200x64xf32, #tpu.memory_space<vmem>>, vector<1x1x16xf32>,
        %get3A_421 = vector.shape_cast %get3A_420 : vector<1x1x16xf32> to vector<16xf32>
        %add3A_422 = arith.addf %add3A_392, %get3A_421 : vector<16xf32>
        scf.yield %add3A_401, %add3A_408, %add3A_415, %add3A_422 : vector<16xf32>, vector<16xf32>, vector<16xf32>, vector<16xf32>
      }
      %scan3A_179 = arith.constant 200 : i32
      %swap3A_180 = arith.constant 8000 : index
      %swap3A_181 = tpu.vector_load %arg7[%swap3A_180] {strides = array<i32>} : memref<8192xf32, #tpu.memory_space<vmem>>, vector<16xf32>,
      %swap3A_182 = vector.shape_cast %swap3A_181 : vector<16xf32> to vector<16xf32>
      %swap3A_183 = vector.shape_cast %scan3A_178#0 : vector<16xf32> to vector<16xf32>
      tpu.vector_store %arg7[%swap3A_180], %swap3A_183 {strides = array<i32>} : memref<8192xf32, #tpu.memory_space<vmem>>, vector<16xf32>,
      %swap3A_184 = arith.constant 8016 : index
      %swap3A_185 = tpu.vector_load %arg7[%swap3A_184] {strides = array<i32>} : memref<8192xf32, #tpu.memory_space<vmem>>, vector<16xf32>,
      %swap3A_186 = vector.shape_cast %swap3A_185 : vector<16xf32> to vector<16xf32>
      %swap3A_187 = vector.shape_cast %scan3A_178#1 : vector<16xf32> to vector<16xf32>
      tpu.vector_store %arg7[%swap3A_184], %swap3A_187 {strides = array<i32>} : memref<8192xf32, #tpu.memory_space<vmem>>, vector<16xf32>,
      %swap3A_188 = arith.constant 8032 : index
      %swap3A_189 = tpu.vector_load %arg7[%swap3A_188] {strides = array<i32>} : memref<8192xf32, #tpu.memory_space<vmem>>, vector<16xf32>,
      %swap3A_190 = vector.shape_cast %swap3A_189 : vector<16xf32> to vector<16xf32>
      %swap3A_191 = vector.shape_cast %scan3A_178#2 : vector<16xf32> to vector<16xf32>
      tpu.vector_store %arg7[%swap3A_188], %swap3A_191 {strides = array<i32>} : memref<8192xf32, #tpu.memory_space<vmem>>, vector<16xf32>,
      %swap3A_192 = arith.constant 8048 : index
      %swap3A_193 = tpu.vector_load %arg7[%swap3A_192] {strides = array<i32>} : memref<8192xf32, #tpu.memory_space<vmem>>, vector<16xf32>,
      %swap3A_194 = vector.shape_cast %swap3A_193 : vector<16xf32> to vector<16xf32>
      %swap3A_195 = vector.shape_cast %scan3A_178#3 : vector<16xf32> to vector<16xf32>
      tpu.vector_store %arg7[%swap3A_192], %swap3A_195 {strides = array<i32>} : memref<8192xf32, #tpu.memory_space<vmem>>, vector<16xf32>,
      %dma_wait3A_196 = arith.constant 2 : i32
      %dma_wait3A_197 = arith.constant 0 : i32
      %dma_wait3A_198 = arith.constant 0 : i32
      %dma_wait3A_199 = tpu.memref_slice %arg6[%dma_wait3A_196, %dma_wait3A_197, %dma_wait3A_198] : memref<4x200x64xf32, #tpu.memory_space<vmem>> -> memref<1x104x64xf32, #tpu.memory_space<vmem>>
      %dma_wait3A_200 = tpu.memref_squeeze %dma_wait3A_199 : memref<1x104x64xf32, #tpu.memory_space<vmem>> -> memref<104x64xf32, #tpu.memory_space<vmem>>
      %dma_wait3A_201 = arith.constant 25200 : i32
      %dma_wait3A_202 = tpu.memref_slice %arg5[%dma_wait3A_201] : memref<25600xi32, #tpu.memory_space<vmem>> -> memref<104xi32, #tpu.memory_space<vmem>>
      %dma_wait3A_203 = arith.constant 0 : i32
      %dma_wait3A_204 = arith.constant 0 : i32
      %dma_wait3A_205 = tpu.memref_slice %arg3[%dma_wait3A_203, %dma_wait3A_204] : memref<1000000x64xf32, #tpu.memory_space<hbm>> -> memref<1000000x64xf32, #tpu.memory_space<hbm>>
      tpu.wait_indirect_dma semaphore(%arg10 : memref<!tpu.dma_semaphore, #tpu.memory_space<semaphore_mem>>) src(%dma_wait3A_205 : memref<1000000x64xf32, #tpu.memory_space<hbm>>) dst(%dma_wait3A_200 : memref<104x64xf32, #tpu.memory_space<vmem>>)
      %dma_wait3A_206 = arith.constant 2 : i32
      %dma_wait3A_207 = arith.constant 104 : i32
      %dma_wait3A_208 = arith.constant 0 : i32
      %dma_wait3A_209 = tpu.memref_slice %arg6[%dma_wait3A_206, %dma_wait3A_207, %dma_wait3A_208] : memref<4x200x64xf32, #tpu.memory_space<vmem>> -> memref<1x96x64xf32, #tpu.memory_space<vmem>>
      %dma_wait3A_210 = tpu.memref_squeeze %dma_wait3A_209 : memref<1x96x64xf32, #tpu.memory_space<vmem>> -> memref<96x64xf32, #tpu.memory_space<vmem>>
      %dma_wait3A_211 = arith.constant 25304 : i32
      %dma_wait3A_212 = tpu.memref_slice %arg5[%dma_wait3A_211] : memref<25600xi32, #tpu.memory_space<vmem>> -> memref<96xi32, #tpu.memory_space<vmem>>
      %dma_wait3A_213 = arith.constant 0 : i32
      %dma_wait3A_214 = arith.constant 0 : i32
      %dma_wait3A_215 = tpu.memref_slice %arg3[%dma_wait3A_213, %dma_wait3A_214] : memref<1000000x64xf32, #tpu.memory_space<hbm>> -> memref<1000000x64xf32, #tpu.memory_space<hbm>>
      tpu.wait_indirect_dma semaphore(%arg10 : memref<!tpu.dma_semaphore, #tpu.memory_space<semaphore_mem>>) src(%dma_wait3A_215 : memref<1000000x64xf32, #tpu.memory_space<hbm>>) dst(%dma_wait3A_210 : memref<96x64xf32, #tpu.memory_space<vmem>>)
      %broadcast_in_dim3A_216 = arith.constant 0.000000e+00 : f32
      %broadcast_in_dim3A_217 = vector.broadcast %broadcast_in_dim3A_216 : f32 to vector<16xf32>
      %broadcast_in_dim3A_218 = arith.constant 0.000000e+00 : f32
      %broadcast_in_dim3A_219 = vector.broadcast %broadcast_in_dim3A_218 : f32 to vector<16xf32>
      %broadcast_in_dim3A_220 = arith.constant 0.000000e+00 : f32
      %broadcast_in_dim3A_221 = vector.broadcast %broadcast_in_dim3A_220 : f32 to vector<16xf32>
      %broadcast_in_dim3A_222 = arith.constant 0.000000e+00 : f32
      %broadcast_in_dim3A_223 = vector.broadcast %broadcast_in_dim3A_222 : f32 to vector<16xf32>
      %scan3A_224 = arith.constant 0 : i32
      %scan3A_225 = arith.constant 200 : i32
      %scan3A_226 = arith.addi %scan3A_224, %scan3A_225 : i32
      %scan3A_227 = arith.constant 4 : i32
      %scan3A_228:4 = scf.for %scan3A_301 = %scan3A_224 to %scan3A_226 step %scan3A_227 iter_args(%scan3A_302 = %broadcast_in_dim3A_217, %scan3A_303 = %broadcast_in_dim3A_219, %scan3A_304 = %broadcast_in_dim3A_221, %scan3A_305 = %broadcast_in_dim3A_223) -> (vector<16xf32>, vector<16xf32>, vector<16xf32>, vector<16xf32>)  : i32 {
        %get3A = arith.constant 2 : i32
        %get3A_306 = arith.index_cast %get3A : i32 to index
        %get3A_307 = arith.index_cast %scan3A_301 : i32 to index
        %get3A_308 = arith.constant 0 : index
        %get3A_309 = tpu.vector_load %arg6[%get3A_306, %get3A_307, %get3A_308] {strides = array<i32>} : memref<4x200x64xf32, #tpu.memory_space<vmem>>, vector<1x1x16xf32>,
        %get3A_310 = vector.shape_cast %get3A_309 : vector<1x1x16xf32> to vector<16xf32>
        %add3A_311 = arith.addf %scan3A_302, %get3A_310 : vector<16xf32>
        %get3A_312 = arith.constant 2 : i32
        %get3A_313 = arith.index_cast %get3A_312 : i32 to index
        %get3A_314 = arith.index_cast %scan3A_301 : i32 to index
        %get3A_315 = arith.constant 16 : index
        %get3A_316 = tpu.vector_load %arg6[%get3A_313, %get3A_314, %get3A_315] {strides = array<i32>} : memref<4x200x64xf32, #tpu.memory_space<vmem>>, vector<1x1x16xf32>,
        %get3A_317 = vector.shape_cast %get3A_316 : vector<1x1x16xf32> to vector<16xf32>
        %add3A_318 = arith.addf %scan3A_303, %get3A_317 : vector<16xf32>
        %get3A_319 = arith.constant 2 : i32
        %get3A_320 = arith.index_cast %get3A_319 : i32 to index
        %get3A_321 = arith.index_cast %scan3A_301 : i32 to index
        %get3A_322 = arith.constant 32 : index
        %get3A_323 = tpu.vector_load %arg6[%get3A_320, %get3A_321, %get3A_322] {strides = array<i32>} : memref<4x200x64xf32, #tpu.memory_space<vmem>>, vector<1x1x16xf32>,
        %get3A_324 = vector.shape_cast %get3A_323 : vector<1x1x16xf32> to vector<16xf32>
        %add3A_325 = arith.addf %scan3A_304, %get3A_324 : vector<16xf32>
        %get3A_326 = arith.constant 2 : i32
        %get3A_327 = arith.index_cast %get3A_326 : i32 to index
        %get3A_328 = arith.index_cast %scan3A_301 : i32 to index
        %get3A_329 = arith.constant 48 : index
        %get3A_330 = tpu.vector_load %arg6[%get3A_327, %get3A_328, %get3A_329] {strides = array<i32>} : memref<4x200x64xf32, #tpu.memory_space<vmem>>, vector<1x1x16xf32>,
        %get3A_331 = vector.shape_cast %get3A_330 : vector<1x1x16xf32> to vector<16xf32>
        %add3A_332 = arith.addf %scan3A_305, %get3A_331 : vector<16xf32>
        %scan3A_333 = arith.constant 1 : i32
        %scan3A_334 = arith.addi %scan3A_301, %scan3A_333 : i32
        %get3A_335 = arith.constant 2 : i32
        %get3A_336 = arith.index_cast %get3A_335 : i32 to index
        %get3A_337 = arith.index_cast %scan3A_334 : i32 to index
        %get3A_338 = arith.constant 0 : index
        %get3A_339 = tpu.vector_load %arg6[%get3A_336, %get3A_337, %get3A_338] {strides = array<i32>} : memref<4x200x64xf32, #tpu.memory_space<vmem>>, vector<1x1x16xf32>,
        %get3A_340 = vector.shape_cast %get3A_339 : vector<1x1x16xf32> to vector<16xf32>
        %add3A_341 = arith.addf %add3A_311, %get3A_340 : vector<16xf32>
        %get3A_342 = arith.constant 2 : i32
        %get3A_343 = arith.index_cast %get3A_342 : i32 to index
        %get3A_344 = arith.index_cast %scan3A_334 : i32 to index
        %get3A_345 = arith.constant 16 : index
        %get3A_346 = tpu.vector_load %arg6[%get3A_343, %get3A_344, %get3A_345] {strides = array<i32>} : memref<4x200x64xf32, #tpu.memory_space<vmem>>, vector<1x1x16xf32>,
        %get3A_347 = vector.shape_cast %get3A_346 : vector<1x1x16xf32> to vector<16xf32>
        %add3A_348 = arith.addf %add3A_318, %get3A_347 : vector<16xf32>
        %get3A_349 = arith.constant 2 : i32
        %get3A_350 = arith.index_cast %get3A_349 : i32 to index
        %get3A_351 = arith.index_cast %scan3A_334 : i32 to index
        %get3A_352 = arith.constant 32 : index
        %get3A_353 = tpu.vector_load %arg6[%get3A_350, %get3A_351, %get3A_352] {strides = array<i32>} : memref<4x200x64xf32, #tpu.memory_space<vmem>>, vector<1x1x16xf32>,
        %get3A_354 = vector.shape_cast %get3A_353 : vector<1x1x16xf32> to vector<16xf32>
        %add3A_355 = arith.addf %add3A_325, %get3A_354 : vector<16xf32>
        %get3A_356 = arith.constant 2 : i32
        %get3A_357 = arith.index_cast %get3A_356 : i32 to index
        %get3A_358 = arith.index_cast %scan3A_334 : i32 to index
        %get3A_359 = arith.constant 48 : index
        %get3A_360 = tpu.vector_load %arg6[%get3A_357, %get3A_358, %get3A_359] {strides = array<i32>} : memref<4x200x64xf32, #tpu.memory_space<vmem>>, vector<1x1x16xf32>,
        %get3A_361 = vector.shape_cast %get3A_360 : vector<1x1x16xf32> to vector<16xf32>
        %add3A_362 = arith.addf %add3A_332, %get3A_361 : vector<16xf32>
        %scan3A_363 = arith.constant 2 : i32
        %scan3A_364 = arith.addi %scan3A_301, %scan3A_363 : i32
        %get3A_365 = arith.constant 2 : i32
        %get3A_366 = arith.index_cast %get3A_365 : i32 to index
        %get3A_367 = arith.index_cast %scan3A_364 : i32 to index
        %get3A_368 = arith.constant 0 : index
        %get3A_369 = tpu.vector_load %arg6[%get3A_366, %get3A_367, %get3A_368] {strides = array<i32>} : memref<4x200x64xf32, #tpu.memory_space<vmem>>, vector<1x1x16xf32>,
        %get3A_370 = vector.shape_cast %get3A_369 : vector<1x1x16xf32> to vector<16xf32>
        %add3A_371 = arith.addf %add3A_341, %get3A_370 : vector<16xf32>
        %get3A_372 = arith.constant 2 : i32
        %get3A_373 = arith.index_cast %get3A_372 : i32 to index
        %get3A_374 = arith.index_cast %scan3A_364 : i32 to index
        %get3A_375 = arith.constant 16 : index
        %get3A_376 = tpu.vector_load %arg6[%get3A_373, %get3A_374, %get3A_375] {strides = array<i32>} : memref<4x200x64xf32, #tpu.memory_space<vmem>>, vector<1x1x16xf32>,
        %get3A_377 = vector.shape_cast %get3A_376 : vector<1x1x16xf32> to vector<16xf32>
        %add3A_378 = arith.addf %add3A_348, %get3A_377 : vector<16xf32>
        %get3A_379 = arith.constant 2 : i32
        %get3A_380 = arith.index_cast %get3A_379 : i32 to index
        %get3A_381 = arith.index_cast %scan3A_364 : i32 to index
        %get3A_382 = arith.constant 32 : index
        %get3A_383 = tpu.vector_load %arg6[%get3A_380, %get3A_381, %get3A_382] {strides = array<i32>} : memref<4x200x64xf32, #tpu.memory_space<vmem>>, vector<1x1x16xf32>,
        %get3A_384 = vector.shape_cast %get3A_383 : vector<1x1x16xf32> to vector<16xf32>
        %add3A_385 = arith.addf %add3A_355, %get3A_384 : vector<16xf32>
        %get3A_386 = arith.constant 2 : i32
        %get3A_387 = arith.index_cast %get3A_386 : i32 to index
        %get3A_388 = arith.index_cast %scan3A_364 : i32 to index
        %get3A_389 = arith.constant 48 : index
        %get3A_390 = tpu.vector_load %arg6[%get3A_387, %get3A_388, %get3A_389] {strides = array<i32>} : memref<4x200x64xf32, #tpu.memory_space<vmem>>, vector<1x1x16xf32>,
        %get3A_391 = vector.shape_cast %get3A_390 : vector<1x1x16xf32> to vector<16xf32>
        %add3A_392 = arith.addf %add3A_362, %get3A_391 : vector<16xf32>
        %scan3A_393 = arith.constant 3 : i32
        %scan3A_394 = arith.addi %scan3A_301, %scan3A_393 : i32
        %get3A_395 = arith.constant 2 : i32
        %get3A_396 = arith.index_cast %get3A_395 : i32 to index
        %get3A_397 = arith.index_cast %scan3A_394 : i32 to index
        %get3A_398 = arith.constant 0 : index
        %get3A_399 = tpu.vector_load %arg6[%get3A_396, %get3A_397, %get3A_398] {strides = array<i32>} : memref<4x200x64xf32, #tpu.memory_space<vmem>>, vector<1x1x16xf32>,
        %get3A_400 = vector.shape_cast %get3A_399 : vector<1x1x16xf32> to vector<16xf32>
        %add3A_401 = arith.addf %add3A_371, %get3A_400 : vector<16xf32>
        %get3A_402 = arith.constant 2 : i32
        %get3A_403 = arith.index_cast %get3A_402 : i32 to index
        %get3A_404 = arith.index_cast %scan3A_394 : i32 to index
        %get3A_405 = arith.constant 16 : index
        %get3A_406 = tpu.vector_load %arg6[%get3A_403, %get3A_404, %get3A_405] {strides = array<i32>} : memref<4x200x64xf32, #tpu.memory_space<vmem>>, vector<1x1x16xf32>,
        %get3A_407 = vector.shape_cast %get3A_406 : vector<1x1x16xf32> to vector<16xf32>
        %add3A_408 = arith.addf %add3A_378, %get3A_407 : vector<16xf32>
        %get3A_409 = arith.constant 2 : i32
        %get3A_410 = arith.index_cast %get3A_409 : i32 to index
        %get3A_411 = arith.index_cast %scan3A_394 : i32 to index
        %get3A_412 = arith.constant 32 : index
        %get3A_413 = tpu.vector_load %arg6[%get3A_410, %get3A_411, %get3A_412] {strides = array<i32>} : memref<4x200x64xf32, #tpu.memory_space<vmem>>, vector<1x1x16xf32>,
        %get3A_414 = vector.shape_cast %get3A_413 : vector<1x1x16xf32> to vector<16xf32>
        %add3A_415 = arith.addf %add3A_385, %get3A_414 : vector<16xf32>
        %get3A_416 = arith.constant 2 : i32
        %get3A_417 = arith.index_cast %get3A_416 : i32 to index
        %get3A_418 = arith.index_cast %scan3A_394 : i32 to index
        %get3A_419 = arith.constant 48 : index
        %get3A_420 = tpu.vector_load %arg6[%get3A_417, %get3A_418, %get3A_419] {strides = array<i32>} : memref<4x200x64xf32, #tpu.memory_space<vmem>>, vector<1x1x16xf32>,
        %get3A_421 = vector.shape_cast %get3A_420 : vector<1x1x16xf32> to vector<16xf32>
        %add3A_422 = arith.addf %add3A_392, %get3A_421 : vector<16xf32>
        scf.yield %add3A_401, %add3A_408, %add3A_415, %add3A_422 : vector<16xf32>, vector<16xf32>, vector<16xf32>, vector<16xf32>
      }
      %scan3A_229 = arith.constant 200 : i32
      %swap3A_230 = arith.constant 8064 : index
      %swap3A_231 = tpu.vector_load %arg7[%swap3A_230] {strides = array<i32>} : memref<8192xf32, #tpu.memory_space<vmem>>, vector<16xf32>,
      %swap3A_232 = vector.shape_cast %swap3A_231 : vector<16xf32> to vector<16xf32>
      %swap3A_233 = vector.shape_cast %scan3A_228#0 : vector<16xf32> to vector<16xf32>
      tpu.vector_store %arg7[%swap3A_230], %swap3A_233 {strides = array<i32>} : memref<8192xf32, #tpu.memory_space<vmem>>, vector<16xf32>,
      %swap3A_234 = arith.constant 8080 : index
      %swap3A_235 = tpu.vector_load %arg7[%swap3A_234] {strides = array<i32>} : memref<8192xf32, #tpu.memory_space<vmem>>, vector<16xf32>,
      %swap3A_236 = vector.shape_cast %swap3A_235 : vector<16xf32> to vector<16xf32>
      %swap3A_237 = vector.shape_cast %scan3A_228#1 : vector<16xf32> to vector<16xf32>
      tpu.vector_store %arg7[%swap3A_234], %swap3A_237 {strides = array<i32>} : memref<8192xf32, #tpu.memory_space<vmem>>, vector<16xf32>,
      %swap3A_238 = arith.constant 8096 : index
      %swap3A_239 = tpu.vector_load %arg7[%swap3A_238] {strides = array<i32>} : memref<8192xf32, #tpu.memory_space<vmem>>, vector<16xf32>,
      %swap3A_240 = vector.shape_cast %swap3A_239 : vector<16xf32> to vector<16xf32>
      %swap3A_241 = vector.shape_cast %scan3A_228#2 : vector<16xf32> to vector<16xf32>
      tpu.vector_store %arg7[%swap3A_238], %swap3A_241 {strides = array<i32>} : memref<8192xf32, #tpu.memory_space<vmem>>, vector<16xf32>,
      %swap3A_242 = arith.constant 8112 : index
      %swap3A_243 = tpu.vector_load %arg7[%swap3A_242] {strides = array<i32>} : memref<8192xf32, #tpu.memory_space<vmem>>, vector<16xf32>,
      %swap3A_244 = vector.shape_cast %swap3A_243 : vector<16xf32> to vector<16xf32>
      %swap3A_245 = vector.shape_cast %scan3A_228#3 : vector<16xf32> to vector<16xf32>
      tpu.vector_store %arg7[%swap3A_242], %swap3A_245 {strides = array<i32>} : memref<8192xf32, #tpu.memory_space<vmem>>, vector<16xf32>,
      %dma_wait3A_246 = arith.constant 3 : i32
      %dma_wait3A_247 = arith.constant 0 : i32
      %dma_wait3A_248 = arith.constant 0 : i32
      %dma_wait3A_249 = tpu.memref_slice %arg6[%dma_wait3A_246, %dma_wait3A_247, %dma_wait3A_248] : memref<4x200x64xf32, #tpu.memory_space<vmem>> -> memref<1x104x64xf32, #tpu.memory_space<vmem>>
      %dma_wait3A_250 = tpu.memref_squeeze %dma_wait3A_249 : memref<1x104x64xf32, #tpu.memory_space<vmem>> -> memref<104x64xf32, #tpu.memory_space<vmem>>
      %dma_wait3A_251 = arith.constant 25400 : i32
      %dma_wait3A_252 = tpu.memref_slice %arg5[%dma_wait3A_251] : memref<25600xi32, #tpu.memory_space<vmem>> -> memref<104xi32, #tpu.memory_space<vmem>>
      %dma_wait3A_253 = arith.constant 0 : i32
      %dma_wait3A_254 = arith.constant 0 : i32
      %dma_wait3A_255 = tpu.memref_slice %arg3[%dma_wait3A_253, %dma_wait3A_254] : memref<1000000x64xf32, #tpu.memory_space<hbm>> -> memref<1000000x64xf32, #tpu.memory_space<hbm>>
      tpu.wait_indirect_dma semaphore(%arg11 : memref<!tpu.dma_semaphore, #tpu.memory_space<semaphore_mem>>) src(%dma_wait3A_255 : memref<1000000x64xf32, #tpu.memory_space<hbm>>) dst(%dma_wait3A_250 : memref<104x64xf32, #tpu.memory_space<vmem>>)
      %dma_wait3A_256 = arith.constant 3 : i32
      %dma_wait3A_257 = arith.constant 104 : i32
      %dma_wait3A_258 = arith.constant 0 : i32
      %dma_wait3A_259 = tpu.memref_slice %arg6[%dma_wait3A_256, %dma_wait3A_257, %dma_wait3A_258] : memref<4x200x64xf32, #tpu.memory_space<vmem>> -> memref<1x96x64xf32, #tpu.memory_space<vmem>>
      %dma_wait3A_260 = tpu.memref_squeeze %dma_wait3A_259 : memref<1x96x64xf32, #tpu.memory_space<vmem>> -> memref<96x64xf32, #tpu.memory_space<vmem>>
      %dma_wait3A_261 = arith.constant 25504 : i32
      %dma_wait3A_262 = tpu.memref_slice %arg5[%dma_wait3A_261] : memref<25600xi32, #tpu.memory_space<vmem>> -> memref<96xi32, #tpu.memory_space<vmem>>
      %dma_wait3A_263 = arith.constant 0 : i32
      %dma_wait3A_264 = arith.constant 0 : i32
      %dma_wait3A_265 = tpu.memref_slice %arg3[%dma_wait3A_263, %dma_wait3A_264] : memref<1000000x64xf32, #tpu.memory_space<hbm>> -> memref<1000000x64xf32, #tpu.memory_space<hbm>>
      tpu.wait_indirect_dma semaphore(%arg11 : memref<!tpu.dma_semaphore, #tpu.memory_space<semaphore_mem>>) src(%dma_wait3A_265 : memref<1000000x64xf32, #tpu.memory_space<hbm>>) dst(%dma_wait3A_260 : memref<96x64xf32, #tpu.memory_space<vmem>>)
      %broadcast_in_dim3A_266 = arith.constant 0.000000e+00 : f32
      %broadcast_in_dim3A_267 = vector.broadcast %broadcast_in_dim3A_266 : f32 to vector<16xf32>
      %broadcast_in_dim3A_268 = arith.constant 0.000000e+00 : f32
      %broadcast_in_dim3A_269 = vector.broadcast %broadcast_in_dim3A_268 : f32 to vector<16xf32>
      %broadcast_in_dim3A_270 = arith.constant 0.000000e+00 : f32
      %broadcast_in_dim3A_271 = vector.broadcast %broadcast_in_dim3A_270 : f32 to vector<16xf32>
      %broadcast_in_dim3A_272 = arith.constant 0.000000e+00 : f32
      %broadcast_in_dim3A_273 = vector.broadcast %broadcast_in_dim3A_272 : f32 to vector<16xf32>
      %scan3A_274 = arith.constant 0 : i32
      %scan3A_275 = arith.constant 200 : i32
      %scan3A_276 = arith.addi %scan3A_274, %scan3A_275 : i32
      %scan3A_277 = arith.constant 4 : i32
      %scan3A_278:4 = scf.for %scan3A_301 = %scan3A_274 to %scan3A_276 step %scan3A_277 iter_args(%scan3A_302 = %broadcast_in_dim3A_267, %scan3A_303 = %broadcast_in_dim3A_269, %scan3A_304 = %broadcast_in_dim3A_271, %scan3A_305 = %broadcast_in_dim3A_273) -> (vector<16xf32>, vector<16xf32>, vector<16xf32>, vector<16xf32>)  : i32 {
        %get3A = arith.constant 3 : i32
        %get3A_306 = arith.index_cast %get3A : i32 to index
        %get3A_307 = arith.index_cast %scan3A_301 : i32 to index
        %get3A_308 = arith.constant 0 : index
        %get3A_309 = tpu.vector_load %arg6[%get3A_306, %get3A_307, %get3A_308] {strides = array<i32>} : memref<4x200x64xf32, #tpu.memory_space<vmem>>, vector<1x1x16xf32>,
        %get3A_310 = vector.shape_cast %get3A_309 : vector<1x1x16xf32> to vector<16xf32>
        %add3A_311 = arith.addf %scan3A_302, %get3A_310 : vector<16xf32>
        %get3A_312 = arith.constant 3 : i32
        %get3A_313 = arith.index_cast %get3A_312 : i32 to index
        %get3A_314 = arith.index_cast %scan3A_301 : i32 to index
        %get3A_315 = arith.constant 16 : index
        %get3A_316 = tpu.vector_load %arg6[%get3A_313, %get3A_314, %get3A_315] {strides = array<i32>} : memref<4x200x64xf32, #tpu.memory_space<vmem>>, vector<1x1x16xf32>,
        %get3A_317 = vector.shape_cast %get3A_316 : vector<1x1x16xf32> to vector<16xf32>
        %add3A_318 = arith.addf %scan3A_303, %get3A_317 : vector<16xf32>
        %get3A_319 = arith.constant 3 : i32
        %get3A_320 = arith.index_cast %get3A_319 : i32 to index
        %get3A_321 = arith.index_cast %scan3A_301 : i32 to index
        %get3A_322 = arith.constant 32 : index
        %get3A_323 = tpu.vector_load %arg6[%get3A_320, %get3A_321, %get3A_322] {strides = array<i32>} : memref<4x200x64xf32, #tpu.memory_space<vmem>>, vector<1x1x16xf32>,
        %get3A_324 = vector.shape_cast %get3A_323 : vector<1x1x16xf32> to vector<16xf32>
        %add3A_325 = arith.addf %scan3A_304, %get3A_324 : vector<16xf32>
        %get3A_326 = arith.constant 3 : i32
        %get3A_327 = arith.index_cast %get3A_326 : i32 to index
        %get3A_328 = arith.index_cast %scan3A_301 : i32 to index
        %get3A_329 = arith.constant 48 : index
        %get3A_330 = tpu.vector_load %arg6[%get3A_327, %get3A_328, %get3A_329] {strides = array<i32>} : memref<4x200x64xf32, #tpu.memory_space<vmem>>, vector<1x1x16xf32>,
        %get3A_331 = vector.shape_cast %get3A_330 : vector<1x1x16xf32> to vector<16xf32>
        %add3A_332 = arith.addf %scan3A_305, %get3A_331 : vector<16xf32>
        %scan3A_333 = arith.constant 1 : i32
        %scan3A_334 = arith.addi %scan3A_301, %scan3A_333 : i32
        %get3A_335 = arith.constant 3 : i32
        %get3A_336 = arith.index_cast %get3A_335 : i32 to index
        %get3A_337 = arith.index_cast %scan3A_334 : i32 to index
        %get3A_338 = arith.constant 0 : index
        %get3A_339 = tpu.vector_load %arg6[%get3A_336, %get3A_337, %get3A_338] {strides = array<i32>} : memref<4x200x64xf32, #tpu.memory_space<vmem>>, vector<1x1x16xf32>,
        %get3A_340 = vector.shape_cast %get3A_339 : vector<1x1x16xf32> to vector<16xf32>
        %add3A_341 = arith.addf %add3A_311, %get3A_340 : vector<16xf32>
        %get3A_342 = arith.constant 3 : i32
        %get3A_343 = arith.index_cast %get3A_342 : i32 to index
        %get3A_344 = arith.index_cast %scan3A_334 : i32 to index
        %get3A_345 = arith.constant 16 : index
        %get3A_346 = tpu.vector_load %arg6[%get3A_343, %get3A_344, %get3A_345] {strides = array<i32>} : memref<4x200x64xf32, #tpu.memory_space<vmem>>, vector<1x1x16xf32>,
        %get3A_347 = vector.shape_cast %get3A_346 : vector<1x1x16xf32> to vector<16xf32>
        %add3A_348 = arith.addf %add3A_318, %get3A_347 : vector<16xf32>
        %get3A_349 = arith.constant 3 : i32
        %get3A_350 = arith.index_cast %get3A_349 : i32 to index
        %get3A_351 = arith.index_cast %scan3A_334 : i32 to index
        %get3A_352 = arith.constant 32 : index
        %get3A_353 = tpu.vector_load %arg6[%get3A_350, %get3A_351, %get3A_352] {strides = array<i32>} : memref<4x200x64xf32, #tpu.memory_space<vmem>>, vector<1x1x16xf32>,
        %get3A_354 = vector.shape_cast %get3A_353 : vector<1x1x16xf32> to vector<16xf32>
        %add3A_355 = arith.addf %add3A_325, %get3A_354 : vector<16xf32>
        %get3A_356 = arith.constant 3 : i32
        %get3A_357 = arith.index_cast %get3A_356 : i32 to index
        %get3A_358 = arith.index_cast %scan3A_334 : i32 to index
        %get3A_359 = arith.constant 48 : index
        %get3A_360 = tpu.vector_load %arg6[%get3A_357, %get3A_358, %get3A_359] {strides = array<i32>} : memref<4x200x64xf32, #tpu.memory_space<vmem>>, vector<1x1x16xf32>,
        %get3A_361 = vector.shape_cast %get3A_360 : vector<1x1x16xf32> to vector<16xf32>
        %add3A_362 = arith.addf %add3A_332, %get3A_361 : vector<16xf32>
        %scan3A_363 = arith.constant 2 : i32
        %scan3A_364 = arith.addi %scan3A_301, %scan3A_363 : i32
        %get3A_365 = arith.constant 3 : i32
        %get3A_366 = arith.index_cast %get3A_365 : i32 to index
        %get3A_367 = arith.index_cast %scan3A_364 : i32 to index
        %get3A_368 = arith.constant 0 : index
        %get3A_369 = tpu.vector_load %arg6[%get3A_366, %get3A_367, %get3A_368] {strides = array<i32>} : memref<4x200x64xf32, #tpu.memory_space<vmem>>, vector<1x1x16xf32>,
        %get3A_370 = vector.shape_cast %get3A_369 : vector<1x1x16xf32> to vector<16xf32>
        %add3A_371 = arith.addf %add3A_341, %get3A_370 : vector<16xf32>
        %get3A_372 = arith.constant 3 : i32
        %get3A_373 = arith.index_cast %get3A_372 : i32 to index
        %get3A_374 = arith.index_cast %scan3A_364 : i32 to index
        %get3A_375 = arith.constant 16 : index
        %get3A_376 = tpu.vector_load %arg6[%get3A_373, %get3A_374, %get3A_375] {strides = array<i32>} : memref<4x200x64xf32, #tpu.memory_space<vmem>>, vector<1x1x16xf32>,
        %get3A_377 = vector.shape_cast %get3A_376 : vector<1x1x16xf32> to vector<16xf32>
        %add3A_378 = arith.addf %add3A_348, %get3A_377 : vector<16xf32>
        %get3A_379 = arith.constant 3 : i32
        %get3A_380 = arith.index_cast %get3A_379 : i32 to index
        %get3A_381 = arith.index_cast %scan3A_364 : i32 to index
        %get3A_382 = arith.constant 32 : index
        %get3A_383 = tpu.vector_load %arg6[%get3A_380, %get3A_381, %get3A_382] {strides = array<i32>} : memref<4x200x64xf32, #tpu.memory_space<vmem>>, vector<1x1x16xf32>,
        %get3A_384 = vector.shape_cast %get3A_383 : vector<1x1x16xf32> to vector<16xf32>
        %add3A_385 = arith.addf %add3A_355, %get3A_384 : vector<16xf32>
        %get3A_386 = arith.constant 3 : i32
        %get3A_387 = arith.index_cast %get3A_386 : i32 to index
        %get3A_388 = arith.index_cast %scan3A_364 : i32 to index
        %get3A_389 = arith.constant 48 : index
        %get3A_390 = tpu.vector_load %arg6[%get3A_387, %get3A_388, %get3A_389] {strides = array<i32>} : memref<4x200x64xf32, #tpu.memory_space<vmem>>, vector<1x1x16xf32>,
        %get3A_391 = vector.shape_cast %get3A_390 : vector<1x1x16xf32> to vector<16xf32>
        %add3A_392 = arith.addf %add3A_362, %get3A_391 : vector<16xf32>
        %scan3A_393 = arith.constant 3 : i32
        %scan3A_394 = arith.addi %scan3A_301, %scan3A_393 : i32
        %get3A_395 = arith.constant 3 : i32
        %get3A_396 = arith.index_cast %get3A_395 : i32 to index
        %get3A_397 = arith.index_cast %scan3A_394 : i32 to index
        %get3A_398 = arith.constant 0 : index
        %get3A_399 = tpu.vector_load %arg6[%get3A_396, %get3A_397, %get3A_398] {strides = array<i32>} : memref<4x200x64xf32, #tpu.memory_space<vmem>>, vector<1x1x16xf32>,
        %get3A_400 = vector.shape_cast %get3A_399 : vector<1x1x16xf32> to vector<16xf32>
        %add3A_401 = arith.addf %add3A_371, %get3A_400 : vector<16xf32>
        %get3A_402 = arith.constant 3 : i32
        %get3A_403 = arith.index_cast %get3A_402 : i32 to index
        %get3A_404 = arith.index_cast %scan3A_394 : i32 to index
        %get3A_405 = arith.constant 16 : index
        %get3A_406 = tpu.vector_load %arg6[%get3A_403, %get3A_404, %get3A_405] {strides = array<i32>} : memref<4x200x64xf32, #tpu.memory_space<vmem>>, vector<1x1x16xf32>,
        %get3A_407 = vector.shape_cast %get3A_406 : vector<1x1x16xf32> to vector<16xf32>
        %add3A_408 = arith.addf %add3A_378, %get3A_407 : vector<16xf32>
        %get3A_409 = arith.constant 3 : i32
        %get3A_410 = arith.index_cast %get3A_409 : i32 to index
        %get3A_411 = arith.index_cast %scan3A_394 : i32 to index
        %get3A_412 = arith.constant 32 : index
        %get3A_413 = tpu.vector_load %arg6[%get3A_410, %get3A_411, %get3A_412] {strides = array<i32>} : memref<4x200x64xf32, #tpu.memory_space<vmem>>, vector<1x1x16xf32>,
        %get3A_414 = vector.shape_cast %get3A_413 : vector<1x1x16xf32> to vector<16xf32>
        %add3A_415 = arith.addf %add3A_385, %get3A_414 : vector<16xf32>
        %get3A_416 = arith.constant 3 : i32
        %get3A_417 = arith.index_cast %get3A_416 : i32 to index
        %get3A_418 = arith.index_cast %scan3A_394 : i32 to index
        %get3A_419 = arith.constant 48 : index
        %get3A_420 = tpu.vector_load %arg6[%get3A_417, %get3A_418, %get3A_419] {strides = array<i32>} : memref<4x200x64xf32, #tpu.memory_space<vmem>>, vector<1x1x16xf32>,
        %get3A_421 = vector.shape_cast %get3A_420 : vector<1x1x16xf32> to vector<16xf32>
        %add3A_422 = arith.addf %add3A_392, %get3A_421 : vector<16xf32>
        scf.yield %add3A_401, %add3A_408, %add3A_415, %add3A_422 : vector<16xf32>, vector<16xf32>, vector<16xf32>, vector<16xf32>
      }
      %scan3A_279 = arith.constant 200 : i32
      %swap3A_280 = arith.constant 8128 : index
      %swap3A_281 = tpu.vector_load %arg7[%swap3A_280] {strides = array<i32>} : memref<8192xf32, #tpu.memory_space<vmem>>, vector<16xf32>,
      %swap3A_282 = vector.shape_cast %swap3A_281 : vector<16xf32> to vector<16xf32>
      %swap3A_283 = vector.shape_cast %scan3A_278#0 : vector<16xf32> to vector<16xf32>
      tpu.vector_store %arg7[%swap3A_280], %swap3A_283 {strides = array<i32>} : memref<8192xf32, #tpu.memory_space<vmem>>, vector<16xf32>,
      %swap3A_284 = arith.constant 8144 : index
      %swap3A_285 = tpu.vector_load %arg7[%swap3A_284] {strides = array<i32>} : memref<8192xf32, #tpu.memory_space<vmem>>, vector<16xf32>,
      %swap3A_286 = vector.shape_cast %swap3A_285 : vector<16xf32> to vector<16xf32>
      %swap3A_287 = vector.shape_cast %scan3A_278#1 : vector<16xf32> to vector<16xf32>
      tpu.vector_store %arg7[%swap3A_284], %swap3A_287 {strides = array<i32>} : memref<8192xf32, #tpu.memory_space<vmem>>, vector<16xf32>,
      %swap3A_288 = arith.constant 8160 : index
      %swap3A_289 = tpu.vector_load %arg7[%swap3A_288] {strides = array<i32>} : memref<8192xf32, #tpu.memory_space<vmem>>, vector<16xf32>,
      %swap3A_290 = vector.shape_cast %swap3A_289 : vector<16xf32> to vector<16xf32>
      %swap3A_291 = vector.shape_cast %scan3A_278#2 : vector<16xf32> to vector<16xf32>
      tpu.vector_store %arg7[%swap3A_288], %swap3A_291 {strides = array<i32>} : memref<8192xf32, #tpu.memory_space<vmem>>, vector<16xf32>,
      %swap3A_292 = arith.constant 8176 : index
      %swap3A_293 = tpu.vector_load %arg7[%swap3A_292] {strides = array<i32>} : memref<8192xf32, #tpu.memory_space<vmem>>, vector<16xf32>,
      %swap3A_294 = vector.shape_cast %swap3A_293 : vector<16xf32> to vector<16xf32>
      %swap3A_295 = vector.shape_cast %scan3A_278#3 : vector<16xf32> to vector<16xf32>
      tpu.vector_store %arg7[%swap3A_292], %swap3A_295 {strides = array<i32>} : memref<8192xf32, #tpu.memory_space<vmem>>, vector<16xf32>,
      %mul3A_296 = arith.constant 128 : i32
      %mul3A_297 = arith.muli %scan3A_8, %mul3A_296 : i32
      %add3A_298 = arith.addi %mul3A_2, %mul3A_297 : i32
      %mul3A_299 = arith.constant 64 : i32
      %mul3A_300 = arith.muli %add3A_298, %mul3A_299 : i32
      "tpu.region"() ({
        %run_scoped3A = tpu.sem_alloc : memref<!tpu.dma_semaphore, #tpu.memory_space<semaphore_mem>>
        %dma_start3A_301 = tpu.memref_slice %arg4[%mul3A_300] : memref<1048576xf32, #tpu.memory_space<hbm>> -> memref<8192xf32, #tpu.memory_space<hbm>>
        %dma_start3A_302 = tpu.memref_slice %arg4[%mul3A_300] : memref<1048576xf32, #tpu.memory_space<hbm>> -> memref<8192xf32, #tpu.memory_space<hbm>>
        tpu.enqueue_dma source(%arg7 : memref<8192xf32, #tpu.memory_space<vmem>>) target(%dma_start3A_302 : memref<8192xf32, #tpu.memory_space<hbm>>) target_semaphore(%run_scoped3A : memref<!tpu.dma_semaphore, #tpu.memory_space<semaphore_mem>>)
        %dma_wait3A_303 = tpu.memref_slice %arg4[%mul3A_300] : memref<1048576xf32, #tpu.memory_space<hbm>> -> memref<8192xf32, #tpu.memory_space<hbm>>
        %dma_wait3A_304 = tpu.memref_slice %arg4[%mul3A_300] : memref<1048576xf32, #tpu.memory_space<hbm>> -> memref<8192xf32, #tpu.memory_space<hbm>>
        tpu.wait_dma2 semaphore(%run_scoped3A : memref<!tpu.dma_semaphore, #tpu.memory_space<semaphore_mem>>) src(%arg7 : memref<8192xf32, #tpu.memory_space<vmem>>) dst(%dma_wait3A_304 : memref<8192xf32, #tpu.memory_space<hbm>>)
        tpu.yield
      }) : () -> ()
    }
    %scan3A_7 = arith.constant 4 : i32
    return
  }
}

module attributes {stable_mosaic.version = 14 : i64} {
  func.func @mm_body(%arg0: i32, %arg1: memref<1024x64xf32, #tpu.memory_space<vmem>>, %arg2: memref<64x1024xf32, #tpu.memory_space<vmem>>, %arg3: memref<1x1024xf32, #tpu.memory_space<vmem>>, %arg4: memref<1024x1024xf32, #tpu.memory_space<vmem>>) attributes {dimension_semantics = [#tpu.dimension_semantics<arbitrary>], iteration_bounds = array<i64: 16>, scalar_prefetch = 0 : i64, scratch_operands = 0 : i64, tpu.core_type = #tpu.core_type<tc>, window_params = [{transform_indices = @transform_0, window_bounds = array<i64: 1024, 64>}, {pipeline_mode = #tpu.pipeline_mode<synchronous>, transform_indices = @transform_1, window_bounds = array<i64: 64, 1024>}, {pipeline_mode = #tpu.pipeline_mode<synchronous>, transform_indices = @transform_2, window_bounds = array<i64: 1, 1024>}, {transform_indices = @transform_3, window_bounds = array<i64: 1024, 1024>}]} {
    %get3A = arith.constant 0 : index
    %get3A_0 = arith.constant 0 : index
    %get3A_1 = vector.load %arg1[%get3A, %get3A_0] : memref<1024x64xf32, #tpu.memory_space<vmem>>, vector<1024x64xf32>
    %get3A_2 = arith.constant 0 : index
    %get3A_3 = arith.constant 0 : index
    %get3A_4 = vector.load %arg2[%get3A_2, %get3A_3] : memref<64x1024xf32, #tpu.memory_space<vmem>>, vector<64x1024xf32>
    %dot_general3A = arith.constant dense<0.000000e+00> : vector<1024x1024xf32>
    %dot_general3A_5 = tpu.matmul %get3A_1, %get3A_4, %dot_general3A {dimension_numbers = #tpu.dot_dimension_numbers<[1], [0], [0], [1], [0, 0, 1, 1], [], []>, transpose_lhs_hint = false} : vector<1024x64xf32>, vector<64x1024xf32>, vector<1024x1024xf32> -> vector<1024x1024xf32>
    %get3A_6 = arith.constant 0 : index
    %get3A_7 = arith.constant 0 : index
    %get3A_8 = vector.load %arg3[%get3A_6, %get3A_7] : memref<1x1024xf32, #tpu.memory_space<vmem>>, vector<1x1024xf32>
    %add3A = vector.broadcast %get3A_8 : vector<1x1024xf32> to vector<1024x1024xf32>
    %add3A_9 = arith.addf %dot_general3A_5, %add3A : vector<1024x1024xf32>
    %swap3A = arith.constant 0 : index
    %swap3A_10 = arith.constant 0 : index
    %swap3A_11 = vector.load %arg4[%swap3A, %swap3A_10] : memref<1024x1024xf32, #tpu.memory_space<vmem>>, vector<1024x1024xf32>
    tpu.vector_store %arg4[%swap3A, %swap3A_10], %add3A_9 {strides = array<i32>} : memref<1024x1024xf32, #tpu.memory_space<vmem>>, vector<1024x1024xf32>,
    return
  }
  func.func @transform_0(%arg0: i32) -> (i32, i32) {
    %c0_i32 = arith.constant 0 : i32
    %c0_i32_0 = arith.constant 0 : i32
    return %arg0, %c0_i32 : i32, i32
  }
  func.func @transform_1(%arg0: i32) -> (i32, i32) {
    %c0_i32 = arith.constant 0 : i32
    %c0_i32_0 = arith.constant 0 : i32
    %c0_i32_1 = arith.constant 0 : i32
    return %c0_i32, %c0_i32_0 : i32, i32
  }
  func.func @transform_2(%arg0: i32) -> (i32, i32) {
    %c0_i32 = arith.constant 0 : i32
    %c0_i32_0 = arith.constant 0 : i32
    %c0_i32_1 = arith.constant 0 : i32
    return %c0_i32, %c0_i32_0 : i32, i32
  }
  func.func @transform_3(%arg0: i32) -> (i32, i32) {
    %c0_i32 = arith.constant 0 : i32
    %c0_i32_0 = arith.constant 0 : i32
    return %arg0, %c0_i32 : i32, i32
  }
}

</mosaic_0001>

<sc_bundles>
// kernel: kernel.4.cloned.1.call-start
scs
__scs_entry_jumppad:
0x0: {  	(pc) =	sbr.rel $0x88, $3  }
0x1: {  	(tag) =	ssettag $0x0;
	lr =	simm.s32 $0x1  }
0x2: {  	[smem:$0x3F9D] =	sst lr;
	_ =	strace $0xD0000000  }
0x3: {  	_ = 	snop  }
0x4: {  	_ = 	snop  }
0x5: {  	_ = 	snop  }
0x6: {  	_ = 	snop  }
0x7: {  	_ = 	snop  }
__scs_overlays_trampoline_lowered:
0x8: {  	[smem:$0x3FAC] =	sst s0  }
0x9: {  	[smem:$0x3FAD] =	sst s1  }
0xa: {  	[smem:$0x3FAE] =	sst s2  }
0xb: {  	[smem:$0x3FAF] =	sst s3  }
0xc: {  	[smem:$0x3FB0] =	sst s4  }
0xd: {  	[smem:$0x3FB1] =	sst s5  }
0xe: {  	[smem:$0x3FB2] =	sst s6  }
0xf: {  	[smem:$0x3FB3] =	sst s7  }
0x10: {  	[smem:$0x3FB4] =	sst s8  }
0x11: {  	[smem:$0x3FB5] =	sst s9;
	s0 =	simm.s32 @!p0 $0x0  }
0x12: {  	s1 =	sld [smem:$0x3F9B];
	s0 =	simm.s32 @p0 $0x1  }
0x13: {  	[smem:$0x3FB6] =	sst s0;
	s0 =	simm.s32 @!p1 $0x0  }
0x14: {  	s2 =	sld [smem:$0x3F9A];
	s0 =	simm.s32 @p1 $0x1  }
0x15: {  	[smem:$0x3FB7] =	sst s0;
	s0 =	simm.s32 @!p2 $0x0  }
0x16: {  	s3 =	sld [smem:$0x3FDB];
	s0 =	simm.s32 @p2 $0x1  }
0x17: {  	s4 =	simm.s32 $0x1BF5;
	[smem:$0x3FB9] =	sst s0  }
0x18: {  	s0 =	sld [smem:$0x3F9C];
	_ =	swait.ge [sflag:s4], $0x0  }
0x19: {  	s7 =	sld [smem:$0x3F9D]  }
0x1a: {  	s8 =	sadd.s32 $0xFFFFE003, lr  }
0x1b: {  	s9 =	sadd.s32 $0xFFFFFEF7, lr;
	s5 =	simm.s32 $0xFFFFFFFF;
	p2 =	slt.u32 s8, $0xFFFFF086  }
0x1c: {  	p1 =	slt.u32 s9, $0xF7A;
	s5 =	simm.s32 @!p2 $0x0  }
0x1d: {  	s5 =	simm.s32 @p1 $0x1;
	p0 =	seq.s32 s7, s2  }
0x1e: {  	s7 =	smul.u32 @!p0 $0xF7A, s2;
	p2 =	seq.s32 @!p0 s5, $0x0  }
0x1f: {  	s9 =	smul.u32 $0xF7A, s1;
	s8 =	simm.s32 @!p0 $0x1BF5;
	p2 =	por !p2, p0  }
0x20: {  	[sflag:s8] =	ssyncset.s32 @!p0 $0xFFFFF086;
	s6 =	sadd.s32 @!p0 s3, s7;
	s7 =	simm.s32 @!p0 $0x108  }
0x21: {  	s3 =	sadd.s32 s3, s9;
	s6 =	sadd.s32 @!p0 $0x88, s6;
	s7 =	simm.s32 @p2 $0x1082  }
0x22: {  	[simem:s7], [sflag:s8] =	dma.local @!p0 [hbm:s6], $0xF7A  }
0x23: {  	s9 =	sor.u32 $0xD0000000, s2;
	s6 =	simm.s32 $0x108;
	_ =	swait.ge @!p0 [sflag:s8], $0x0  }
0x24: {  	s3 =	sadd.s32 $0x88, s3;
	s6 =	simm.s32 @!p1 $0x1082;
	[sflag:s4] =	ssyncset.s32 $0xFFFFF086  }
0x25: {  	[simem:s6], [sflag:s4] =	dma.local [hbm:s3], $0xF7A  }
0x26: {  	[smem:$0x3F9D] =	sst s1;
	(tag) =	ssettag s2;
	_ =	strace s9  }
0x27: {  	s1 =	sld [smem:$0x3FAD]  }
0x28: {  	s2 =	sld [smem:$0x3FAE]  }
0x29: {  	s4 =	sld [smem:$0x3FB0]  }
0x2a: {  	p0 =	seq.s32 s5, $0x0;
	s5 =	sld [smem:$0x3FB1]  }
0x2b: {  	s6 =	sld [smem:$0x3FB2]  }
0x2c: {  	s7 =	sld [smem:$0x3FB3]  }
0x2d: {  	s3 =	simm.s32 $0x108;
	s8 =	sld [smem:$0x3FB4]  }
0x2e: {  	s3 =	simm.s32 @!p0 $0x1082;
	s9 =	sld [smem:$0x3FB5]  }
0x2f: {  	lr =	sadd.s32 s0, s3;
	s0 =	sld [smem:$0x3FAC]  }
0x30: {  	s3 =	sld [smem:$0x3FAF]  }
0x31: {  	[smem:$0x3FB8] =	sst s10  }
0x32: {  	s10 =	sld [smem:$0x3FB6];
	_ =	sdelay $0x3  }
0x33: {  	p0 =	seq.s32 s10, $0x1;
	s10 =	sld [smem:$0x3FB8];
	_ =	sdelay $0x3  }
0x34: {  	[smem:$0x3FB8] =	sst s10  }
0x35: {  	s10 =	sld [smem:$0x3FB7];
	_ =	sdelay $0x3  }
0x36: {  	p1 =	seq.s32 s10, $0x1;
	s10 =	sld [smem:$0x3FB8];
	_ =	sdelay $0x3  }
0x37: {  	[smem:$0x3FB8] =	sst s10  }
0x38: {  	s10 =	sld [smem:$0x3FB9]  }
0x39: {  	_ = 	snop;
	(pc) =	sbr.ind lr, $3  }
0x3a: {  	_ = 	snop  }
0x3b: {  	_ = 	snop  }
0x3c: {  	p2 =	seq.s32 s10, $0x1;
	s10 =	sld [smem:$0x3FB8]  }
0x3d: {  	_ =	shalt  }
0x3e: {  	_ =	shalt  }
0x3f: {  	_ =	shalt  }
0x40: {  	_ =	shalt  }
0x41: {  	_ =	shalt  }
0x42: {  	_ =	shalt  }
0x43: {  	_ =	shalt  }
0x44: {  	_ =	shalt  }
0x45: {  	_ =	shalt  }
0x46: {  	_ =	shalt  }
0x47: {  	_ =	shalt  }
0x48: {  	_ =	shalt  }
0x49: {  	_ =	shalt  }
0x4a: {  	_ =	shalt  }
0x4b: {  	_ =	shalt  }
0x4c: {  	_ =	shalt  }
0x4d: {  	_ =	shalt  }
0x4e: {  	_ =	shalt  }
0x4f: {  	_ =	shalt  }
0x50: {  	_ =	shalt  }
0x51: {  	_ =	shalt  }
0x52: {  	_ =	shalt  }
0x53: {  	_ =	shalt  }
0x54: {  	_ =	shalt  }
0x55: {  	_ =	shalt  }
0x56: {  	_ =	shalt  }
0x57: {  	_ =	shalt  }
0x58: {  	_ =	shalt  }
0x59: {  	_ =	shalt  }
0x5a: {  	_ =	shalt  }
0x5b: {  	_ =	shalt  }
0x5c: {  	_ =	shalt  }
0x5d: {  	_ =	shalt  }
0x5e: {  	_ =	shalt  }
0x5f: {  	_ =	shalt  }
0x60: {  	_ =	shalt  }
0x61: {  	_ =	shalt  }
0x62: {  	_ =	shalt  }
0x63: {  	_ =	shalt  }
0x64: {  	_ =	shalt  }
0x65: {  	_ =	shalt  }
0x66: {  	_ =	shalt  }
0x67: {  	_ =	shalt  }
0x68: {  	_ =	shalt  }
0x69: {  	_ =	shalt  }
0x6a: {  	_ =	shalt  }
0x6b: {  	_ =	shalt  }
0x6c: {  	_ =	shalt  }
0x6d: {  	_ =	shalt  }
0x6e: {  	_ =	shalt  }
0x6f: {  	_ =	shalt  }
0x70: {  	_ =	shalt  }
0x71: {  	_ =	shalt  }
0x72: {  	_ =	shalt  }
0x73: {  	_ =	shalt  }
0x74: {  	_ =	shalt  }
0x75: {  	_ =	shalt  }
0x76: {  	_ =	shalt  }
0x77: {  	_ =	shalt  }
0x78: {  	_ =	shalt  }
0x79: {  	_ =	shalt  }
0x7a: {  	_ =	shalt  }
0x7b: {  	_ =	shalt  }
0x7c: {  	_ =	shalt  }
0x7d: {  	_ =	shalt  }
0x7e: {  	_ =	shalt  }
0x7f: {  	_ =	shalt  }
0x80: {  	_ =	shalt  }
0x81: {  	_ =	shalt  }
0x82: {  	_ =	shalt  }
0x83: {  	_ =	shalt  }
0x84: {  	_ =	shalt  }
0x85: {  	_ =	shalt  }
0x86: {  	_ =	shalt  }
0x87: {  	_ =	shalt  }
.Lfunc_end0:
.L_simem_size_0:
called_computation.1_lowered:
.L_overlay_start_0:
0x88: {  	s2 =	sld [smem:$0x3FD9]  }
0x89: {  	s3 =	sld [smem:$0x3FFE];
	_ =	sdelay $0x1  }
0x8a: {  	s1 =	srdreg.scid  }
0x8b: {  	s0 =	sand.u32 $0x1, s1  }
0x8c: {  	s17 =	sshll.u32 s0, $0xA;
	s2 =	sadd.s32 s3, s2  }
0x8d: {  	s2 =	sadd.s32 s2, s17  }
0x8e: {  	[smem:$0x3FC4] =	sst s2  }
0x8f: {  	_ = 	snop  }
0x90: {  	s2 =	sld [smem:$0x3FD0];
	(tm) =	ssettm $0x1  }
0x91: {  	s18 =	sld [smem:$0x3FFB];
	_ =	sdelay $0x3  }
0x92: {  	_ =	strace s18  }
0x93: {  	s3 =	sld [smem:$0x3FFC];
	_ =	sdelay $0x3  }
0x94: {  	_ =	strace s3  }
0x95: {  	s3 =	sld [smem:$0x3FFD];
	_ =	sdelay $0x3  }
0x96: {  	_ =	strace s3  }
0x97: {  	_ =	strace $0x8FFFFFFF  }
0x98: {  	s19 =	sld [smem:$0x3FDB];
	_ =	sdelay $0x1  }
0x99: {  	s4 =	simm.s32 $_scs_section_size  }
0x9a: {  	s5 =	simm.s32 $_size__tile_overlayer_lowered;
	s6 =	simm.s32 $_tile_overlayer_lowered  }
0x9b: {  	s22 =	simm.s32 $0x1BFF;
	s21 =	sshll.u32 s6, $0x1;
	s3 =	sadd.s32 s4, s19  }
0x9c: {  	s7 =	simm.s32 $0x0;
	s20 =	sshll.u32 s5, $0x1;
	s5 =	sadd.s32 s21, s3  }
0x9d: {  	[timem:s7], [sflag:s22] =	dma.local [hbm:s5], s20  }
0x9e: {  	_ =	swait.ge [sflag:s22], s20  }
0x9f: {  	s4 =	ssub.s32 $0x0, s20;
	[sflag:s22] =	ssyncset.done $0x0  }
0xa0: {  	[sflag:s22] =	ssyncadd.s32 s4;
	_ =	sdelay $0x1  }
0xa1: {  	s23 =	simm.s32 $0x1B8B  }
0xa2: {  	_ =	swait.ge [sflag:s23], $0x1  }
0xa3: {  	[sflag:s23] =	ssyncset.done $0x0  }
0xa4: {  	s25 =	simm.s32 $0x1B8E;
	s24 =	sld [smem:$0x3FFE];
	[sflag:s23] =	ssyncadd.s32 $0xFFFFFFFF  }
0xa5: {  	s26 =	simm.s32 $execute0_lowered;
	[smem:$0x3FD2] =	sst s25  }
0xa6: {  	s5 =	sshll.u32 s26, $0x1;
	_ =	strace $0x80000046;
	[dreg:$0x1] =	wrdreg $0xFFFFFFFF  }
0xa7: {  	s28 =	simm.s32 $_size_execute0_lowered;
	s3 =	sadd.s32 s3, s5;
	[dreg:$0x0] =	wrdreg $0x0  }
0xa8: {  	s5 =	sshll.u32 s28, $0x1;
	[dreg:$0x2] =	wrdreg s3  }
0xa9: {  	[dreg:$0x3] =	wrdreg s5  }
0xaa: {  	[dreg:$0x4] =	wrdreg $0xC0  }
0xab: {  	_ =	task [dreg:s7], $0x5FFFF  }
0xac: {  	[dreg:$0x1] =	wrdreg $0xFFFFFFFF  }
0xad: {  	[dreg:$0x0] =	wrdreg $0x60  }
0xae: {  	[dreg:$0x2] =	wrdreg s2  }
0xaf: {  	[dreg:$0x3] =	wrdreg s24  }
0xb0: {  	[dreg:$0x4] =	wrdreg $0x9  }
0xb1: {  	_ =	task.clear_ibuf [dreg:s7], $0x5FFFF;
	_ =	strace $0x90000046  }
0xb2: {  	s29 =	simm.s32 $0x9;
	_ =	strace $0x80000048  }
0xb3: {  	_ =	swait.ge [sflag:s29], $0x1  }
0xb4: {  	[sflag:s29] =	ssyncadd.s32 $0xFFFFFFFF  }
0xb5: {  	_ =	strace $0x90000048  }
0xb6: {  	_ =	sfence  }
0xb7: {  	s30 =	sld [smem:$0x0];
	_ =	sdelay $0x2  }
0xb8: {  	s31 =	sshll.u32 s1, $0xD;
	s1 =	sshrl.u32 s1, $0x2  }
0xb9: {  	s3 =	sand.u32 $0x4000, s31;
	s1 =	sadd.s32 s1, s30  }
0xba: {  	s0 =	sor.u32 s3, s0;
	s1 =	sshll.u32 s1, $0x11  }
0xbb: {  	s0 =	sor.u32 s1, s0  }
0xbc: {  	s0 =	sadd.s32 $0x8F2B, s0  }
0xbd: {  	[sflag:s0] =	ssyncadd.remote.s32 $0x1  }
0xbe: {  	_ =	sfence.sel $0xFFFF  }
0xbf: {  	[dreg:$0x0] =	wrdreg $0xFFFFFFFF;
	(pc) =	sbr.abs _section_cstart, $3  }
0xc0: {  	[dreg:$0x1] =	wrdreg $0xFFFFFFFF  }
0xc1: {  	_ =	task.clear_ibuf [dreg:s7], $0x2FFFF;
	_ =	strace $0x9FFFFFFF  }
0xc2: {  	(tm) =	ssettm $0x7FFFFFFF  }
0xc3: {  	_ =	shalt  }
tec
execute0_lowered:
.L_overlay_start_1:
0x0: {  	(tag) =	ssettag $0x1  }
0x1: {  	s0 =	rddreg [dreg:$0x1];
	s1 =	simm.s32 $0x0;
	s26 =	srdreg.scid  }
0x2: {  	s5 =	stileid.u32;
	s8 =	simm.s32 $0x5;
	s9 =	simm.s32 $0x68  }
0x3: {  	s10 =	simm.s32 $0x6400;
	s11 =	simm.s32 $0x60;
	s12 =	simm.s32 $0x7E00  }
0x4: {  	s14 =	simm.s32 $0x9600;
	s15 =	simm.s32 $0x130;
	s16 =	simm.s32 $0xB000  }
0x5: {  	s17 =	simm.s32 $0x190;
	s18 =	simm.s32 $0xC800;
	s19 =	simm.s32 $0x1F8  }
0x6: {  	s20 =	simm.s32 $0xE200;
	s21 =	simm.s32 $0x258;
	s22 =	simm.s32 $0xFA00  }
0x7: {  	s23 =	simm.s32 $0x2C0;
	s24 =	simm.s32 $0x11400;
	s25 =	simm.s32 $0x1  }
0x8: {  	s28 =	simm.s32 $0x3;
	[smem:$0x7FF] =	sst s1;
	s1 =	sand.u32 $0x1, s26  }
0x9: {  	s29 =	simm.s32 $0x4;
	s30 =	simm.s32 $0x12C00;
	s2 =	ssub.s32 $0x2, s1  }
0xa: {  	s4 =	sadd.s32 $0xF43200, s0;
	s6 =	sshll.u32 s5, $0xA;
	s3 =	sshrl.u32 s2, $0x1  }
0xb: {  	s5 =	sadd.s32 $0xE00, s0;
	s26 =	simm.s32 $0x2;
	s31 =	ssub.s32 s2, s3  }
0xc: {  	_ =	strace $0x80000047;
	s1 =	sshll.u32 s1, $0x9;
	s0 =	smax.u32 s31, $0x1  }
0xd: {  	s6 =	sor.u32 s1, s6;
	s1 =	simm.s32 $0x0;
	[dreg:$0x3] =	wrdreg s0  }
.LBB2_1:
0xe: {  	[dreg:$0x4] =	wrdreg s1;
	s0 =	simm.s32 $0x0  }
.LBB2_2:
0xf: {  	s1 =	sshll.u32 s0, $0x7  }
0x10: {  	s3 =	sadd.s32 s6, s1  }
0x11: {  	s1 =	smul.u32 $0x19, s3  }
0x12: {  	s2 =	rddreg [dreg:$0x0]  }
0x13: {  	s7 =	simm.s32 $0x0;
	s1 =	sadd.s32 s2, s1  }
0x14: {  	[tilespmem:s7], [sflag:$0x5] =	stream.linear.gather [hbm4b:s1+s7], $0x6400, $0x38;
	[tilespmem:$0x14C00] =	vst v63  }
0x15: {  	_ =	swait.ge [sflag:s8], $0x6400  }
0x16: {  	[sflag:s8] =	ssyncset.done $0x0  }
0x17: {  	[sflag:s8] =	ssyncadd.s32 $0xFFFF9C00  }
0x18: {  	[tilespmem:s10], [sflag:$0x1] =	stream.indirect.gather [hbm4b:s4+s9], $0x40, s7, s9, $0xb8;
	[tilespmem:$0x14C00] =	vst v63  }
0x19: {  	_ = 	snop  }
0x1a: {  	[tilespmem:s12], [sflag:$0x1] =	stream.indirect.gather [hbm4b:s4+s11], $0x40, s9, s11, $0xb8;
	[tilespmem:$0x14C00] =	vst v63  }
0x1b: {  	s31 =	simm.s32 $0xC8  }
0x1c: {  	[tilespmem:s14], [sflag:$0x2] =	stream.indirect.gather [hbm4b:s4+s9], $0x40, s31, s9, $0xb8;
	[tilespmem:$0x14C00] =	vst v63  }
0x1d: {  	_ = 	snop  }
0x1e: {  	[tilespmem:s16], [sflag:$0x2] =	stream.indirect.gather [hbm4b:s4+s11], $0x40, s15, s11, $0xb8;
	[tilespmem:$0x14C00] =	vst v63  }
0x1f: {  	_ = 	snop  }
0x20: {  	[tilespmem:s18], [sflag:$0x3] =	stream.indirect.gather [hbm4b:s4+s9], $0x40, s17, s9, $0xb8;
	[tilespmem:$0x14C00] =	vst v63  }
0x21: {  	_ = 	snop  }
0x22: {  	[tilespmem:s20], [sflag:$0x3] =	stream.indirect.gather [hbm4b:s4+s11], $0x40, s19, s11, $0xb8;
	[tilespmem:$0x14C00] =	vst v63  }
0x23: {  	_ = 	snop  }
0x24: {  	[tilespmem:s22], [sflag:$0x4] =	stream.indirect.gather [hbm4b:s4+s9], $0x40, s21, s9, $0xb8;
	[tilespmem:$0x14C00] =	vst v63  }
0x25: {  	_ = 	snop  }
0x26: {  	[tilespmem:s24], [sflag:$0x4] =	stream.indirect.gather [hbm4b:s4+s11], $0x40, s23, s11, $0xb8;
	[tilespmem:$0x14C00] =	vst v63  }
.LBB2_3:
0x27: {  	_ =	swait.ge [sflag:s25], $0x1A00  }
0x28: {  	[sflag:s25] =	ssyncset.done $0x0  }
0x29: {  	[sflag:s25] =	ssyncadd.s32 $0xFFFFE600  }
0x2a: {  	_ =	swait.ge [sflag:s25], $0x1800  }
0x2b: {  	[sflag:s25] =	ssyncset.done $0x0  }
0x2c: {  	s2 =	simm.s32 $0x6480;
	[sflag:s25] =	ssyncadd.s32 $0xFFFFE800  }
0x2d: {  	v0 =	vld [tilespmem:s2+$0x40]  }
0x2e: {  	v1 =	vld [tilespmem:s2+$0x50]  }
0x2f: {  	v2 =	vld [tilespmem:s2+$0x0]  }
0x30: {  	v3 =	vld [tilespmem:s2+$0x10]  }
0x31: {  	v8 =	vld [tilespmem:s2+$0xFFFFFFC0]  }
0x32: {  	v12 =	vld [tilespmem:s2+$0xFFFFFFD0]  }
0x33: {  	v5 =	vld [tilespmem:s2+$0xFFFFFF80]  }
0x34: {  	v6 =	vld [tilespmem:s2+$0xFFFFFF90]  }
0x35: {  	v10 =	vld [tilespmem:s2+$0xFFFFFFA0]  }
0x36: {  	v13 =	vld [tilespmem:s2+$0xFFFFFFB0]  }
0x37: {  	v7 =	vld [tilespmem:s2+$0xFFFFFFE0]  }
0x38: {  	v9 =	vld [tilespmem:s2+$0xFFFFFFF0]  }
0x39: {  	v14 =	vimm.f32 $0.0e+00;
	v4 =	vld [tilespmem:s2+$0x20]  }
0x3a: {  	v15 =	vadd.f32 v5, v14;
	v16 =	vadd.f32 v6, v14;
	v6 =	vld [tilespmem:s2+$0x30]  }
0x3b: {  	v11 =	vadd.f32 v10, v14;
	v10 =	vadd.f32 v13, v14;
	v5 =	vld [tilespmem:s2+$0x60]  }
0x3c: {  	s1 =	simm.s32 $0x0;
	v13 =	vadd.f32 v8, v15;
	v12 =	vadd.f32 v12, v16;
	v8 =	vld [tilespmem:s2+$0x70];
	s2 =	simm.s32 $0x6580  }
.LBB2_4:
0x3d: {  	v14 =	vld [tilespmem:s2+$0x40];
	v7 =	vadd.f32 v7, v11;
	v9 =	vadd.f32 v9, v10  }
0x3e: {  	v10 =	vld [tilespmem:s2+$0x50];
	v11 =	vadd.f32 v2, v13;
	v12 =	vadd.f32 v3, v12  }
0x3f: {  	v2 =	vld [tilespmem:s2+$0x0];
	v4 =	vadd.f32 v4, v7;
	v6 =	vadd.f32 v6, v9  }
0x40: {  	v3 =	vld [tilespmem:s2+$0x10];
	v11 =	vadd.f32 v0, v11;
	v12 =	vadd.f32 v1, v12  }
0x41: {  	v13 =	vld [tilespmem:s2+$0xFFFFFFC0];
	v5 =	vadd.f32 v5, v4;
	v8 =	vadd.f32 v8, v6  }
0x42: {  	v15 =	vld [tilespmem:s2+$0xFFFFFFD0];
	v0 =	vmov v14  }
0x43: {  	v6 =	vld [tilespmem:s2+$0xFFFFFF80];
	v1 =	vmov v10  }
0x44: {  	v10 =	vld [tilespmem:s2+$0xFFFFFF90]  }
0x45: {  	v14 =	vld [tilespmem:s2+$0xFFFFFFA0]  }
0x46: {  	s1 =	sadd.s32 $0x4, s1;
	v16 =	vld [tilespmem:s2+$0xFFFFFFB0]  }
0x47: {  	p0 =	slt.u32 s1, $0xC4;
	v7 =	vld [tilespmem:s2+$0xFFFFFFE0]  }
.Ltmp0:
0x48: {  	v9 =	vld [tilespmem:s2+$0xFFFFFFF0];
	(pc) =	sbr.rel @p0 .LBB2_4-.Ltmp0, $4  }
0x49: {  	v4 =	vld [tilespmem:s2+$0x20]  }
0x4a: {  	v17 =	vadd.f32 v6, v11;
	v12 =	vadd.f32 v10, v12;
	v6 =	vld [tilespmem:s2+$0x30]  }
0x4b: {  	v11 =	vadd.f32 v14, v5;
	v10 =	vadd.f32 v16, v8;
	v5 =	vld [tilespmem:s2+$0x60]  }
0x4c: {  	v13 =	vadd.f32 v13, v17;
	v12 =	vadd.f32 v15, v12;
	v8 =	vld [tilespmem:s2+$0x70];
	s2 =	sadd.s32 $0x100, s2  }
0x4d: {  	_ = 	snop  }
0x4e: {  	v7 =	vadd.f32 v7, v11;
	v2 =	vadd.f32 v2, v13  }
0x4f: {  	v9 =	vadd.f32 v9, v10;
	v3 =	vadd.f32 v3, v12  }
0x50: {  	s1 =	sshll.u32 s7, $0x8;
	v4 =	vadd.f32 v4, v7;
	v0 =	vadd.f32 v0, v2  }
0x51: {  	s31 =	sand.u32 $0x3FFFFF00, s1;
	v2 =	vadd.f32 v6, v9;
	v1 =	vadd.f32 v1, v3  }
0x52: {  	s2 =	smul.u32 $0xC80, s7;
	v3 =	vadd.f32 v5, v4;
	[tilespmem:s31+$0x12C00] =	vst v0  }
0x53: {  	v0 =	vadd.f32 v8, v2;
	[tilespmem:s31+$0x12C10] =	vst v1  }
0x54: {  	s1 =	sshra.s32 s2, $0x2;
	[tilespmem:s31+$0x12C20] =	vst v3  }
0x55: {  	s2 =	sadd.s32 $0x320, s1;
	[tilespmem:s31+$0x12C30] =	vst v0  }
0x56: {  	[tilespmem:s10], [sflag:$0x1] =	stream.indirect.gather [hbm4b:s4+s9], $0x40, s2, s9, $0xb8;
	[tilespmem:$0x14C00] =	vst v63  }
0x57: {  	s13 =	sadd.s32 $0x388, s1  }
0x58: {  	[tilespmem:s12], [sflag:$0x1] =	stream.indirect.gather [hbm4b:s4+s11], $0x40, s13, s11, $0xb8;
	[tilespmem:$0x14C00] =	vst v63  }
0x59: {  	_ =	swait.ge [sflag:s26], $0x1A00  }
0x5a: {  	[sflag:s26] =	ssyncset.done $0x0  }
0x5b: {  	[sflag:s26] =	ssyncadd.s32 $0xFFFFE600  }
0x5c: {  	_ =	swait.ge [sflag:s26], $0x1800  }
0x5d: {  	[sflag:s26] =	ssyncset.done $0x0  }
0x5e: {  	s13 =	simm.s32 $0x96F0;
	[sflag:s26] =	ssyncadd.s32 $0xFFFFE800  }
0x5f: {  	v0 =	vld [tilespmem:s13+$0xFFFFFFD0]  }
0x60: {  	v1 =	vld [tilespmem:s13+$0xFFFFFFE0]  }
0x61: {  	v2 =	vld [tilespmem:s13+$0xFFFFFF90]  }
0x62: {  	v3 =	vld [tilespmem:s13+$0xFFFFFFA0]  }
0x63: {  	v9 =	vld [tilespmem:s13+$0xFFFFFF50]  }
0x64: {  	v12 =	vld [tilespmem:s13+$0xFFFFFF60]  }
0x65: {  	v5 =	vld [tilespmem:s13+$0xFFFFFF10]  }
0x66: {  	v7 =	vld [tilespmem:s13+$0xFFFFFF20]  }
0x67: {  	v10 =	vld [tilespmem:s13+$0xFFFFFF30]  }
0x68: {  	v13 =	vld [tilespmem:s13+$0xFFFFFF40]  }
0x69: {  	v6 =	vld [tilespmem:s13+$0xFFFFFF70]  }
0x6a: {  	v8 =	vld [tilespmem:s13+$0xFFFFFF80]  }
0x6b: {  	v14 =	vimm.f32 $0.0e+00;
	v4 =	vld [tilespmem:s13+$0xFFFFFFB0]  }
0x6c: {  	v15 =	vadd.f32 v5, v14;
	v16 =	vadd.f32 v7, v14;
	v7 =	vld [tilespmem:s13+$0xFFFFFFC0]  }
0x6d: {  	v11 =	vadd.f32 v10, v14;
	v10 =	vadd.f32 v13, v14;
	v5 =	vld [tilespmem:s13+$0xFFFFFFF0]  }
0x6e: {  	s2 =	simm.s32 $0x0;
	v13 =	vadd.f32 v9, v15;
	v12 =	vadd.f32 v12, v16;
	v9 =	vld [tilespmem:s13+$0x0];
	s13 =	simm.s32 $0x97F0  }
.LBB2_6:
0x6f: {  	v14 =	vld [tilespmem:s13+$0xFFFFFFD0];
	v6 =	vadd.f32 v6, v11;
	v8 =	vadd.f32 v8, v10  }
0x70: {  	v10 =	vld [tilespmem:s13+$0xFFFFFFE0];
	v11 =	vadd.f32 v2, v13;
	v12 =	vadd.f32 v3, v12  }
0x71: {  	v2 =	vld [tilespmem:s13+$0xFFFFFF90];
	v4 =	vadd.f32 v4, v6;
	v6 =	vadd.f32 v7, v8  }
0x72: {  	v3 =	vld [tilespmem:s13+$0xFFFFFFA0];
	v7 =	vadd.f32 v0, v11;
	v11 =	vadd.f32 v1, v12  }
0x73: {  	v12 =	vld [tilespmem:s13+$0xFFFFFF50];
	v5 =	vadd.f32 v5, v4;
	v9 =	vadd.f32 v9, v6  }
0x74: {  	v15 =	vld [tilespmem:s13+$0xFFFFFF60];
	v0 =	vmov v14  }
0x75: {  	v13 =	vld [tilespmem:s13+$0xFFFFFF10];
	v1 =	vmov v10  }
0x76: {  	v10 =	vld [tilespmem:s13+$0xFFFFFF20]  }
0x77: {  	v14 =	vld [tilespmem:s13+$0xFFFFFF30]  }
0x78: {  	s2 =	sadd.s32 $0x4, s2;
	v16 =	vld [tilespmem:s13+$0xFFFFFF40]  }
0x79: {  	p0 =	slt.u32 s2, $0xC4;
	v6 =	vld [tilespmem:s13+$0xFFFFFF70]  }
.Ltmp1:
0x7a: {  	v8 =	vld [tilespmem:s13+$0xFFFFFF80];
	(pc) =	sbr.rel @p0 .LBB2_6-.Ltmp1, $4  }
0x7b: {  	v4 =	vld [tilespmem:s13+$0xFFFFFFB0]  }
0x7c: {  	v13 =	vadd.f32 v13, v7;
	v17 =	vadd.f32 v10, v11;
	v7 =	vld [tilespmem:s13+$0xFFFFFFC0]  }
0x7d: {  	v11 =	vadd.f32 v14, v5;
	v10 =	vadd.f32 v16, v9;
	v5 =	vld [tilespmem:s13+$0xFFFFFFF0]  }
0x7e: {  	v13 =	vadd.f32 v12, v13;
	v12 =	vadd.f32 v15, v17;
	v9 =	vld [tilespmem:s13+$0x0];
	s13 =	sadd.s32 $0x100, s13  }
0x7f: {  	_ = 	snop  }
0x80: {  	v6 =	vadd.f32 v6, v11;
	v2 =	vadd.f32 v2, v13  }
0x81: {  	v8 =	vadd.f32 v8, v10;
	v3 =	vadd.f32 v3, v12  }
0x82: {  	v4 =	vadd.f32 v4, v6;
	v0 =	vadd.f32 v0, v2  }
0x83: {  	v2 =	vadd.f32 v7, v8;
	v1 =	vadd.f32 v1, v3  }
0x84: {  	v3 =	vadd.f32 v5, v4;
	[tilespmem:s31+$0x12C40] =	vst v0  }
0x85: {  	v0 =	vadd.f32 v9, v2;
	[tilespmem:s31+$0x12C50] =	vst v1  }
0x86: {  	[tilespmem:s31+$0x12C60] =	vst v3  }
0x87: {  	s2 =	sadd.s32 $0x3E8, s1;
	[tilespmem:s31+$0x12C70] =	vst v0  }
0x88: {  	[tilespmem:s14], [sflag:$0x2] =	stream.indirect.gather [hbm4b:s4+s9], $0x40, s2, s9, $0xb8;
	[tilespmem:$0x14C00] =	vst v63  }
0x89: {  	s13 =	sadd.s32 $0x450, s1  }
0x8a: {  	[tilespmem:s16], [sflag:$0x2] =	stream.indirect.gather [hbm4b:s4+s11], $0x40, s13, s11, $0xb8;
	[tilespmem:$0x14C00] =	vst v63  }
0x8b: {  	_ =	swait.ge [sflag:s28], $0x1A00  }
0x8c: {  	[sflag:s28] =	ssyncset.done $0x0  }
0x8d: {  	[sflag:s28] =	ssyncadd.s32 $0xFFFFE600  }
0x8e: {  	_ =	swait.ge [sflag:s28], $0x1800  }
0x8f: {  	[sflag:s28] =	ssyncset.done $0x0  }
0x90: {  	s13 =	simm.s32 $0xC800;
	[sflag:s28] =	ssyncadd.s32 $0xFFFFE800  }
0x91: {  	v0 =	vld [tilespmem:s13+$0xC0]  }
0x92: {  	v1 =	vld [tilespmem:s13+$0xD0]  }
0x93: {  	v2 =	vld [tilespmem:s13+$0x80]  }
0x94: {  	v3 =	vld [tilespmem:s13+$0x90]  }
0x95: {  	v9 =	vld [tilespmem:s13+$0x40]  }
0x96: {  	v12 =	vld [tilespmem:s13+$0x50]  }
0x97: {  	v5 =	vld [tilespmem:s13+$0x0]  }
0x98: {  	v7 =	vld [tilespmem:s13+$0x10]  }
0x99: {  	v10 =	vld [tilespmem:s13+$0x20]  }
0x9a: {  	v13 =	vld [tilespmem:s13+$0x30]  }
0x9b: {  	v6 =	vld [tilespmem:s13+$0x60]  }
0x9c: {  	v8 =	vld [tilespmem:s13+$0x70]  }
0x9d: {  	v14 =	vimm.f32 $0.0e+00;
	v4 =	vld [tilespmem:s13+$0xA0]  }
0x9e: {  	v15 =	vadd.f32 v5, v14;
	v16 =	vadd.f32 v7, v14;
	v7 =	vld [tilespmem:s13+$0xB0]  }
0x9f: {  	v11 =	vadd.f32 v10, v14;
	v10 =	vadd.f32 v13, v14;
	v5 =	vld [tilespmem:s13+$0xE0]  }
0xa0: {  	s2 =	simm.s32 $0x0;
	v13 =	vadd.f32 v9, v15;
	v12 =	vadd.f32 v12, v16;
	v9 =	vld [tilespmem:s13+$0xF0];
	s13 =	simm.s32 $0xC900  }
.LBB2_8:
0xa1: {  	v14 =	vld [tilespmem:s13+$0xC0];
	v6 =	vadd.f32 v6, v11;
	v8 =	vadd.f32 v8, v10  }
0xa2: {  	v10 =	vld [tilespmem:s13+$0xD0];
	v11 =	vadd.f32 v2, v13;
	v12 =	vadd.f32 v3, v12  }
0xa3: {  	v2 =	vld [tilespmem:s13+$0x80];
	v4 =	vadd.f32 v4, v6;
	v6 =	vadd.f32 v7, v8  }
0xa4: {  	v3 =	vld [tilespmem:s13+$0x90];
	v7 =	vadd.f32 v0, v11;
	v11 =	vadd.f32 v1, v12  }
0xa5: {  	v12 =	vld [tilespmem:s13+$0x40];
	v5 =	vadd.f32 v5, v4;
	v9 =	vadd.f32 v9, v6  }
0xa6: {  	v15 =	vld [tilespmem:s13+$0x50];
	v0 =	vmov v14  }
0xa7: {  	v13 =	vld [tilespmem:s13+$0x0];
	v1 =	vmov v10  }
0xa8: {  	v10 =	vld [tilespmem:s13+$0x10]  }
0xa9: {  	v14 =	vld [tilespmem:s13+$0x20]  }
0xaa: {  	s2 =	sadd.s32 $0x4, s2;
	v16 =	vld [tilespmem:s13+$0x30]  }
0xab: {  	p0 =	slt.u32 s2, $0xC4;
	v6 =	vld [tilespmem:s13+$0x60]  }
.Ltmp2:
0xac: {  	v8 =	vld [tilespmem:s13+$0x70];
	(pc) =	sbr.rel @p0 .LBB2_8-.Ltmp2, $4  }
0xad: {  	v4 =	vld [tilespmem:s13+$0xA0]  }
0xae: {  	v13 =	vadd.f32 v13, v7;
	v17 =	vadd.f32 v10, v11;
	v7 =	vld [tilespmem:s13+$0xB0]  }
0xaf: {  	v11 =	vadd.f32 v14, v5;
	v10 =	vadd.f32 v16, v9;
	v5 =	vld [tilespmem:s13+$0xE0]  }
0xb0: {  	v13 =	vadd.f32 v12, v13;
	v12 =	vadd.f32 v15, v17;
	v9 =	vld [tilespmem:s13+$0xF0];
	s13 =	sadd.s32 $0x100, s13  }
0xb1: {  	_ = 	snop  }
0xb2: {  	v6 =	vadd.f32 v6, v11;
	v2 =	vadd.f32 v2, v13  }
0xb3: {  	v8 =	vadd.f32 v8, v10;
	v3 =	vadd.f32 v3, v12  }
0xb4: {  	v4 =	vadd.f32 v4, v6;
	v0 =	vadd.f32 v0, v2  }
0xb5: {  	v2 =	vadd.f32 v7, v8;
	v1 =	vadd.f32 v1, v3  }
0xb6: {  	v3 =	vadd.f32 v5, v4;
	[tilespmem:s31+$0x12C80] =	vst v0  }
0xb7: {  	v0 =	vadd.f32 v9, v2;
	[tilespmem:s31+$0x12C90] =	vst v1  }
0xb8: {  	[tilespmem:s31+$0x12CA0] =	vst v3  }
0xb9: {  	s2 =	sadd.s32 $0x4B0, s1;
	[tilespmem:s31+$0x12CB0] =	vst v0  }
0xba: {  	[tilespmem:s18], [sflag:$0x3] =	stream.indirect.gather [hbm4b:s4+s9], $0x40, s2, s9, $0xb8;
	[tilespmem:$0x14C00] =	vst v63  }
0xbb: {  	s13 =	sadd.s32 $0x518, s1  }
0xbc: {  	[tilespmem:s20], [sflag:$0x3] =	stream.indirect.gather [hbm4b:s4+s11], $0x40, s13, s11, $0xb8;
	[tilespmem:$0x14C00] =	vst v63  }
0xbd: {  	_ =	swait.ge [sflag:s29], $0x1A00  }
0xbe: {  	[sflag:s29] =	ssyncset.done $0x0  }
0xbf: {  	[sflag:s29] =	ssyncadd.s32 $0xFFFFE600  }
0xc0: {  	_ =	swait.ge [sflag:s29], $0x1800  }
0xc1: {  	[sflag:s29] =	ssyncset.done $0x0  }
0xc2: {  	s13 =	simm.s32 $0xFA00;
	[sflag:s29] =	ssyncadd.s32 $0xFFFFE800  }
0xc3: {  	v0 =	vld [tilespmem:s13+$0xC0]  }
0xc4: {  	v1 =	vld [tilespmem:s13+$0xD0]  }
0xc5: {  	v2 =	vld [tilespmem:s13+$0x80]  }
0xc6: {  	v3 =	vld [tilespmem:s13+$0x90]  }
0xc7: {  	v9 =	vld [tilespmem:s13+$0x40]  }
0xc8: {  	v12 =	vld [tilespmem:s13+$0x50]  }
0xc9: {  	v5 =	vld [tilespmem:s13+$0x0]  }
0xca: {  	v7 =	vld [tilespmem:s13+$0x10]  }
0xcb: {  	v10 =	vld [tilespmem:s13+$0x20]  }
0xcc: {  	v13 =	vld [tilespmem:s13+$0x30]  }
0xcd: {  	v6 =	vld [tilespmem:s13+$0x60]  }
0xce: {  	v8 =	vld [tilespmem:s13+$0x70]  }
0xcf: {  	v14 =	vimm.f32 $0.0e+00;
	v4 =	vld [tilespmem:s13+$0xA0]  }
0xd0: {  	v15 =	vadd.f32 v5, v14;
	v16 =	vadd.f32 v7, v14;
	v7 =	vld [tilespmem:s13+$0xB0]  }
0xd1: {  	v11 =	vadd.f32 v10, v14;
	v10 =	vadd.f32 v13, v14;
	v5 =	vld [tilespmem:s13+$0xE0]  }
0xd2: {  	s2 =	simm.s32 $0x0;
	v13 =	vadd.f32 v9, v15;
	v12 =	vadd.f32 v12, v16;
	v9 =	vld [tilespmem:s13+$0xF0];
	s13 =	simm.s32 $0xFB00  }
.LBB2_10:
0xd3: {  	v14 =	vld [tilespmem:s13+$0xC0];
	v6 =	vadd.f32 v6, v11;
	v8 =	vadd.f32 v8, v10  }
0xd4: {  	v10 =	vld [tilespmem:s13+$0xD0];
	v11 =	vadd.f32 v2, v13;
	v12 =	vadd.f32 v3, v12  }
0xd5: {  	v2 =	vld [tilespmem:s13+$0x80];
	v4 =	vadd.f32 v4, v6;
	v6 =	vadd.f32 v7, v8  }
0xd6: {  	v3 =	vld [tilespmem:s13+$0x90];
	v7 =	vadd.f32 v0, v11;
	v11 =	vadd.f32 v1, v12  }
0xd7: {  	v12 =	vld [tilespmem:s13+$0x40];
	v5 =	vadd.f32 v5, v4;
	v9 =	vadd.f32 v9, v6  }
0xd8: {  	v15 =	vld [tilespmem:s13+$0x50];
	v0 =	vmov v14  }
0xd9: {  	v13 =	vld [tilespmem:s13+$0x0];
	v1 =	vmov v10  }
0xda: {  	v10 =	vld [tilespmem:s13+$0x10]  }
0xdb: {  	v14 =	vld [tilespmem:s13+$0x20]  }
0xdc: {  	s2 =	sadd.s32 $0x4, s2;
	v16 =	vld [tilespmem:s13+$0x30]  }
0xdd: {  	p0 =	slt.u32 s2, $0xC4;
	v6 =	vld [tilespmem:s13+$0x60]  }
.Ltmp3:
0xde: {  	v8 =	vld [tilespmem:s13+$0x70];
	(pc) =	sbr.rel @p0 .LBB2_10-.Ltmp3, $4  }
0xdf: {  	v4 =	vld [tilespmem:s13+$0xA0]  }
0xe0: {  	v13 =	vadd.f32 v13, v7;
	v17 =	vadd.f32 v10, v11;
	v7 =	vld [tilespmem:s13+$0xB0]  }
0xe1: {  	v11 =	vadd.f32 v14, v5;
	v10 =	vadd.f32 v16, v9;
	v5 =	vld [tilespmem:s13+$0xE0]  }
0xe2: {  	v13 =	vadd.f32 v12, v13;
	v12 =	vadd.f32 v15, v17;
	v9 =	vld [tilespmem:s13+$0xF0];
	s13 =	sadd.s32 $0x100, s13  }
0xe3: {  	_ = 	snop  }
0xe4: {  	v6 =	vadd.f32 v6, v11;
	v2 =	vadd.f32 v2, v13  }
0xe5: {  	v8 =	vadd.f32 v8, v10;
	v3 =	vadd.f32 v3, v12  }
0xe6: {  	v4 =	vadd.f32 v4, v6;
	v0 =	vadd.f32 v0, v2  }
0xe7: {  	v61 =	vadd.f32 v7, v8;
	v1 =	vadd.f32 v1, v3  }
0xe8: {  	s7 =	sadd.s32 $0x1, s7;
	v62 =	vadd.f32 v5, v4;
	[tilespmem:s31+$0x12CC0] =	vst v0  }
0xe9: {  	p0 =	sne.s32 s7, $0x1F;
	v63 =	vadd.f32 v9, v61;
	[tilespmem:s31+$0x12CD0] =	vst v1  }
.Ltmp4:
0xea: {  	[tilespmem:s31+$0x12CE0] =	vst v62;
	(pc) =	sbr.rel @p0 .LBB2_3-.Ltmp4, $4  }
0xeb: {  	s2 =	sadd.s32 $0x578, s1;
	[tilespmem:s31+$0x12CF0] =	vst v63  }
0xec: {  	[tilespmem:s22], [sflag:$0x4] =	stream.indirect.gather [hbm4b:s4+s9], $0x40, s2, s9, $0xb8;
	[tilespmem:$0x14C00] =	vst v63  }
0xed: {  	s31 =	sadd.s32 $0x5E0, s1  }
0xee: {  	[tilespmem:s24], [sflag:$0x4] =	stream.indirect.gather [hbm4b:s4+s11], $0x40, s31, s11, $0xb8;
	[tilespmem:$0x14C00] =	vst v63  }
0xef: {  	_ =	swait.ge [sflag:s25], $0x1A00  }
0xf0: {  	[sflag:s25] =	ssyncset.done $0x0  }
0xf1: {  	[sflag:s25] =	ssyncadd.s32 $0xFFFFE600  }
0xf2: {  	_ =	swait.ge [sflag:s25], $0x1800  }
0xf3: {  	[sflag:s25] =	ssyncset.done $0x0  }
0xf4: {  	s2 =	simm.s32 $0x6480;
	[sflag:s25] =	ssyncadd.s32 $0xFFFFE800  }
0xf5: {  	v0 =	vld [tilespmem:s2+$0x40]  }
0xf6: {  	v1 =	vld [tilespmem:s2+$0x50]  }
0xf7: {  	v2 =	vld [tilespmem:s2+$0x0]  }
0xf8: {  	v3 =	vld [tilespmem:s2+$0x10]  }
0xf9: {  	v9 =	vld [tilespmem:s2+$0xFFFFFFC0]  }
0xfa: {  	v12 =	vld [tilespmem:s2+$0xFFFFFFD0]  }
0xfb: {  	v5 =	vld [tilespmem:s2+$0xFFFFFF80]  }
0xfc: {  	v7 =	vld [tilespmem:s2+$0xFFFFFF90]  }
0xfd: {  	v10 =	vld [tilespmem:s2+$0xFFFFFFA0]  }
0xfe: {  	v13 =	vld [tilespmem:s2+$0xFFFFFFB0]  }
0xff: {  	v6 =	vld [tilespmem:s2+$0xFFFFFFE0]  }
0x100: {  	v8 =	vld [tilespmem:s2+$0xFFFFFFF0]  }
0x101: {  	v14 =	vimm.f32 $0.0e+00;
	v4 =	vld [tilespmem:s2+$0x20]  }
0x102: {  	v15 =	vadd.f32 v5, v14;
	v16 =	vadd.f32 v7, v14;
	v7 =	vld [tilespmem:s2+$0x30]  }
0x103: {  	v11 =	vadd.f32 v10, v14;
	v10 =	vadd.f32 v13, v14;
	v5 =	vld [tilespmem:s2+$0x60]  }
0x104: {  	s1 =	simm.s32 $0x0;
	v13 =	vadd.f32 v9, v15;
	v12 =	vadd.f32 v12, v16;
	v9 =	vld [tilespmem:s2+$0x70];
	s2 =	simm.s32 $0x6580  }
.LBB2_13:
0x105: {  	v14 =	vld [tilespmem:s2+$0x40];
	v6 =	vadd.f32 v6, v11;
	v8 =	vadd.f32 v8, v10  }
0x106: {  	v10 =	vld [tilespmem:s2+$0x50];
	v11 =	vadd.f32 v2, v13;
	v12 =	vadd.f32 v3, v12  }
0x107: {  	v2 =	vld [tilespmem:s2+$0x0];
	v4 =	vadd.f32 v4, v6;
	v6 =	vadd.f32 v7, v8  }
0x108: {  	v3 =	vld [tilespmem:s2+$0x10];
	v7 =	vadd.f32 v0, v11;
	v11 =	vadd.f32 v1, v12  }
0x109: {  	v12 =	vld [tilespmem:s2+$0xFFFFFFC0];
	v5 =	vadd.f32 v5, v4;
	v9 =	vadd.f32 v9, v6  }
0x10a: {  	v15 =	vld [tilespmem:s2+$0xFFFFFFD0];
	v0 =	vmov v14  }
0x10b: {  	v13 =	vld [tilespmem:s2+$0xFFFFFF80];
	v1 =	vmov v10  }
0x10c: {  	v10 =	vld [tilespmem:s2+$0xFFFFFF90]  }
0x10d: {  	v14 =	vld [tilespmem:s2+$0xFFFFFFA0]  }
0x10e: {  	s1 =	sadd.s32 $0x4, s1;
	v16 =	vld [tilespmem:s2+$0xFFFFFFB0]  }
0x10f: {  	p0 =	slt.u32 s1, $0xC4;
	v6 =	vld [tilespmem:s2+$0xFFFFFFE0]  }
.Ltmp5:
0x110: {  	v8 =	vld [tilespmem:s2+$0xFFFFFFF0];
	(pc) =	sbr.rel @p0 .LBB2_13-.Ltmp5, $4  }
0x111: {  	v4 =	vld [tilespmem:s2+$0x20]  }
0x112: {  	v13 =	vadd.f32 v13, v7;
	v17 =	vadd.f32 v10, v11;
	v7 =	vld [tilespmem:s2+$0x30]  }
0x113: {  	v11 =	vadd.f32 v14, v5;
	v10 =	vadd.f32 v16, v9;
	v5 =	vld [tilespmem:s2+$0x60]  }
0x114: {  	v13 =	vadd.f32 v12, v13;
	v12 =	vadd.f32 v15, v17;
	v9 =	vld [tilespmem:s2+$0x70];
	s2 =	sadd.s32 $0x100, s2  }
0x115: {  	_ = 	snop  }
0x116: {  	v6 =	vadd.f32 v6, v11;
	v2 =	vadd.f32 v2, v13  }
0x117: {  	v8 =	vadd.f32 v8, v10;
	v3 =	vadd.f32 v3, v12  }
0x118: {  	v4 =	vadd.f32 v4, v6;
	v0 =	vadd.f32 v0, v2  }
0x119: {  	v2 =	vadd.f32 v7, v8;
	v1 =	vadd.f32 v1, v3  }
0x11a: {  	v3 =	vadd.f32 v5, v4;
	[tilespmem:$0x14B00] =	vst v0  }
0x11b: {  	v0 =	vadd.f32 v9, v2;
	[tilespmem:$0x14B10] =	vst v1  }
0x11c: {  	[tilespmem:$0x14B20] =	vst v3  }
0x11d: {  	[tilespmem:$0x14B30] =	vst v0  }
0x11e: {  	_ =	swait.ge [sflag:s26], $0x1A00  }
0x11f: {  	[sflag:s26] =	ssyncset.done $0x0  }
0x120: {  	[sflag:s26] =	ssyncadd.s32 $0xFFFFE600  }
0x121: {  	_ =	swait.ge [sflag:s26], $0x1800  }
0x122: {  	[sflag:s26] =	ssyncset.done $0x0  }
0x123: {  	s2 =	simm.s32 $0x96F0;
	[sflag:s26] =	ssyncadd.s32 $0xFFFFE800  }
0x124: {  	v0 =	vld [tilespmem:s2+$0xFFFFFFD0]  }
0x125: {  	v1 =	vld [tilespmem:s2+$0xFFFFFFE0]  }
0x126: {  	v2 =	vld [tilespmem:s2+$0xFFFFFF90]  }
0x127: {  	v3 =	vld [tilespmem:s2+$0xFFFFFFA0]  }
0x128: {  	v9 =	vld [tilespmem:s2+$0xFFFFFF50]  }
0x129: {  	v12 =	vld [tilespmem:s2+$0xFFFFFF60]  }
0x12a: {  	v5 =	vld [tilespmem:s2+$0xFFFFFF10]  }
0x12b: {  	v7 =	vld [tilespmem:s2+$0xFFFFFF20]  }
0x12c: {  	v10 =	vld [tilespmem:s2+$0xFFFFFF30]  }
0x12d: {  	v13 =	vld [tilespmem:s2+$0xFFFFFF40]  }
0x12e: {  	v6 =	vld [tilespmem:s2+$0xFFFFFF70]  }
0x12f: {  	v8 =	vld [tilespmem:s2+$0xFFFFFF80]  }
0x130: {  	v14 =	vimm.f32 $0.0e+00;
	v4 =	vld [tilespmem:s2+$0xFFFFFFB0]  }
0x131: {  	v15 =	vadd.f32 v5, v14;
	v16 =	vadd.f32 v7, v14;
	v7 =	vld [tilespmem:s2+$0xFFFFFFC0]  }
0x132: {  	v11 =	vadd.f32 v10, v14;
	v10 =	vadd.f32 v13, v14;
	v5 =	vld [tilespmem:s2+$0xFFFFFFF0]  }
0x133: {  	s1 =	simm.s32 $0x0;
	v13 =	vadd.f32 v9, v15;
	v12 =	vadd.f32 v12, v16;
	v9 =	vld [tilespmem:s2+$0x0];
	s2 =	simm.s32 $0x97F0  }
.LBB2_15:
0x134: {  	v14 =	vld [tilespmem:s2+$0xFFFFFFD0];
	v6 =	vadd.f32 v6, v11;
	v8 =	vadd.f32 v8, v10  }
0x135: {  	v10 =	vld [tilespmem:s2+$0xFFFFFFE0];
	v11 =	vadd.f32 v2, v13;
	v12 =	vadd.f32 v3, v12  }
0x136: {  	v2 =	vld [tilespmem:s2+$0xFFFFFF90];
	v4 =	vadd.f32 v4, v6;
	v6 =	vadd.f32 v7, v8  }
0x137: {  	v3 =	vld [tilespmem:s2+$0xFFFFFFA0];
	v7 =	vadd.f32 v0, v11;
	v11 =	vadd.f32 v1, v12  }
0x138: {  	v12 =	vld [tilespmem:s2+$0xFFFFFF50];
	v5 =	vadd.f32 v5, v4;
	v9 =	vadd.f32 v9, v6  }
0x139: {  	v15 =	vld [tilespmem:s2+$0xFFFFFF60];
	v0 =	vmov v14  }
0x13a: {  	v13 =	vld [tilespmem:s2+$0xFFFFFF10];
	v1 =	vmov v10  }
0x13b: {  	v10 =	vld [tilespmem:s2+$0xFFFFFF20]  }
0x13c: {  	v14 =	vld [tilespmem:s2+$0xFFFFFF30]  }
0x13d: {  	s1 =	sadd.s32 $0x4, s1;
	v16 =	vld [tilespmem:s2+$0xFFFFFF40]  }
0x13e: {  	p0 =	slt.u32 s1, $0xC4;
	v6 =	vld [tilespmem:s2+$0xFFFFFF70]  }
.Ltmp6:
0x13f: {  	v8 =	vld [tilespmem:s2+$0xFFFFFF80];
	(pc) =	sbr.rel @p0 .LBB2_15-.Ltmp6, $4  }
0x140: {  	v4 =	vld [tilespmem:s2+$0xFFFFFFB0]  }
0x141: {  	v13 =	vadd.f32 v13, v7;
	v17 =	vadd.f32 v10, v11;
	v7 =	vld [tilespmem:s2+$0xFFFFFFC0]  }
0x142: {  	v11 =	vadd.f32 v14, v5;
	v10 =	vadd.f32 v16, v9;
	v5 =	vld [tilespmem:s2+$0xFFFFFFF0]  }
0x143: {  	v13 =	vadd.f32 v12, v13;
	v12 =	vadd.f32 v15, v17;
	v9 =	vld [tilespmem:s2+$0x0];
	s2 =	sadd.s32 $0x100, s2  }
0x144: {  	_ = 	snop  }
0x145: {  	v6 =	vadd.f32 v6, v11;
	v2 =	vadd.f32 v2, v13  }
0x146: {  	v8 =	vadd.f32 v8, v10;
	v3 =	vadd.f32 v3, v12  }
0x147: {  	v4 =	vadd.f32 v4, v6;
	v0 =	vadd.f32 v0, v2  }
0x148: {  	v2 =	vadd.f32 v7, v8;
	v1 =	vadd.f32 v1, v3  }
0x149: {  	v3 =	vadd.f32 v5, v4;
	[tilespmem:$0x14B40] =	vst v0  }
0x14a: {  	v0 =	vadd.f32 v9, v2;
	[tilespmem:$0x14B50] =	vst v1  }
0x14b: {  	[tilespmem:$0x14B60] =	vst v3  }
0x14c: {  	[tilespmem:$0x14B70] =	vst v0  }
0x14d: {  	_ =	swait.ge [sflag:s28], $0x1A00  }
0x14e: {  	[sflag:s28] =	ssyncset.done $0x0  }
0x14f: {  	[sflag:s28] =	ssyncadd.s32 $0xFFFFE600  }
0x150: {  	_ =	swait.ge [sflag:s28], $0x1800  }
0x151: {  	[sflag:s28] =	ssyncset.done $0x0  }
0x152: {  	s2 =	simm.s32 $0xC800;
	[sflag:s28] =	ssyncadd.s32 $0xFFFFE800  }
0x153: {  	v0 =	vld [tilespmem:s2+$0xC0]  }
0x154: {  	v1 =	vld [tilespmem:s2+$0xD0]  }
0x155: {  	v2 =	vld [tilespmem:s2+$0x80]  }
0x156: {  	v3 =	vld [tilespmem:s2+$0x90]  }
0x157: {  	v9 =	vld [tilespmem:s2+$0x40]  }
0x158: {  	v12 =	vld [tilespmem:s2+$0x50]  }
0x159: {  	v5 =	vld [tilespmem:s2+$0x0]  }
0x15a: {  	v7 =	vld [tilespmem:s2+$0x10]  }
0x15b: {  	v10 =	vld [tilespmem:s2+$0x20]  }
0x15c: {  	v13 =	vld [tilespmem:s2+$0x30]  }
0x15d: {  	v6 =	vld [tilespmem:s2+$0x60]  }
0x15e: {  	v8 =	vld [tilespmem:s2+$0x70]  }
0x15f: {  	v14 =	vimm.f32 $0.0e+00;
	v4 =	vld [tilespmem:s2+$0xA0]  }
0x160: {  	v15 =	vadd.f32 v5, v14;
	v16 =	vadd.f32 v7, v14;
	v7 =	vld [tilespmem:s2+$0xB0]  }
0x161: {  	v11 =	vadd.f32 v10, v14;
	v10 =	vadd.f32 v13, v14;
	v5 =	vld [tilespmem:s2+$0xE0]  }
0x162: {  	s1 =	simm.s32 $0x0;
	v13 =	vadd.f32 v9, v15;
	v12 =	vadd.f32 v12, v16;
	v9 =	vld [tilespmem:s2+$0xF0];
	s2 =	simm.s32 $0xC900  }
.LBB2_17:
0x163: {  	v14 =	vld [tilespmem:s2+$0xC0];
	v6 =	vadd.f32 v6, v11;
	v8 =	vadd.f32 v8, v10  }
0x164: {  	v10 =	vld [tilespmem:s2+$0xD0];
	v11 =	vadd.f32 v2, v13;
	v12 =	vadd.f32 v3, v12  }
0x165: {  	v2 =	vld [tilespmem:s2+$0x80];
	v4 =	vadd.f32 v4, v6;
	v6 =	vadd.f32 v7, v8  }
0x166: {  	v3 =	vld [tilespmem:s2+$0x90];
	v7 =	vadd.f32 v0, v11;
	v11 =	vadd.f32 v1, v12  }
0x167: {  	v12 =	vld [tilespmem:s2+$0x40];
	v5 =	vadd.f32 v5, v4;
	v9 =	vadd.f32 v9, v6  }
0x168: {  	v15 =	vld [tilespmem:s2+$0x50];
	v0 =	vmov v14  }
0x169: {  	v13 =	vld [tilespmem:s2+$0x0];
	v1 =	vmov v10  }
0x16a: {  	v10 =	vld [tilespmem:s2+$0x10]  }
0x16b: {  	v14 =	vld [tilespmem:s2+$0x20]  }
0x16c: {  	s1 =	sadd.s32 $0x4, s1;
	v16 =	vld [tilespmem:s2+$0x30]  }
0x16d: {  	p0 =	slt.u32 s1, $0xC4;
	v6 =	vld [tilespmem:s2+$0x60]  }
.Ltmp7:
0x16e: {  	v8 =	vld [tilespmem:s2+$0x70];
	(pc) =	sbr.rel @p0 .LBB2_17-.Ltmp7, $4  }
0x16f: {  	v4 =	vld [tilespmem:s2+$0xA0]  }
0x170: {  	v13 =	vadd.f32 v13, v7;
	v17 =	vadd.f32 v10, v11;
	v7 =	vld [tilespmem:s2+$0xB0]  }
0x171: {  	v11 =	vadd.f32 v14, v5;
	v10 =	vadd.f32 v16, v9;
	v5 =	vld [tilespmem:s2+$0xE0]  }
0x172: {  	v13 =	vadd.f32 v12, v13;
	v12 =	vadd.f32 v15, v17;
	v9 =	vld [tilespmem:s2+$0xF0];
	s2 =	sadd.s32 $0x100, s2  }
0x173: {  	_ = 	snop  }
0x174: {  	v6 =	vadd.f32 v6, v11;
	v2 =	vadd.f32 v2, v13  }
0x175: {  	v8 =	vadd.f32 v8, v10;
	v3 =	vadd.f32 v3, v12  }
0x176: {  	v4 =	vadd.f32 v4, v6;
	v0 =	vadd.f32 v0, v2  }
0x177: {  	v2 =	vadd.f32 v7, v8;
	v1 =	vadd.f32 v1, v3  }
0x178: {  	v3 =	vadd.f32 v5, v4;
	[tilespmem:$0x14B80] =	vst v0  }
0x179: {  	v0 =	vadd.f32 v9, v2;
	[tilespmem:$0x14B90] =	vst v1  }
0x17a: {  	[tilespmem:$0x14BA0] =	vst v3  }
0x17b: {  	[tilespmem:$0x14BB0] =	vst v0  }
0x17c: {  	_ =	swait.ge [sflag:s29], $0x1A00  }
0x17d: {  	[sflag:s29] =	ssyncset.done $0x0  }
0x17e: {  	[sflag:s29] =	ssyncadd.s32 $0xFFFFE600  }
0x17f: {  	_ =	swait.ge [sflag:s29], $0x1800  }
0x180: {  	[sflag:s29] =	ssyncset.done $0x0  }
0x181: {  	s2 =	simm.s32 $0xFA00;
	[sflag:s29] =	ssyncadd.s32 $0xFFFFE800  }
0x182: {  	v0 =	vld [tilespmem:s2+$0xC0]  }
0x183: {  	v1 =	vld [tilespmem:s2+$0xD0]  }
0x184: {  	v2 =	vld [tilespmem:s2+$0x80]  }
0x185: {  	v3 =	vld [tilespmem:s2+$0x90]  }
0x186: {  	v9 =	vld [tilespmem:s2+$0x40]  }
0x187: {  	v12 =	vld [tilespmem:s2+$0x50]  }
0x188: {  	v5 =	vld [tilespmem:s2+$0x0]  }
0x189: {  	v7 =	vld [tilespmem:s2+$0x10]  }
0x18a: {  	v10 =	vld [tilespmem:s2+$0x20]  }
0x18b: {  	v13 =	vld [tilespmem:s2+$0x30]  }
0x18c: {  	v6 =	vld [tilespmem:s2+$0x60]  }
0x18d: {  	v8 =	vld [tilespmem:s2+$0x70]  }
0x18e: {  	v14 =	vimm.f32 $0.0e+00;
	v4 =	vld [tilespmem:s2+$0xA0]  }
0x18f: {  	v15 =	vadd.f32 v5, v14;
	v16 =	vadd.f32 v7, v14;
	v7 =	vld [tilespmem:s2+$0xB0]  }
0x190: {  	v11 =	vadd.f32 v10, v14;
	v10 =	vadd.f32 v13, v14;
	v5 =	vld [tilespmem:s2+$0xE0]  }
0x191: {  	s1 =	simm.s32 $0x0;
	v13 =	vadd.f32 v9, v15;
	v12 =	vadd.f32 v12, v16;
	v9 =	vld [tilespmem:s2+$0xF0];
	s2 =	simm.s32 $0xFB00  }
.LBB2_19:
0x192: {  	v14 =	vld [tilespmem:s2+$0xC0];
	v6 =	vadd.f32 v6, v11;
	v8 =	vadd.f32 v8, v10  }
0x193: {  	v10 =	vld [tilespmem:s2+$0xD0];
	v11 =	vadd.f32 v2, v13;
	v12 =	vadd.f32 v3, v12  }
0x194: {  	v2 =	vld [tilespmem:s2+$0x80];
	v4 =	vadd.f32 v4, v6;
	v6 =	vadd.f32 v7, v8  }
0x195: {  	v3 =	vld [tilespmem:s2+$0x90];
	v7 =	vadd.f32 v0, v11;
	v11 =	vadd.f32 v1, v12  }
0x196: {  	v12 =	vld [tilespmem:s2+$0x40];
	v5 =	vadd.f32 v5, v4;
	v9 =	vadd.f32 v9, v6  }
0x197: {  	v15 =	vld [tilespmem:s2+$0x50];
	v0 =	vmov v14  }
0x198: {  	v13 =	vld [tilespmem:s2+$0x0];
	v1 =	vmov v10  }
0x199: {  	v10 =	vld [tilespmem:s2+$0x10]  }
0x19a: {  	v14 =	vld [tilespmem:s2+$0x20]  }
0x19b: {  	s1 =	sadd.s32 $0x4, s1;
	v16 =	vld [tilespmem:s2+$0x30]  }
0x19c: {  	p0 =	slt.u32 s1, $0xC4;
	v6 =	vld [tilespmem:s2+$0x60]  }
.Ltmp8:
0x19d: {  	v8 =	vld [tilespmem:s2+$0x70];
	(pc) =	sbr.rel @p0 .LBB2_19-.Ltmp8, $4  }
0x19e: {  	v4 =	vld [tilespmem:s2+$0xA0]  }
0x19f: {  	v13 =	vadd.f32 v13, v7;
	v17 =	vadd.f32 v10, v11;
	v7 =	vld [tilespmem:s2+$0xB0]  }
0x1a0: {  	v11 =	vadd.f32 v14, v5;
	v10 =	vadd.f32 v16, v9;
	v5 =	vld [tilespmem:s2+$0xE0]  }
0x1a1: {  	v13 =	vadd.f32 v12, v13;
	v12 =	vadd.f32 v15, v17;
	v9 =	vld [tilespmem:s2+$0xF0];
	s2 =	sadd.s32 $0x100, s2  }
0x1a2: {  	_ = 	snop  }
0x1a3: {  	v6 =	vadd.f32 v6, v11;
	v2 =	vadd.f32 v2, v13  }
0x1a4: {  	v8 =	vadd.f32 v8, v10;
	v3 =	vadd.f32 v3, v12  }
0x1a5: {  	v4 =	vadd.f32 v4, v6;
	v0 =	vadd.f32 v0, v2  }
0x1a6: {  	v61 =	vadd.f32 v7, v8;
	v1 =	vadd.f32 v1, v3  }
0x1a7: {  	v62 =	vadd.f32 v5, v4;
	[tilespmem:$0x14BC0] =	vst v0  }
0x1a8: {  	s0 =	sadd.s32 $0x1, s0;
	v63 =	vadd.f32 v9, v61;
	[tilespmem:$0x14BD0] =	vst v1  }
0x1a9: {  	s1 =	sshll.u32 s3, $0x3;
	p0 =	sne.s32 s0, $0x4;
	[tilespmem:$0x14BE0] =	vst v62  }
.Ltmp9:
0x1aa: {  	s2 =	simm.s32 $0x0;
	s1 =	sadd.s32 s5, s1;
	[tilespmem:$0x14BF0] =	vst v63;
	(pc) =	sbr.rel @p0 .LBB2_2-.Ltmp9, $4  }
0x1ab: {  	[hbm4b:s1+s2] =	stream.linear.scatter [tilespmem:s30], [sflag:$0x5], $0x2000, $0x38;
	[tilespmem:$0x14C00] =	vst v63  }
0x1ac: {  	_ =	swait.ge [sflag:s8], $0x2000  }
0x1ad: {  	[sflag:s8] =	ssyncset.done $0x0  }
0x1ae: {  	[sflag:s8] =	ssyncadd.s32 $0xFFFFE000  }
0x1af: {  	s1 =	rddreg [dreg:$0x4]  }
0x1b0: {  	s0 =	rddreg [dreg:$0x3];
	s1 =	sadd.s32 $0x1, s1  }
0x1b1: {  	p0 =	sne.s32 s1, s0  }
.Ltmp10:
0x1b2: {  	_ = 	snop;
	(pc) =	sbr.rel @p0 .LBB2_1-.Ltmp10, $1  }
0x1b3: {  	_ =	sdelay $0x3  }
0x1b4: {  	_ =	sfence.sel $0x180000  }
0x1b5: {  	[bflag:$0x0] =	sbarrier.arrive $0xFFFF  }
0x1b6: {  	_ =	strace $0x90000047  }
0x1b7: {  	s0 =	stileid.u32;
	[bflag:$0x2] =	sbarrier.arrive $0xFFFF  }
0x1b8: {  	p0 =	sne.s32 s0, $0x0;
	s0 =	rddreg [dreg:$0x2]  }
0x1b9: {  	s0 =	sadd.s32 @!p0 $0x100000, s0  }
0x1ba: {  	[sflag:s0] =	ssyncadd.tile.s32 @!p0 $0x1;
	_ =	shalt  }
.Lfunc_end2:
_tile_overlayer_lowered:
.L_overlay_start_2:
0x1bb: {  	(tag) =	ssettag $0x2  }
0x1bc: {  	s0 =	rddreg [dreg:$0x0];
	s2 =	stileid.u32  }
0x1bd: {  	s1 =	rddreg [dreg:$0x1];
	p0 =	sne.s32 s2, $0x0  }
0x1be: {  	s3 =	rddreg [dreg:$0x2];
	[bflag:$0x3] =	sbarrier.arrive $0xFFFF;
	s2 =	simm.s32 @!p0 $0x1C05  }
0x1bf: {  	[timem:s3], [sflag:s2] =	dma.local @!p0 [hbm:s0], s1  }
0x1c0: {  	s0 =	simm.s32 @!p0 $0x5  }
0x1c1: {  	_ =	swait.ge @!p0 [sflag:s0], s1  }
0x1c2: {  	s1 =	ssub.s32 @!p0 $0x0, s1;
	[sflag:s0] =	ssyncset.done @!p0 $0x0  }
0x1c3: {  	[sflag:s0] =	ssyncadd.s32 @!p0 s1  }
0x1c4: {  	[bflag:$0x3] =	sbarrier.arrive $0xFFFF  }
0x1c5: {  	_ =	shalt  }

// kernel: sparse-core-data-format-call.cloned.1.call-start
scs
called_computation_lowered:
.L_overlay_start_0:
0x0: {  	s2 =	sld [smem:$0x3FD9]  }
0x1: {  	s3 =	sld [smem:$0x3FFE];
	_ =	sdelay $0x1  }
0x2: {  	s1 =	srdreg.scid  }
0x3: {  	s0 =	sand.u32 $0x1, s1  }
0x4: {  	s18 =	sshll.u32 s0, $0xA;
	s2 =	sadd.s32 s3, s2  }
0x5: {  	s2 =	sadd.s32 s2, s18  }
0x6: {  	[smem:$0x3FC4] =	sst s2  }
0x7: {  	_ = 	snop  }
0x8: {  	s2 =	sld [smem:$0x3FD0];
	(tm) =	ssettm $0x1  }
0x9: {  	s19 =	sld [smem:$0x3FFB];
	_ =	sdelay $0x3  }
0xa: {  	_ =	strace s19  }
0xb: {  	s3 =	sld [smem:$0x3FFC];
	_ =	sdelay $0x3  }
0xc: {  	_ =	strace s3  }
0xd: {  	s3 =	sld [smem:$0x3FFD];
	_ =	sdelay $0x3  }
0xe: {  	_ =	strace s3  }
0xf: {  	_ =	strace $0x8FFFFFFF  }
0x10: {  	s20 =	sld [smem:$0x3FDB];
	_ =	sdelay $0x1  }
0x11: {  	s4 =	simm.s32 $_scs_section_size  }
0x12: {  	s5 =	simm.s32 $_size__tile_overlayer_lowered;
	s6 =	simm.s32 $_tile_overlayer_lowered  }
0x13: {  	s23 =	simm.s32 $0x1BFF;
	s22 =	sshll.u32 s6, $0x1;
	s3 =	sadd.s32 s4, s20  }
0x14: {  	s7 =	simm.s32 $0x0;
	s21 =	sshll.u32 s5, $0x1;
	s5 =	sadd.s32 s22, s3  }
0x15: {  	[timem:s7], [sflag:s23] =	dma.local [hbm:s5], s21  }
0x16: {  	_ =	swait.ge [sflag:s23], s21  }
0x17: {  	s4 =	ssub.s32 $0x0, s21;
	[sflag:s23] =	ssyncset.done $0x0  }
0x18: {  	[sflag:s23] =	ssyncadd.s32 s4;
	_ =	sdelay $0x1  }
0x19: {  	s24 =	simm.s32 $0x1B8B  }
0x1a: {  	_ =	swait.ge [sflag:s24], $0x1  }
0x1b: {  	[sflag:s24] =	ssyncset.done $0x0  }
0x1c: {  	s26 =	simm.s32 $0x1B8E;
	s25 =	sld [smem:$0x3FFE];
	[sflag:s24] =	ssyncadd.s32 $0xFFFFFFFF  }
0x1d: {  	s27 =	simm.s32 $execute0_lowered;
	[smem:$0x3FD2] =	sst s26  }
0x1e: {  	s5 =	sshll.u32 s27, $0x1;
	_ =	strace $0x80000049;
	[dreg:$0x1] =	wrdreg $0xFFFFFFFF  }
0x1f: {  	s28 =	simm.s32 $_size_execute0_lowered;
	s3 =	sadd.s32 s3, s5;
	[dreg:$0x0] =	wrdreg $0x0  }
0x20: {  	s5 =	sshll.u32 s28, $0x1;
	[dreg:$0x2] =	wrdreg s3  }
0x21: {  	[dreg:$0x3] =	wrdreg s5  }
0x22: {  	[dreg:$0x4] =	wrdreg $0xC0  }
0x23: {  	_ =	task [dreg:s7], $0x5FFFF  }
0x24: {  	[dreg:$0x1] =	wrdreg $0xFFFFFFFF  }
0x25: {  	[dreg:$0x0] =	wrdreg $0x60  }
0x26: {  	[dreg:$0x2] =	wrdreg s25  }
0x27: {  	[dreg:$0x3] =	wrdreg s2  }
0x28: {  	[dreg:$0x4] =	wrdreg $0x9  }
0x29: {  	_ =	task.clear_ibuf [dreg:s7], $0x5FFFF;
	_ =	strace $0x90000049  }
0x2a: {  	s29 =	simm.s32 $0x9;
	_ =	strace $0x8000004B  }
0x2b: {  	_ =	swait.ge [sflag:s29], $0x1  }
0x2c: {  	[sflag:s29] =	ssyncadd.s32 $0xFFFFFFFF  }
0x2d: {  	_ =	strace $0x9000004B  }
0x2e: {  	_ =	sfence  }
0x2f: {  	s30 =	sld [smem:$0x0];
	_ =	sdelay $0x2  }
0x30: {  	s31 =	sshll.u32 s1, $0xD;
	s1 =	sshrl.u32 s1, $0x2  }
0x31: {  	s3 =	sand.u32 $0x4000, s31;
	s1 =	sadd.s32 s1, s30  }
0x32: {  	s0 =	sor.u32 s3, s0;
	s1 =	sshll.u32 s1, $0x11  }
0x33: {  	s0 =	sor.u32 s1, s0  }
0x34: {  	s0 =	sadd.s32 $0x8F2B, s0  }
0x35: {  	[sflag:s0] =	ssyncadd.remote.s32 $0x1  }
0x36: {  	_ =	sfence.sel $0xFFFF  }
0x37: {  	[dreg:$0x0] =	wrdreg $0xFFFFFFFF;
	(pc) =	sbr.abs _section_cstart, $3  }
0x38: {  	[dreg:$0x1] =	wrdreg $0xFFFFFFFF  }
0x39: {  	_ =	task.clear_ibuf [dreg:s7], $0x2FFFF;
	_ =	strace $0x9FFFFFFF  }
0x3a: {  	(tm) =	ssettm $0x7FFFFFFF  }
0x3b: {  	_ =	shalt  }
tec
execute0_lowered:
.L_overlay_start_1:
0x0: {  	(tag) =	ssettag $0x1  }
0x1: {  	s0 =	srdreg.scid;
	s5 =	rddreg [dreg:$0x0]  }
0x2: {  	s3 =	rddreg [dreg:$0x1];
	s1 =	sshll.u32 s0, $0x4  }
0x3: {  	s7 =	simm.s32 $0x1;
	s0 =	stileid.u32;
	s1 =	sand.u32 $0x10, s1  }
0x4: {  	s8 =	simm.s32 $0x2;
	s15 =	simm.s32 $0x0;
	s1 =	sor.u32 s0, s1  }
0x5: {  	s14 =	simm.s32 $0x0;
	s9 =	simm.s32 $0x0;
	s2 =	sshll.u32 s1, $0x7  }
0x6: {  	s10 =	simm.s32 $0x0;
	s11 =	simm.s32 $0x0;
	s6 =	ssub.s32 $0x4000, s2  }
0x7: {  	s13 =	simm.s32 $0x0;
	s5 =	sadd.s32 $0xE00, s5;
	s4 =	sand.u32 $0xF80, s6  }
.Ltmp0:
0x8: {  	s1 =	rddreg [dreg:$0x2];
	p0 =	sne.s32 s4, $0x0;
	(pc) =	sbr.rel .LBB1_1-.Ltmp0, $4  }
0x9: {  	_ =	strace $0x8000004A;
	s6 =	sshrl.u32 s6, $0xC;
	s7 =	simm.s32 @!p0 $0x0  }
0xa: {  	s12 =	smov.u32 s2;
	s4 =	simm.s32 $0x1;
	s6 =	sadd.s32 s7, s6  }
0xb: {  	[sflag:s4] =	ssyncpa.u1 $0x0;
	p0 =	por $0x0, $0x0;
	s6 =	sshll.u32 s6, $0x3  }
0xc: {  	[sflag:s8] =	ssyncpa.u1 $0x0;
	s8 =	simm.s32 $0x20000;
	s7 =	sor.u32 $0x1, s6  }
.LBB1_4:
0xd: {  	s20 =	sshra.s32 s20, $0x2  }
0xe: {  	s28 =	sand.u32 $0x78, s10;
	s21 =	sshll.u32 s9, $0xE;
	s22 =	sshll.u32 s10, $0x3  }
0xf: {  	s24 =	sshll.u32 s9, $0x7;
	p1 =	sgt.s32 s9, $0x368;
	s30 =	sshra.s32 s9, $0x1F  }
0x10: {  	s26 =	sshra.s32 s10, $0x1F;
	s19 =	sadd.s32 s20, s19;
	s21 =	sand.u32 $0xFFFE0000, s21  }
0x11: {  	v5 =	vld [tilespmem:s17+$0xFFFFFFD0];
	[tilespmem:s18+$0x2040 ss:$0x81] =	vst.msk $0xffff, v4;
	s23 =	sand.u32 $0xFFFFFC00, s22;
	s29 =	sand.u32 $0x380, s24;
	s22 =	sand.u32 $0x3C00, s22  }
0x12: {  	v58 =	vld [tilespmem:s17+$0xFFFFFFE0];
	[tilespmem:s18+$0x2850 ss:$0x81] =	vst.msk $0xffff, v3;
	s21 =	sadd.s32 s23, s21;
	s20 =	sor.u32 s28, s22;
	s22 =	smov.u32 s9  }
0x13: {  	v59 =	vld [tilespmem:s17+$0xFFFFFFF0];
	[tilespmem:s18+$0x3060 ss:$0x81] =	vst.msk $0xffff, v2;
	s24 =	sand.u32 s30, s9;
	s21 =	sshrl.u32 s21, $0xE;
	s22 =	simm.s32 @!p1 $0x368  }
0x14: {  	v60 =	vld [tilespmem:s17+$0x0];
	[tilespmem:s18+$0x0 ss:$0x81] =	vst.msk $0xffff, v1;
	p1 =	sgt.s32 s10, $0x3F80;
	s31 =	ssub.s32 s22, s24;
	s22 =	smov.u32 s10  }
0x15: {  	v61 =	vld [tilespmem:s17+$0x10];
	[tilespmem:s19+$0x3870 ss:$0x81] =	vst.msk $0xffff, v0;
	s25 =	smulhi.u32 $0x418938, s21;
	s24 =	sand.u32 s26, s10;
	s22 =	simm.s32 @!p1 $0x3F80  }
0x16: {  	v62 =	vld [tilespmem:s17+$0x20];
	s20 =	sor.u32 s29, s20;
	[tilespmem:s19+$0x810 ss:$0x81] =	vst.msk $0xffff, v5;
	s27 =	sadd.s32 $0xFFFFFC98, s31;
	s22 =	ssub.s32 s22, s24  }
0x17: {  	v63 =	vld [tilespmem:s17+$0xFFFFFFC0];
	[tilespmem:s19+$0x1020 ss:$0x81] =	vst.msk $0xffff, v58;
	s18 =	ssub.s32 $0x3E8, s31;
	s28 =	smul.u32 $0x3E8, s25;
	s29 =	sadd.s32 $0xFFFFC080, s22  }
0x18: {  	[tilespmem:s19+$0x1830 ss:$0x81] =	vst.msk $0xffff, v59;
	p1 =	sgt.s32 s27, $0x7F;
	s22 =	ssub.s32 $0x4000, s22;
	p2 =	sgt.s32 s29, $0x7F  }
0x19: {  	s30 =	sand.u32 $0x7, s10;
	[tilespmem:s19+$0x2040 ss:$0x81] =	vst.msk $0xffff, v60;
	s18 =	simm.s32 @p1 $0x0;
	s22 =	simm.s32 @p2 $0x0  }
0x1a: {  	s20 =	sshrl.u32 s20, $0x3;
	[tilespmem:s19+$0x2850 ss:$0x81] =	vst.msk $0xffff, v61;
	s17 =	ssub.s32 s21, s28;
	s18 =	smul.u32 s22, s18  }
0x1b: {  	[tilespmem:s19+$0x3060 ss:$0x81] =	vst.msk $0xffff, v62;
	s20 =	sadd.s32 s3, s20;
	s21 =	sshll.u32 s30, $0x12;
	s17 =	sshll.u32 s17, $0xB  }
0x1c: {  	[tilespmem:s19+$0x0 ss:$0x81] =	vst.msk $0xffff, v63;
	s31 =	sor.u32 $0x400, s21;
	s17 =	sadd.s32 s17, s20;
	s18 =	sand.u32 $0x3FFFFFFF, s18  }
0x1d: {  	[hbm4b:s17+s31] =	stream.strided.scatter [tilespmem:s16], [sflag:$0x2], s18, s8, s31, $0x20;
	[tilespmem:$0x10100] =	vst v63  }
.LBB1_5:
0x1e: {  	p1 =	slt.u32 s13, $0x2  }
0x1f: {  	s17 =	smov.u32 s15;
	p2 =	sgt.s32 @!p1 s15, $0x368;
	s16 =	sshra.s32 @!p1 s15, $0x1F  }
0x20: {  	p3 =	sgt.s32 @!p1 s14, $0x3F80;
	s18 =	sshra.s32 @!p1 s14, $0x1F;
	p2 =	por !p2, p1  }
0x21: {  	s15 =	sand.u32 @!p1 s16, s15;
	p3 =	por !p3, p1;
	s16 =	smov.u32 s14  }
0x22: {  	s14 =	sand.u32 @!p1 s18, s14;
	s17 =	simm.s32 @p2 $0x368;
	s16 =	simm.s32 @p3 $0x3F80  }
0x23: {  	s15 =	ssub.s32 @!p1 s17, s15;
	s14 =	ssub.s32 @!p1 s16, s14  }
0x24: {  	s18 =	smov.u32 s12;
	s16 =	sadd.s32 @!p1 $0xFFFFFC98, s15;
	s17 =	sadd.s32 @!p1 $0xFFFFC080, s14  }
0x25: {  	s15 =	ssub.s32 @!p1 $0x3E8, s15;
	p2 =	sgt.s32 @!p1 s16, $0x7F;
	p3 =	sgt.s32 @!p1 s17, $0x7F  }
0x26: {  	s14 =	ssub.s32 @!p1 $0x4000, s14;
	p2 =	por !p2, p1;
	p3 =	por !p3, p1  }
0x27: {  	s16 =	sadd.s32 $0x80, s11;
	s15 =	simm.s32 @!p2 $0x0;
	s14 =	simm.s32 @!p3 $0x0  }
0x28: {  	p2 =	sgt.s32 s16, $0x3E7;
	s14 =	smul.u32 @!p1 s14, s15;
	s15 =	sadd.s32 $0x1000, s12  }
0x29: {  	s18 =	smov.u32 @p2 s15  }
0x2a: {  	s16 =	simm.s32 @p2 $0x0;
	p2 =	sgt.s32 s18, $0x3FFF  }
0x2b: {  	s18 =	smov.u32 @p2 s2;
	p2 =	sne.s32 s13, s7  }
.Ltmp1:
0x2c: {  	p0 =	por !p0, !p0;
	s17 =	simm.s32 @!p1 $0x2;
	(pc) =	sbr.rel @!p2 .LBB1_6-.Ltmp1, $4  }
0x2d: {  	s15 =	smov.u32 s9;
	s9 =	smov.u32 s11;
	s14 =	sand.u32 @!p1 $0x3FFFFFFF, s14  }
0x2e: {  	s11 =	smov.u32 s16;
	_ =	swait.ge @!p1 [sflag:s17], s14;
	s19 =	ssub.s32 @!p1 $0x0, s14  }
0x2f: {  	s14 =	smov.u32 s10;
	s13 =	sadd.s32 $0x1, s13;
	[sflag:s17] =	ssyncset.done @!p1 $0x0  }
0x30: {  	s10 =	smov.u32 s12;
	s12 =	smov.u32 s18;
	[sflag:s17] =	ssyncadd.s32 @!p1 s19  }
.LBB1_1:
0x31: {  	p1 =	sge.u32 s13, s6  }
0x32: {  	s31 =	sadd.s32 $0xFFFFFFFF, s13;
	s16 =	sshll.u32 @!p1 s12, $0xA  }
0x33: {  	s17 =	sshll.u32 @!p1 s11, $0x3;
	s18 =	sshll.u32 @!p1 s12, $0x7;
	s16 =	sand.u32 @!p1 $0xFFE000, s16  }
0x34: {  	s19 =	sand.u32 @!p1 $0x78, s11;
	s16 =	sadd.s32 @!p1 s16, s17;
	s17 =	sand.u32 @!p1 $0x380, s18  }
0x35: {  	s18 =	sxor.u32 @!p1 $0xFFFFFFFF, s13;
	s16 =	sand.u32 @!p1 $0xFFFC00, s16;
	s17 =	sor.u32 @!p1 s17, s19  }
0x36: {  	s18 =	sshll.u32 @!p1 s18, $0xE;
	s16 =	sor.u32 @!p1 s16, s17;
	s17 =	sand.u32 @!p1 $0x7, s11  }
0x37: {  	s19 =	simm.s32 @!p1 $0x2000;
	s16 =	sshrl.u32 @!p1 s16, $0x3;
	s17 =	sshll.u32 @!p1 s17, $0x12  }
0x38: {  	s18 =	sand.u32 @!p1 $0x4000, s18;
	s16 =	sadd.s32 @!p1 s5, s16;
	s17 =	sor.u32 @!p1 $0x400, s17  }
0x39: {  	[tilespmem:s18], [sflag:$0x1] =	stream.strided.gather @!p1 [hbm4b:s16+s17], $0x4000, s19, s17, $0x38;
	[tilespmem:$0x10100] =	vst v63  }
0x3a: {  	p1 =	sge.u32 s31, s6  }
.Ltmp2:
0x3b: {  	_ = 	snop;
	(pc) =	sbr.rel @p1 .LBB1_5-.Ltmp2, $1  }
0x3c: {  	_ =	sdelay $0x3  }
0x3d: {  	s16 =	simm.s32 $0x1  }
0x3e: {  	_ =	swait.ge [sflag:s4], $0x4000;
	s16 =	simm.s32 @!p0 $0x0  }
0x3f: {  	[sflag:s4] =	ssyncset.done $0x0;
	s17 =	sshll.u32 s16, $0xE  }
0x40: {  	[sflag:s4] =	ssyncadd.s32 $0xFFFFC000;
	s17 =	sor.u32 $0x40, s17  }
0x41: {  	s16 =	smul.u32 $0x10200, s16;
	v0 =	vld [tilespmem:s17+$0x30]  }
0x42: {  	v1 =	vld [tilespmem:s17+$0xFFFFFFD0]  }
0x43: {  	s16 =	sshrl.u32 s16, $0x2;
	v5 =	vld [tilespmem:s17+$0xFFFFFFE0]  }
0x44: {  	v6 =	vld [tilespmem:s17+$0xFFFFFFF0];
	s19 =	sor.u32 $0x8000, s16  }
0x45: {  	s31 =	sand.u32 $0x1, s13;
	v4 =	vld [tilespmem:s17+$0x0];
	s18 =	sadd.s32 $0x0, s19  }
0x46: {  	v3 =	vld [tilespmem:s17+$0x10];
	s16 =	smul.u32 $0x10200, s31;
	[tilespmem:s18+$0x3870 ss:$0x81] =	vst.msk $0xffff, v0  }
0x47: {  	v2 =	vld [tilespmem:s17+$0x20];
	[tilespmem:s18+$0x810 ss:$0x81] =	vst.msk $0xffff, v1  }
0x48: {  	s16 =	sshrl.u32 s16, $0x2;
	v1 =	vld [tilespmem:s17+$0xFFFFFFC0];
	[tilespmem:s18+$0x1020 ss:$0x81] =	vst.msk $0xffff, v5;
	s17 =	sadd.s32 $0x80, s17  }
0x49: {  	s20 =	simm.s32 $0x4;
	s21 =	simm.s32 $0x8;
	s16 =	sor.u32 $0x8000, s16;
	[tilespmem:s18+$0x1830 ss:$0x81] =	vst.msk $0xffff, v6;
	v0 =	vld [tilespmem:s17+$0x30]  }
.LBB1_3:
0x4a: {  	p1 =	sne.s32 s21, $0x1FC;
	v5 =	vld [tilespmem:s17+$0xFFFFFFD0];
	[tilespmem:s18+$0x2040 ss:$0x81] =	vst.msk $0xffff, v4  }
0x4b: {  	v6 =	vld [tilespmem:s17+$0xFFFFFFE0];
	[tilespmem:s18+$0x2850 ss:$0x81] =	vst.msk $0xffff, v3  }
0x4c: {  	s22 =	sshra.s32 s20, $0x2;
	s20 =	smov.u32 s21;
	v7 =	vld [tilespmem:s17+$0xFFFFFFF0];
	[tilespmem:s18+$0x3060 ss:$0x81] =	vst.msk $0xffff, v2  }
.Ltmp3:
0x4d: {  	v4 =	vld [tilespmem:s17+$0x0];
	[tilespmem:s18+$0x0 ss:$0x81] =	vst.msk $0xffff, v1;
	s18 =	sadd.s32 s22, s19;
	(pc) =	sbr.rel @p1 .LBB1_3-.Ltmp3, $4  }
0x4e: {  	v3 =	vld [tilespmem:s17+$0x10];
	[tilespmem:s18+$0x3870 ss:$0x81] =	vst.msk $0xffff, v0  }
0x4f: {  	[tilespmem:s18+$0x810 ss:$0x81] =	vst.msk $0xffff, v5;
	v2 =	vld [tilespmem:s17+$0x20]  }
0x50: {  	v1 =	vld [tilespmem:s17+$0xFFFFFFC0];
	[tilespmem:s18+$0x1020 ss:$0x81] =	vst.msk $0xffff, v6;
	s17 =	sadd.s32 $0x80, s17  }
0x51: {  	s21 =	sadd.s32 $0x4, s21;
	v0 =	vld [tilespmem:s17+$0x30];
	[tilespmem:s18+$0x1830 ss:$0x81] =	vst.msk $0xffff, v7  }
.Ltmp4:
0x52: {  	_ = 	snop;
	(pc) =	sbr.rel .LBB1_4-.Ltmp4, $1  }
0x53: {  	_ =	sdelay $0x3  }
.LBB1_6:
0x54: {  	_ =	sfence.sel $0x180000  }
0x55: {  	s2 =	simm.s32 $0x1;
	[bflag:$0x0] =	sbarrier.arrive $0xFFFF  }
0x56: {  	s31 =	simm.s32 $0x2;
	[sflag:s2] =	ssyncpa.u1 $0x1  }
0x57: {  	[sflag:s31] =	ssyncpa.u1 $0x1  }
0x58: {  	p0 =	sne.s32 s0, $0x0;
	_ =	strace $0x9000004A  }
0x59: {  	s0 =	sadd.s32 @!p0 $0x100000, s1;
	[bflag:$0x2] =	sbarrier.arrive $0xFFFF  }
0x5a: {  	[sflag:s0] =	ssyncadd.tile.s32 @!p0 $0x1;
	_ =	shalt  }
.Lfunc_end1:
_tile_overlayer_lowered:
.L_overlay_start_2:
0x5b: {  	(tag) =	ssettag $0x2  }
0x5c: {  	s0 =	rddreg [dreg:$0x0];
	s2 =	stileid.u32  }
0x5d: {  	s1 =	rddreg [dreg:$0x1];
	p0 =	sne.s32 s2, $0x0  }
0x5e: {  	s3 =	rddreg [dreg:$0x2];
	[bflag:$0x3] =	sbarrier.arrive $0xFFFF;
	s2 =	simm.s32 @!p0 $0x1C01  }
0x5f: {  	[timem:s3], [sflag:s2] =	dma.local @!p0 [hbm:s0], s1  }
0x60: {  	s0 =	simm.s32 @!p0 $0x1  }
0x61: {  	_ =	swait.ge @!p0 [sflag:s0], s1  }
0x62: {  	s1 =	ssub.s32 @!p0 $0x0, s1;
	[sflag:s0] =	ssyncset.done @!p0 $0x0  }
0x63: {  	[sflag:s0] =	ssyncadd.s32 @!p0 s1  }
0x64: {  	[bflag:$0x3] =	sbarrier.arrive $0xFFFF  }
0x65: {  	_ =	shalt  }

</sc_bundles>
